<compile_context>
chip_gen: v7x
topology: tpu7x:2x2x1
jax: 0.10.2.dev20260603
libtpu: 0.0.44.dev20260713+nightly
codegen_flags: <defaults>
</compile_context>

<pallas_src>
import functools

import jax
import jax.numpy as jnp
from jax import lax
from jax.experimental import pallas as pl
from jax.experimental.pallas import tpu as pltpu
from jax.experimental.pallas import tpu_sc as plsc

B = 4
C = 96
PH = 96
PW = 384
H = 384
W = 384
N = PH * PW
P = B * N

NUM_WORKERS = 32
PTS_PER_WORKER = P // NUM_WORKERS
KCHUNK = 96
ROUNDS = PTS_PER_WORKER // KCHUNK


H_BLK = 16


def _transpose_in_body(src_ref, dst_ref):
    dst_ref[0] = jnp.transpose(src_ref[0])


def _transpose_in(grid_feat):
    return pl.pallas_call(
        _transpose_in_body,
        grid=(B, H // H_BLK),
        in_specs=[pl.BlockSpec((1, C, H_BLK * W), lambda b, h: (b, 0, h))],
        out_specs=pl.BlockSpec((1, H_BLK * W, C), lambda b, h: (b, h, 0)),
        out_shape=jax.ShapeDtypeStruct((B, H * W, C), jnp.float32),
    )(grid_feat.reshape(B, C, H * W))



ROWS_PER_BATCH = N // 128


def _prep_body(gx_ref, gy_ref, w_ref, i_ref):
    b = pl.program_id(0)
    gx = gx_ref[0]
    gy = gy_ref[0]
    x = (gx + 1.0) * ((W - 1) / 2.0)
    y = (gy + 1.0) * ((H - 1) / 2.0)
    x0 = jnp.floor(x)
    y0 = jnp.floor(y)
    wx1 = x - x0
    wx0 = 1.0 - wx1
    wy1 = y - y0
    wy0 = 1.0 - wy1
    x1 = x0 + 1.0
    y1 = y0 + 1.0

    def inb(xf, yf):
        ok = (xf >= 0.0) & (xf <= W - 1.0) & (yf >= 0.0) & (yf <= H - 1.0)
        return ok.astype(jnp.float32)

    def rowidx(xf, yf):
        xi = jnp.clip(xf, 0.0, W - 1.0).astype(jnp.int32)
        yi = jnp.clip(yf, 0.0, H - 1.0).astype(jnp.int32)
        return b * (H * W) + yi * W + xi

    w_ref[...] = jnp.stack(
        [wx0 * wy0 * inb(x0, y0),
         wx1 * wy0 * inb(x1, y0),
         wx0 * wy1 * inb(x0, y1),
         wx1 * wy1 * inb(x1, y1)], axis=0)[:, None]
    i_ref[...] = jnp.stack(
        [rowidx(x0, y0), rowidx(x1, y0), rowidx(x0, y1), rowidx(x1, y1)],
        axis=0)[:, None]


def _prep(gx, gy):
    return pl.pallas_call(
        _prep_body,
        grid=(B,),
        in_specs=[
            pl.BlockSpec((1, ROWS_PER_BATCH, 128), lambda b: (b, 0, 0)),
            pl.BlockSpec((1, ROWS_PER_BATCH, 128), lambda b: (b, 0, 0)),
        ],
        out_specs=[
            pl.BlockSpec((4, 1, ROWS_PER_BATCH, 128), lambda b: (0, b, 0, 0)),
            pl.BlockSpec((4, 1, ROWS_PER_BATCH, 128), lambda b: (0, b, 0, 0)),
        ],
        out_shape=[
            jax.ShapeDtypeStruct((4, B, ROWS_PER_BATCH, 128), jnp.float32),
            jax.ShapeDtypeStruct((4, B, ROWS_PER_BATCH, 128), jnp.int32),
        ],
    )(gx, gy)



def _sc_gather_body(table_hbm, idx_hbm, w_hbm, out_hbm, *scratch):
    idx_v = [scratch[0:4], scratch[4:8]]
    w_v = [scratch[8:12], scratch[12:16]]
    rows_v = [scratch[16], scratch[17]]
    out_v = [scratch[18], scratch[19]]
    sem_i = [scratch[20], scratch[21]]
    sem_g = [scratch[22], scratch[23]]
    sem_o = [scratch[24], scratch[25]]
    wid = lax.axis_index("s") * 2 + lax.axis_index("c")
    base = wid * PTS_PER_WORKER

    def fetch_iw(r, ph):
        pb = base + r * KCHUNK
        for t in range(4):
            pltpu.async_copy(idx_hbm.at[t, pl.ds(pb, KCHUNK)], idx_v[ph][t],
                             sem_i[ph])
            pltpu.async_copy(w_hbm.at[t, pl.ds(pb, KCHUNK)], w_v[ph][t],
                             sem_i[ph])

    def wait_iw(ph):
        for t in range(4):
            pltpu.make_async_copy(idx_hbm.at[0, pl.ds(0, KCHUNK)],
                                  idx_v[ph][t], sem_i[ph]).wait()
            pltpu.make_async_copy(w_hbm.at[0, pl.ds(0, KCHUNK)],
                                  w_v[ph][t], sem_i[ph]).wait()

    def fire_gathers(ph):
        for t in range(4):
            pltpu.async_copy(table_hbm.at[idx_v[ph][t]], rows_v[ph].at[t],
                             sem_g[ph])

    def wait_gathers(ph):
        for t in range(4):
            pltpu.make_async_copy(table_hbm.at[idx_v[ph][t]],
                                  rows_v[ph].at[t], sem_g[ph]).wait()

    def drain_out(ph):
        pltpu.make_async_copy(out_v[ph], out_hbm.at[pl.ds(0, KCHUNK)],
                              sem_o[ph]).wait()

    def compute(ph):
        rows = rows_v[ph]
        out = out_v[ph]
        wv = w_v[ph]

        def two_points(ki, _):
            for kk in range(2):
                k = ki * 2 + kk
                ksplat = jnp.zeros((16,), jnp.int32) + k
                w0 = plsc.load_gather(wv[0], [ksplat])
                w1 = plsc.load_gather(wv[1], [ksplat])
                w2 = plsc.load_gather(wv[2], [ksplat])
                w3 = plsc.load_gather(wv[3], [ksplat])
                for c6 in range(C // 16):
                    sl = pl.ds(c6 * 16, 16)
                    acc = rows[0, k, sl] * w0
                    acc = acc + rows[1, k, sl] * w1
                    acc = acc + rows[2, k, sl] * w2
                    acc = acc + rows[3, k, sl] * w3
                    out[k, sl] = acc
            return 0

        lax.fori_loop(0, KCHUNK // 2, two_points, 0)

    fetch_iw(0, 0)
    wait_iw(0)
    fire_gathers(0)

    def two_rounds(i, _):
        for ph in range(2):
            r = 2 * i + ph

            @pl.when(r + 1 < ROUNDS)
            def _():
                fetch_iw(r + 1, 1 - ph)
                wait_iw(1 - ph)
                fire_gathers(1 - ph)

            wait_gathers(ph)

            @pl.when(r >= 2)
            def _():
                drain_out(ph)

            compute(ph)
            pltpu.async_copy(out_v[ph], out_hbm.at[pl.ds(base + r * KCHUNK,
                                                         KCHUNK)], sem_o[ph])
        return 0

    lax.fori_loop(0, ROUNDS // 2, two_rounds, 0)
    drain_out(0)
    drain_out(1)


def _sc_gather(table, idx4, w4):
    mesh = plsc.VectorSubcoreMesh(core_axis_name="c", subcore_axis_name="s")
    fn = functools.partial(
        pl.kernel,
        out_type=jax.ShapeDtypeStruct((P, C), jnp.float32),
        mesh=mesh,
        compiler_params=pltpu.CompilerParams(
            needs_layout_passes=False, use_tc_tiling_on_sc=False),
        scratch_types=(
            [pltpu.VMEM((KCHUNK,), jnp.int32) for _ in range(8)]
            + [pltpu.VMEM((KCHUNK,), jnp.float32) for _ in range(8)]
            + [pltpu.VMEM((4, KCHUNK, C), jnp.float32) for _ in range(2)]
            + [pltpu.VMEM((KCHUNK, C), jnp.float32) for _ in range(2)]
            + [pltpu.SemaphoreType.DMA for _ in range(6)]
        ),
    )(_sc_gather_body)
    return fn(table, idx4, w4)



Y_BLK = 24


def _transpose_out_body(src_ref, dst_ref):
    for y in range(Y_BLK):
        dst_ref[0, :, y, :] = jnp.transpose(src_ref[0, y])


def _transpose_out(out_nc):
    return pl.pallas_call(
        _transpose_out_body,
        grid=(B, PH // Y_BLK),
        in_specs=[pl.BlockSpec((1, Y_BLK, PW, C), lambda b, y: (b, y, 0, 0))],
        out_specs=pl.BlockSpec((1, C, Y_BLK, PW), lambda b, y: (b, 0, y, 0)),
        out_shape=jax.ShapeDtypeStruct((B, C, PH, PW), jnp.float32),
    )(out_nc.reshape(B, PH, PW, C))



def kernel(grid_feat, ref_feat, grid_index, grid_xy):
    table = _transpose_in(grid_feat).reshape(B * H * W, C)
    del ref_feat, grid_xy
    gx = grid_index[..., 0].reshape(B, ROWS_PER_BATCH, 128)
    gy = grid_index[..., 1].reshape(B, ROWS_PER_BATCH, 128)
    w4, i4 = _prep(gx, gy)
    out_nc = _sc_gather(table, i4.reshape(4, P), w4.reshape(4, P))
    return _transpose_out(out_nc)

# --- scband reference (transcript-rebuilt; emitter-appended) ---
"""Pipeline reference for scband-cart2-polar-7043746365526 (READ-ONLY COPY).

The authoritative reference and input builder live on the scoring server;
editing this copy changes nothing except your own understanding.
"""

import jax, jax.numpy as jnp
import numpy as np

B = 4
C = 96
PH = 96
PW = 384
CART = 384
CDG = 3.0


def _make_grids():
    yy, xx = np.meshgrid(np.arange(PH, dtype=np.float32), np.arange(PW, dtype=np.float32), indexing='ij')
    theta = np.pi - xx / PW * np.pi * 2.0
    r = (PH - 0.5 - yy + CDG) / (PH + CDG) * (CART / 2.0)
    index_x = r * np.cos(theta) + CART / 2.0
    index_y = r * np.sin(theta) + CART / 2.0
    g = np.stack((index_x, index_y), axis=-1).reshape(-1, 2)[None, :, None, :] / CART * 2.0 - 1.0
    grid_index = np.repeat(g.astype(np.float32), B, axis=0)  # [B, PH*PW, 1, 2]
    yyi, xxi = np.meshgrid(np.arange(PH), np.arange(PW), indexing='ij')
    xy = np.stack((yyi, xxi), axis=-1).reshape(-1, 2)
    bi = np.repeat(np.arange(B), xy.shape[0])[:, None]
    grid_xy = np.concatenate([bi, np.tile(xy, (B, 1))], axis=1).astype(np.int32)  # [B*PH*PW, 3]
    return jnp.asarray(grid_index), jnp.asarray(grid_xy)


def setup_inputs(seed: int = 0):
    key = jax.random.key(seed)
    k1, k2 = jax.random.split(key)
    grid_feat = jax.random.normal(k1, (B, C, CART, CART), dtype=jnp.float32)
    ref_feat = jax.random.normal(k2, (B, C, PH, PW), dtype=jnp.float32)
    grid_index, grid_xy = _make_grids()
    return {"grid_feat": grid_feat, "ref_feat": ref_feat, "grid_index": grid_index, "grid_xy": grid_xy}


def _grid_sample_bilinear(img, grid):
    # img: [B, C, H, W]; grid: [B, N, 1, 2] with (x, y) in [-1, 1]; align_corners=True, zeros padding
    Bb, Cc, H, W = img.shape
    gx = grid[..., 0].reshape(Bb, -1)
    gy = grid[..., 1].reshape(Bb, -1)
    x = (gx + 1.0) * (W - 1) / 2.0
    y = (gy + 1.0) * (H - 1) / 2.0
    x0 = jnp.floor(x)
    x1 = x0 + 1.0
    y0 = jnp.floor(y)
    y1 = y0 + 1.0
    wx1 = x - x0
    wx0 = 1.0 - wx1
    wy1 = y - y0
    wy0 = 1.0 - wy1

    def in_bounds(xi, yi):
        return ((xi >= 0) & (xi <= W - 1) & (yi >= 0) & (yi <= H - 1)).astype(img.dtype)

    def per_batch(imb, x0b, x1b, y0b, y1b, wx0b, wx1b, wy0b, wy1b):
        def gather(xi, yi):
            xi_c = jnp.clip(xi, 0, W - 1).astype(jnp.int32)
            yi_c = jnp.clip(yi, 0, H - 1).astype(jnp.int32)
            return imb[:, yi_c, xi_c]  # [C, N]
        v = gather(x0b, y0b) * (wx0b * wy0b * in_bounds(x0b, y0b))
        v = v + gather(x1b, y0b) * (wx1b * wy0b * in_bounds(x1b, y0b))
        v = v + gather(x0b, y1b) * (wx0b * wy1b * in_bounds(x0b, y1b))
        v = v + gather(x1b, y1b) * (wx1b * wy1b * in_bounds(x1b, y1b))
        return v

    out = jax.vmap(per_batch)(img, x0, x1, y0, y1, wx0, wx1, wy0, wy1)  # [B, C, N]
    return out.reshape(Bb, Cc, -1, 1)


def reference(grid_feat, ref_feat, grid_index, grid_xy):
    Bb = ref_feat.shape[0]
    Cc = ref_feat.shape[1]
    sampled = _grid_sample_bilinear(grid_feat, grid_index[:Bb])  # [B, C, N, 1]
    vals = jnp.transpose(sampled, (0, 2, 1, 3)).reshape(-1, Cc)  # [B*N, C]
    length_per = grid_xy.shape[0] // grid_index.shape[0]
    length = length_per * Bb
    bi = grid_xy[:length, 0]
    yi = grid_xy[:length, 1]
    xi = grid_xy[:length, 2]
    polar_feat = ref_feat.at[bi, :, yi, xi].set(vals)
    return polar_feat

if __name__ == "__main__":
    import jax
    _d = setup_inputs()
    print(jax.jit(kernel)(*tuple(_d.values())))

</pallas_src>

<mosaic_0001>
#map = affine_map<(d0, d1) -> (0, 0)>
module attributes {stable_mosaic.version = 14 : i64} {
  func.func @_sc_gather_body(%arg0: i32, %arg1: i32, %arg2: memref<589824x96xf32, #tpu.memory_space<hbm>>, %arg3: memref<4x147456xi32, #tpu.memory_space<hbm>>, %arg4: memref<4x147456xf32, #tpu.memory_space<hbm>>, %arg5: memref<147456x96xf32, #tpu.memory_space<hbm>>, %arg6: memref<96xi32, #tpu.memory_space<vmem>>, %arg7: memref<96xi32, #tpu.memory_space<vmem>>, %arg8: memref<96xi32, #tpu.memory_space<vmem>>, %arg9: memref<96xi32, #tpu.memory_space<vmem>>, %arg10: memref<96xi32, #tpu.memory_space<vmem>>, %arg11: memref<96xi32, #tpu.memory_space<vmem>>, %arg12: memref<96xi32, #tpu.memory_space<vmem>>, %arg13: memref<96xi32, #tpu.memory_space<vmem>>, %arg14: memref<96xf32, #tpu.memory_space<vmem>>, %arg15: memref<96xf32, #tpu.memory_space<vmem>>, %arg16: memref<96xf32, #tpu.memory_space<vmem>>, %arg17: memref<96xf32, #tpu.memory_space<vmem>>, %arg18: memref<96xf32, #tpu.memory_space<vmem>>, %arg19: memref<96xf32, #tpu.memory_space<vmem>>, %arg20: memref<96xf32, #tpu.memory_space<vmem>>, %arg21: memref<96xf32, #tpu.memory_space<vmem>>, %arg22: memref<4x96x96xf32, #tpu.memory_space<vmem>>, %arg23: memref<4x96x96xf32, #tpu.memory_space<vmem>>, %arg24: memref<96x96xf32, #tpu.memory_space<vmem>>, %arg25: memref<96x96xf32, #tpu.memory_space<vmem>>, %arg26: memref<!tpu.dma_semaphore, #tpu.memory_space<semaphore_mem>>, %arg27: memref<!tpu.dma_semaphore, #tpu.memory_space<semaphore_mem>>, %arg28: memref<!tpu.dma_semaphore, #tpu.memory_space<semaphore_mem>>, %arg29: memref<!tpu.dma_semaphore, #tpu.memory_space<semaphore_mem>>, %arg30: memref<!tpu.dma_semaphore, #tpu.memory_space<semaphore_mem>>, %arg31: memref<!tpu.dma_semaphore, #tpu.memory_space<semaphore_mem>>) attributes {dimension_semantics = [#tpu.dimension_semantics<core_parallel>, #tpu.dimension_semantics<subcore_parallel>], iteration_bounds = array<i64: 2, 16>, scalar_prefetch = 0 : i64, scratch_operands = 26 : i64, tpu.core_type = #tpu.core_type<sc_vector_subcore>, window_params = [{transform_indices = #map}, {transform_indices = #map}, {transform_indices = #map}, {transform_indices = #map}]} {
    %mul3A = arith.constant 2 : i32
    %mul3A_0 = arith.muli %arg1, %mul3A : i32
    %add3A = arith.addi %mul3A_0, %arg0 : i32
    %mul3A_1 = arith.constant 4608 : i32
    %mul3A_2 = arith.muli %add3A, %mul3A_1 : i32
    %add3A_3 = arith.constant 0 : i32
    %add3A_4 = arith.addi %mul3A_2, %add3A_3 : i32
    %dma_start3A = arith.constant 0 : i32
    %dma_start3A_5 = tpu.memref_slice %arg3[%dma_start3A, %add3A_4] : memref<4x147456xi32, #tpu.memory_space<hbm>> -> memref<1x96xi32, #tpu.memory_space<hbm>>
    %dma_start3A_6 = tpu.memref_squeeze %dma_start3A_5 : memref<1x96xi32, #tpu.memory_space<hbm>> -> memref<96xi32, #tpu.memory_space<hbm>>
    %dma_start3A_7 = tpu.memref_slice %arg3[%dma_start3A, %add3A_4] : memref<4x147456xi32, #tpu.memory_space<hbm>> -> memref<1x96xi32, #tpu.memory_space<hbm>>
    %dma_start3A_8 = tpu.memref_squeeze %dma_start3A_7 : memref<1x96xi32, #tpu.memory_space<hbm>> -> memref<96xi32, #tpu.memory_space<hbm>>
    tpu.enqueue_dma source(%dma_start3A_8 : memref<96xi32, #tpu.memory_space<hbm>>) target(%arg6 : memref<96xi32, #tpu.memory_space<vmem>>) target_semaphore(%arg26 : memref<!tpu.dma_semaphore, #tpu.memory_space<semaphore_mem>>)
    %dma_start3A_9 = arith.constant 0 : i32
    %dma_start3A_10 = tpu.memref_slice %arg4[%dma_start3A_9, %add3A_4] : memref<4x147456xf32, #tpu.memory_space<hbm>> -> memref<1x96xf32, #tpu.memory_space<hbm>>
    %dma_start3A_11 = tpu.memref_squeeze %dma_start3A_10 : memref<1x96xf32, #tpu.memory_space<hbm>> -> memref<96xf32, #tpu.memory_space<hbm>>
    %dma_start3A_12 = tpu.memref_slice %arg4[%dma_start3A_9, %add3A_4] : memref<4x147456xf32, #tpu.memory_space<hbm>> -> memref<1x96xf32, #tpu.memory_space<hbm>>
    %dma_start3A_13 = tpu.memref_squeeze %dma_start3A_12 : memref<1x96xf32, #tpu.memory_space<hbm>> -> memref<96xf32, #tpu.memory_space<hbm>>
    tpu.enqueue_dma source(%dma_start3A_13 : memref<96xf32, #tpu.memory_space<hbm>>) target(%arg14 : memref<96xf32, #tpu.memory_space<vmem>>) target_semaphore(%arg26 : memref<!tpu.dma_semaphore, #tpu.memory_space<semaphore_mem>>)
    %dma_start3A_14 = arith.constant 1 : i32
    %dma_start3A_15 = tpu.memref_slice %arg3[%dma_start3A_14, %add3A_4] : memref<4x147456xi32, #tpu.memory_space<hbm>> -> memref<1x96xi32, #tpu.memory_space<hbm>>
    %dma_start3A_16 = tpu.memref_squeeze %dma_start3A_15 : memref<1x96xi32, #tpu.memory_space<hbm>> -> memref<96xi32, #tpu.memory_space<hbm>>
    %dma_start3A_17 = tpu.memref_slice %arg3[%dma_start3A_14, %add3A_4] : memref<4x147456xi32, #tpu.memory_space<hbm>> -> memref<1x96xi32, #tpu.memory_space<hbm>>
    %dma_start3A_18 = tpu.memref_squeeze %dma_start3A_17 : memref<1x96xi32, #tpu.memory_space<hbm>> -> memref<96xi32, #tpu.memory_space<hbm>>
    tpu.enqueue_dma source(%dma_start3A_18 : memref<96xi32, #tpu.memory_space<hbm>>) target(%arg7 : memref<96xi32, #tpu.memory_space<vmem>>) target_semaphore(%arg26 : memref<!tpu.dma_semaphore, #tpu.memory_space<semaphore_mem>>)
    %dma_start3A_19 = arith.constant 1 : i32
    %dma_start3A_20 = tpu.memref_slice %arg4[%dma_start3A_19, %add3A_4] : memref<4x147456xf32, #tpu.memory_space<hbm>> -> memref<1x96xf32, #tpu.memory_space<hbm>>
    %dma_start3A_21 = tpu.memref_squeeze %dma_start3A_20 : memref<1x96xf32, #tpu.memory_space<hbm>> -> memref<96xf32, #tpu.memory_space<hbm>>
    %dma_start3A_22 = tpu.memref_slice %arg4[%dma_start3A_19, %add3A_4] : memref<4x147456xf32, #tpu.memory_space<hbm>> -> memref<1x96xf32, #tpu.memory_space<hbm>>
    %dma_start3A_23 = tpu.memref_squeeze %dma_start3A_22 : memref<1x96xf32, #tpu.memory_space<hbm>> -> memref<96xf32, #tpu.memory_space<hbm>>
    tpu.enqueue_dma source(%dma_start3A_23 : memref<96xf32, #tpu.memory_space<hbm>>) target(%arg15 : memref<96xf32, #tpu.memory_space<vmem>>) target_semaphore(%arg26 : memref<!tpu.dma_semaphore, #tpu.memory_space<semaphore_mem>>)
    %dma_start3A_24 = arith.constant 2 : i32
    %dma_start3A_25 = tpu.memref_slice %arg3[%dma_start3A_24, %add3A_4] : memref<4x147456xi32, #tpu.memory_space<hbm>> -> memref<1x96xi32, #tpu.memory_space<hbm>>
    %dma_start3A_26 = tpu.memref_squeeze %dma_start3A_25 : memref<1x96xi32, #tpu.memory_space<hbm>> -> memref<96xi32, #tpu.memory_space<hbm>>
    %dma_start3A_27 = tpu.memref_slice %arg3[%dma_start3A_24, %add3A_4] : memref<4x147456xi32, #tpu.memory_space<hbm>> -> memref<1x96xi32, #tpu.memory_space<hbm>>
    %dma_start3A_28 = tpu.memref_squeeze %dma_start3A_27 : memref<1x96xi32, #tpu.memory_space<hbm>> -> memref<96xi32, #tpu.memory_space<hbm>>
    tpu.enqueue_dma source(%dma_start3A_28 : memref<96xi32, #tpu.memory_space<hbm>>) target(%arg8 : memref<96xi32, #tpu.memory_space<vmem>>) target_semaphore(%arg26 : memref<!tpu.dma_semaphore, #tpu.memory_space<semaphore_mem>>)
    %dma_start3A_29 = arith.constant 2 : i32
    %dma_start3A_30 = tpu.memref_slice %arg4[%dma_start3A_29, %add3A_4] : memref<4x147456xf32, #tpu.memory_space<hbm>> -> memref<1x96xf32, #tpu.memory_space<hbm>>
    %dma_start3A_31 = tpu.memref_squeeze %dma_start3A_30 : memref<1x96xf32, #tpu.memory_space<hbm>> -> memref<96xf32, #tpu.memory_space<hbm>>
    %dma_start3A_32 = tpu.memref_slice %arg4[%dma_start3A_29, %add3A_4] : memref<4x147456xf32, #tpu.memory_space<hbm>> -> memref<1x96xf32, #tpu.memory_space<hbm>>
    %dma_start3A_33 = tpu.memref_squeeze %dma_start3A_32 : memref<1x96xf32, #tpu.memory_space<hbm>> -> memref<96xf32, #tpu.memory_space<hbm>>
    tpu.enqueue_dma source(%dma_start3A_33 : memref<96xf32, #tpu.memory_space<hbm>>) target(%arg16 : memref<96xf32, #tpu.memory_space<vmem>>) target_semaphore(%arg26 : memref<!tpu.dma_semaphore, #tpu.memory_space<semaphore_mem>>)
    %dma_start3A_34 = arith.constant 3 : i32
    %dma_start3A_35 = tpu.memref_slice %arg3[%dma_start3A_34, %add3A_4] : memref<4x147456xi32, #tpu.memory_space<hbm>> -> memref<1x96xi32, #tpu.memory_space<hbm>>
    %dma_start3A_36 = tpu.memref_squeeze %dma_start3A_35 : memref<1x96xi32, #tpu.memory_space<hbm>> -> memref<96xi32, #tpu.memory_space<hbm>>
    %dma_start3A_37 = tpu.memref_slice %arg3[%dma_start3A_34, %add3A_4] : memref<4x147456xi32, #tpu.memory_space<hbm>> -> memref<1x96xi32, #tpu.memory_space<hbm>>
    %dma_start3A_38 = tpu.memref_squeeze %dma_start3A_37 : memref<1x96xi32, #tpu.memory_space<hbm>> -> memref<96xi32, #tpu.memory_space<hbm>>
    tpu.enqueue_dma source(%dma_start3A_38 : memref<96xi32, #tpu.memory_space<hbm>>) target(%arg9 : memref<96xi32, #tpu.memory_space<vmem>>) target_semaphore(%arg26 : memref<!tpu.dma_semaphore, #tpu.memory_space<semaphore_mem>>)
    %dma_start3A_39 = arith.constant 3 : i32
    %dma_start3A_40 = tpu.memref_slice %arg4[%dma_start3A_39, %add3A_4] : memref<4x147456xf32, #tpu.memory_space<hbm>> -> memref<1x96xf32, #tpu.memory_space<hbm>>
    %dma_start3A_41 = tpu.memref_squeeze %dma_start3A_40 : memref<1x96xf32, #tpu.memory_space<hbm>> -> memref<96xf32, #tpu.memory_space<hbm>>
    %dma_start3A_42 = tpu.memref_slice %arg4[%dma_start3A_39, %add3A_4] : memref<4x147456xf32, #tpu.memory_space<hbm>> -> memref<1x96xf32, #tpu.memory_space<hbm>>
    %dma_start3A_43 = tpu.memref_squeeze %dma_start3A_42 : memref<1x96xf32, #tpu.memory_space<hbm>> -> memref<96xf32, #tpu.memory_space<hbm>>
    tpu.enqueue_dma source(%dma_start3A_43 : memref<96xf32, #tpu.memory_space<hbm>>) target(%arg17 : memref<96xf32, #tpu.memory_space<vmem>>) target_semaphore(%arg26 : memref<!tpu.dma_semaphore, #tpu.memory_space<semaphore_mem>>)
    %dma_wait3A = arith.constant 0 : i32
    %dma_wait3A_44 = arith.constant 0 : i32
    %dma_wait3A_45 = tpu.memref_slice %arg3[%dma_wait3A, %dma_wait3A_44] : memref<4x147456xi32, #tpu.memory_space<hbm>> -> memref<1x96xi32, #tpu.memory_space<hbm>>
    %dma_wait3A_46 = tpu.memref_squeeze %dma_wait3A_45 : memref<1x96xi32, #tpu.memory_space<hbm>> -> memref<96xi32, #tpu.memory_space<hbm>>
    %dma_wait3A_47 = arith.constant 0 : i32
    %dma_wait3A_48 = tpu.memref_slice %arg3[%dma_wait3A, %dma_wait3A_47] : memref<4x147456xi32, #tpu.memory_space<hbm>> -> memref<1x96xi32, #tpu.memory_space<hbm>>
    %dma_wait3A_49 = tpu.memref_squeeze %dma_wait3A_48 : memref<1x96xi32, #tpu.memory_space<hbm>> -> memref<96xi32, #tpu.memory_space<hbm>>
    tpu.wait_dma2 semaphore(%arg26 : memref<!tpu.dma_semaphore, #tpu.memory_space<semaphore_mem>>) src(%dma_wait3A_49 : memref<96xi32, #tpu.memory_space<hbm>>) dst(%arg6 : memref<96xi32, #tpu.memory_space<vmem>>)
    %dma_wait3A_50 = arith.constant 0 : i32
    %dma_wait3A_51 = arith.constant 0 : i32
    %dma_wait3A_52 = tpu.memref_slice %arg4[%dma_wait3A_50, %dma_wait3A_51] : memref<4x147456xf32, #tpu.memory_space<hbm>> -> memref<1x96xf32, #tpu.memory_space<hbm>>
    %dma_wait3A_53 = tpu.memref_squeeze %dma_wait3A_52 : memref<1x96xf32, #tpu.memory_space<hbm>> -> memref<96xf32, #tpu.memory_space<hbm>>
    %dma_wait3A_54 = arith.constant 0 : i32
    %dma_wait3A_55 = tpu.memref_slice %arg4[%dma_wait3A_50, %dma_wait3A_54] : memref<4x147456xf32, #tpu.memory_space<hbm>> -> memref<1x96xf32, #tpu.memory_space<hbm>>
    %dma_wait3A_56 = tpu.memref_squeeze %dma_wait3A_55 : memref<1x96xf32, #tpu.memory_space<hbm>> -> memref<96xf32, #tpu.memory_space<hbm>>
    tpu.wait_dma2 semaphore(%arg26 : memref<!tpu.dma_semaphore, #tpu.memory_space<semaphore_mem>>) src(%dma_wait3A_56 : memref<96xf32, #tpu.memory_space<hbm>>) dst(%arg14 : memref<96xf32, #tpu.memory_space<vmem>>)
    %dma_wait3A_57 = arith.constant 0 : i32
    %dma_wait3A_58 = arith.constant 0 : i32
    %dma_wait3A_59 = tpu.memref_slice %arg3[%dma_wait3A_57, %dma_wait3A_58] : memref<4x147456xi32, #tpu.memory_space<hbm>> -> memref<1x96xi32, #tpu.memory_space<hbm>>
    %dma_wait3A_60 = tpu.memref_squeeze %dma_wait3A_59 : memref<1x96xi32, #tpu.memory_space<hbm>> -> memref<96xi32, #tpu.memory_space<hbm>>
    %dma_wait3A_61 = arith.constant 0 : i32
    %dma_wait3A_62 = tpu.memref_slice %arg3[%dma_wait3A_57, %dma_wait3A_61] : memref<4x147456xi32, #tpu.memory_space<hbm>> -> memref<1x96xi32, #tpu.memory_space<hbm>>
    %dma_wait3A_63 = tpu.memref_squeeze %dma_wait3A_62 : memref<1x96xi32, #tpu.memory_space<hbm>> -> memref<96xi32, #tpu.memory_space<hbm>>
    tpu.wait_dma2 semaphore(%arg26 : memref<!tpu.dma_semaphore, #tpu.memory_space<semaphore_mem>>) src(%dma_wait3A_63 : memref<96xi32, #tpu.memory_space<hbm>>) dst(%arg7 : memref<96xi32, #tpu.memory_space<vmem>>)
    %dma_wait3A_64 = arith.constant 0 : i32
    %dma_wait3A_65 = arith.constant 0 : i32
    %dma_wait3A_66 = tpu.memref_slice %arg4[%dma_wait3A_64, %dma_wait3A_65] : memref<4x147456xf32, #tpu.memory_space<hbm>> -> memref<1x96xf32, #tpu.memory_space<hbm>>
    %dma_wait3A_67 = tpu.memref_squeeze %dma_wait3A_66 : memref<1x96xf32, #tpu.memory_space<hbm>> -> memref<96xf32, #tpu.memory_space<hbm>>
    %dma_wait3A_68 = arith.constant 0 : i32
    %dma_wait3A_69 = tpu.memref_slice %arg4[%dma_wait3A_64, %dma_wait3A_68] : memref<4x147456xf32, #tpu.memory_space<hbm>> -> memref<1x96xf32, #tpu.memory_space<hbm>>
    %dma_wait3A_70 = tpu.memref_squeeze %dma_wait3A_69 : memref<1x96xf32, #tpu.memory_space<hbm>> -> memref<96xf32, #tpu.memory_space<hbm>>
    tpu.wait_dma2 semaphore(%arg26 : memref<!tpu.dma_semaphore, #tpu.memory_space<semaphore_mem>>) src(%dma_wait3A_70 : memref<96xf32, #tpu.memory_space<hbm>>) dst(%arg15 : memref<96xf32, #tpu.memory_space<vmem>>)
    %dma_wait3A_71 = arith.constant 0 : i32
    %dma_wait3A_72 = arith.constant 0 : i32
    %dma_wait3A_73 = tpu.memref_slice %arg3[%dma_wait3A_71, %dma_wait3A_72] : memref<4x147456xi32, #tpu.memory_space<hbm>> -> memref<1x96xi32, #tpu.memory_space<hbm>>
    %dma_wait3A_74 = tpu.memref_squeeze %dma_wait3A_73 : memref<1x96xi32, #tpu.memory_space<hbm>> -> memref<96xi32, #tpu.memory_space<hbm>>
    %dma_wait3A_75 = arith.constant 0 : i32
    %dma_wait3A_76 = tpu.memref_slice %arg3[%dma_wait3A_71, %dma_wait3A_75] : memref<4x147456xi32, #tpu.memory_space<hbm>> -> memref<1x96xi32, #tpu.memory_space<hbm>>
    %dma_wait3A_77 = tpu.memref_squeeze %dma_wait3A_76 : memref<1x96xi32, #tpu.memory_space<hbm>> -> memref<96xi32, #tpu.memory_space<hbm>>
    tpu.wait_dma2 semaphore(%arg26 : memref<!tpu.dma_semaphore, #tpu.memory_space<semaphore_mem>>) src(%dma_wait3A_77 : memref<96xi32, #tpu.memory_space<hbm>>) dst(%arg8 : memref<96xi32, #tpu.memory_space<vmem>>)
    %dma_wait3A_78 = arith.constant 0 : i32
    %dma_wait3A_79 = arith.constant 0 : i32
    %dma_wait3A_80 = tpu.memref_slice %arg4[%dma_wait3A_78, %dma_wait3A_79] : memref<4x147456xf32, #tpu.memory_space<hbm>> -> memref<1x96xf32, #tpu.memory_space<hbm>>
    %dma_wait3A_81 = tpu.memref_squeeze %dma_wait3A_80 : memref<1x96xf32, #tpu.memory_space<hbm>> -> memref<96xf32, #tpu.memory_space<hbm>>
    %dma_wait3A_82 = arith.constant 0 : i32
    %dma_wait3A_83 = tpu.memref_slice %arg4[%dma_wait3A_78, %dma_wait3A_82] : memref<4x147456xf32, #tpu.memory_space<hbm>> -> memref<1x96xf32, #tpu.memory_space<hbm>>
    %dma_wait3A_84 = tpu.memref_squeeze %dma_wait3A_83 : memref<1x96xf32, #tpu.memory_space<hbm>> -> memref<96xf32, #tpu.memory_space<hbm>>
    tpu.wait_dma2 semaphore(%arg26 : memref<!tpu.dma_semaphore, #tpu.memory_space<semaphore_mem>>) src(%dma_wait3A_84 : memref<96xf32, #tpu.memory_space<hbm>>) dst(%arg16 : memref<96xf32, #tpu.memory_space<vmem>>)
    %dma_wait3A_85 = arith.constant 0 : i32
    %dma_wait3A_86 = arith.constant 0 : i32
    %dma_wait3A_87 = tpu.memref_slice %arg3[%dma_wait3A_85, %dma_wait3A_86] : memref<4x147456xi32, #tpu.memory_space<hbm>> -> memref<1x96xi32, #tpu.memory_space<hbm>>
    %dma_wait3A_88 = tpu.memref_squeeze %dma_wait3A_87 : memref<1x96xi32, #tpu.memory_space<hbm>> -> memref<96xi32, #tpu.memory_space<hbm>>
    %dma_wait3A_89 = arith.constant 0 : i32
    %dma_wait3A_90 = tpu.memref_slice %arg3[%dma_wait3A_85, %dma_wait3A_89] : memref<4x147456xi32, #tpu.memory_space<hbm>> -> memref<1x96xi32, #tpu.memory_space<hbm>>
    %dma_wait3A_91 = tpu.memref_squeeze %dma_wait3A_90 : memref<1x96xi32, #tpu.memory_space<hbm>> -> memref<96xi32, #tpu.memory_space<hbm>>
    tpu.wait_dma2 semaphore(%arg26 : memref<!tpu.dma_semaphore, #tpu.memory_space<semaphore_mem>>) src(%dma_wait3A_91 : memref<96xi32, #tpu.memory_space<hbm>>) dst(%arg9 : memref<96xi32, #tpu.memory_space<vmem>>)
    %dma_wait3A_92 = arith.constant 0 : i32
    %dma_wait3A_93 = arith.constant 0 : i32
    %dma_wait3A_94 = tpu.memref_slice %arg4[%dma_wait3A_92, %dma_wait3A_93] : memref<4x147456xf32, #tpu.memory_space<hbm>> -> memref<1x96xf32, #tpu.memory_space<hbm>>
    %dma_wait3A_95 = tpu.memref_squeeze %dma_wait3A_94 : memref<1x96xf32, #tpu.memory_space<hbm>> -> memref<96xf32, #tpu.memory_space<hbm>>
    %dma_wait3A_96 = arith.constant 0 : i32
    %dma_wait3A_97 = tpu.memref_slice %arg4[%dma_wait3A_92, %dma_wait3A_96] : memref<4x147456xf32, #tpu.memory_space<hbm>> -> memref<1x96xf32, #tpu.memory_space<hbm>>
    %dma_wait3A_98 = tpu.memref_squeeze %dma_wait3A_97 : memref<1x96xf32, #tpu.memory_space<hbm>> -> memref<96xf32, #tpu.memory_space<hbm>>
    tpu.wait_dma2 semaphore(%arg26 : memref<!tpu.dma_semaphore, #tpu.memory_space<semaphore_mem>>) src(%dma_wait3A_98 : memref<96xf32, #tpu.memory_space<hbm>>) dst(%arg17 : memref<96xf32, #tpu.memory_space<vmem>>)
    %dma_start3A_99 = arith.constant 0 : i32
    %dma_start3A_100 = arith.constant 0 : i32
    %dma_start3A_101 = arith.constant 0 : i32
    %dma_start3A_102 = tpu.memref_slice %arg22[%dma_start3A_99, %dma_start3A_100, %dma_start3A_101] : memref<4x96x96xf32, #tpu.memory_space<vmem>> -> memref<1x96x96xf32, #tpu.memory_space<vmem>>
    %dma_start3A_103 = tpu.memref_squeeze %dma_start3A_102 : memref<1x96x96xf32, #tpu.memory_space<vmem>> -> memref<96x96xf32, #tpu.memory_space<vmem>>
    %dma_start3A_104 = arith.constant 0 : i32
    %dma_start3A_105 = arith.constant 0 : i32
    %dma_start3A_106 = tpu.memref_slice %arg2[%dma_start3A_104, %dma_start3A_105] : memref<589824x96xf32, #tpu.memory_space<hbm>> -> memref<589824x96xf32, #tpu.memory_space<hbm>>
    tpu.enqueue_indirect_dma source(%dma_start3A_106 : memref<589824x96xf32, #tpu.memory_space<hbm>>) target(%dma_start3A_103 : memref<96x96xf32, #tpu.memory_space<vmem>>) offsets(%arg6 : memref<96xi32, #tpu.memory_space<vmem>>) semaphore(%arg28 : memref<!tpu.dma_semaphore, #tpu.memory_space<semaphore_mem>>)
    %dma_start3A_107 = arith.constant 1 : i32
    %dma_start3A_108 = arith.constant 0 : i32
    %dma_start3A_109 = arith.constant 0 : i32
    %dma_start3A_110 = tpu.memref_slice %arg22[%dma_start3A_107, %dma_start3A_108, %dma_start3A_109] : memref<4x96x96xf32, #tpu.memory_space<vmem>> -> memref<1x96x96xf32, #tpu.memory_space<vmem>>
    %dma_start3A_111 = tpu.memref_squeeze %dma_start3A_110 : memref<1x96x96xf32, #tpu.memory_space<vmem>> -> memref<96x96xf32, #tpu.memory_space<vmem>>
    %dma_start3A_112 = arith.constant 0 : i32
    %dma_start3A_113 = arith.constant 0 : i32
    %dma_start3A_114 = tpu.memref_slice %arg2[%dma_start3A_112, %dma_start3A_113] : memref<589824x96xf32, #tpu.memory_space<hbm>> -> memref<589824x96xf32, #tpu.memory_space<hbm>>
    tpu.enqueue_indirect_dma source(%dma_start3A_114 : memref<589824x96xf32, #tpu.memory_space<hbm>>) target(%dma_start3A_111 : memref<96x96xf32, #tpu.memory_space<vmem>>) offsets(%arg7 : memref<96xi32, #tpu.memory_space<vmem>>) semaphore(%arg28 : memref<!tpu.dma_semaphore, #tpu.memory_space<semaphore_mem>>)
    %dma_start3A_115 = arith.constant 2 : i32
    %dma_start3A_116 = arith.constant 0 : i32
    %dma_start3A_117 = arith.constant 0 : i32
    %dma_start3A_118 = tpu.memref_slice %arg22[%dma_start3A_115, %dma_start3A_116, %dma_start3A_117] : memref<4x96x96xf32, #tpu.memory_space<vmem>> -> memref<1x96x96xf32, #tpu.memory_space<vmem>>
    %dma_start3A_119 = tpu.memref_squeeze %dma_start3A_118 : memref<1x96x96xf32, #tpu.memory_space<vmem>> -> memref<96x96xf32, #tpu.memory_space<vmem>>
    %dma_start3A_120 = arith.constant 0 : i32
    %dma_start3A_121 = arith.constant 0 : i32
    %dma_start3A_122 = tpu.memref_slice %arg2[%dma_start3A_120, %dma_start3A_121] : memref<589824x96xf32, #tpu.memory_space<hbm>> -> memref<589824x96xf32, #tpu.memory_space<hbm>>
    tpu.enqueue_indirect_dma source(%dma_start3A_122 : memref<589824x96xf32, #tpu.memory_space<hbm>>) target(%dma_start3A_119 : memref<96x96xf32, #tpu.memory_space<vmem>>) offsets(%arg8 : memref<96xi32, #tpu.memory_space<vmem>>) semaphore(%arg28 : memref<!tpu.dma_semaphore, #tpu.memory_space<semaphore_mem>>)
    %dma_start3A_123 = arith.constant 3 : i32
    %dma_start3A_124 = arith.constant 0 : i32
    %dma_start3A_125 = arith.constant 0 : i32
    %dma_start3A_126 = tpu.memref_slice %arg22[%dma_start3A_123, %dma_start3A_124, %dma_start3A_125] : memref<4x96x96xf32, #tpu.memory_space<vmem>> -> memref<1x96x96xf32, #tpu.memory_space<vmem>>
    %dma_start3A_127 = tpu.memref_squeeze %dma_start3A_126 : memref<1x96x96xf32, #tpu.memory_space<vmem>> -> memref<96x96xf32, #tpu.memory_space<vmem>>
    %dma_start3A_128 = arith.constant 0 : i32
    %dma_start3A_129 = arith.constant 0 : i32
    %dma_start3A_130 = tpu.memref_slice %arg2[%dma_start3A_128, %dma_start3A_129] : memref<589824x96xf32, #tpu.memory_space<hbm>> -> memref<589824x96xf32, #tpu.memory_space<hbm>>
    tpu.enqueue_indirect_dma source(%dma_start3A_130 : memref<589824x96xf32, #tpu.memory_space<hbm>>) target(%dma_start3A_127 : memref<96x96xf32, #tpu.memory_space<vmem>>) offsets(%arg9 : memref<96xi32, #tpu.memory_space<vmem>>) semaphore(%arg28 : memref<!tpu.dma_semaphore, #tpu.memory_space<semaphore_mem>>)
    %scan3A = arith.constant 0 : i32
    %scan3A_131 = arith.constant 0 : i32
    %scan3A_132 = arith.constant 24 : i32
    %scan3A_133 = arith.addi %scan3A_131, %scan3A_132 : i32
    %scan3A_134 = arith.constant 1 : i32
    %scan3A_135 = scf.for %scan3A_149 = %scan3A_131 to %scan3A_133 step %scan3A_134 iter_args(%scan3A_150 = %scan3A) -> (i32)  : i32 {
      %mul3A_151 = arith.constant 2 : i32
      %mul3A_152 = arith.muli %mul3A_151, %scan3A_149 : i32
      %add3A_153 = arith.constant 0 : i32
      %add3A_154 = arith.addi %mul3A_152, %add3A_153 : i32
      %add3A_155 = arith.constant 1 : i32
      %add3A_156 = arith.addi %add3A_154, %add3A_155 : i32
      %lt3A = arith.constant 48 : i32
      %lt3A_157 = arith.cmpi slt, %add3A_156, %lt3A : i32
      %convert_element_type3A = arith.extui %lt3A_157 : i1 to i32
      %cond3A = arith.constant 0 : i32
      %cond3A_158 = arith.cmpi ne, %convert_element_type3A, %cond3A : i32
      scf.if %cond3A_158 {
        %add3A_272 = arith.constant 1 : i32
        %add3A_273 = arith.addi %add3A_154, %add3A_272 : i32
        %mul3A_274 = arith.constant 96 : i32
        %mul3A_275 = arith.muli %add3A_273, %mul3A_274 : i32
        %add3A_276 = arith.addi %mul3A_2, %mul3A_275 : i32
        %dma_start3A_277 = arith.constant 0 : i32
        %dma_start3A_278 = tpu.memref_slice %arg3[%dma_start3A_277, %add3A_276] : memref<4x147456xi32, #tpu.memory_space<hbm>> -> memref<1x96xi32, #tpu.memory_space<hbm>>
        %dma_start3A_279 = tpu.memref_squeeze %dma_start3A_278 : memref<1x96xi32, #tpu.memory_space<hbm>> -> memref<96xi32, #tpu.memory_space<hbm>>
        %dma_start3A_280 = tpu.memref_slice %arg3[%dma_start3A_277, %add3A_276] : memref<4x147456xi32, #tpu.memory_space<hbm>> -> memref<1x96xi32, #tpu.memory_space<hbm>>
        %dma_start3A_281 = tpu.memref_squeeze %dma_start3A_280 : memref<1x96xi32, #tpu.memory_space<hbm>> -> memref<96xi32, #tpu.memory_space<hbm>>
        tpu.enqueue_dma source(%dma_start3A_281 : memref<96xi32, #tpu.memory_space<hbm>>) target(%arg10 : memref<96xi32, #tpu.memory_space<vmem>>) target_semaphore(%arg27 : memref<!tpu.dma_semaphore, #tpu.memory_space<semaphore_mem>>)
        %dma_start3A_282 = arith.constant 0 : i32
        %dma_start3A_283 = tpu.memref_slice %arg4[%dma_start3A_282, %add3A_276] : memref<4x147456xf32, #tpu.memory_space<hbm>> -> memref<1x96xf32, #tpu.memory_space<hbm>>
        %dma_start3A_284 = tpu.memref_squeeze %dma_start3A_283 : memref<1x96xf32, #tpu.memory_space<hbm>> -> memref<96xf32, #tpu.memory_space<hbm>>
        %dma_start3A_285 = tpu.memref_slice %arg4[%dma_start3A_282, %add3A_276] : memref<4x147456xf32, #tpu.memory_space<hbm>> -> memref<1x96xf32, #tpu.memory_space<hbm>>
        %dma_start3A_286 = tpu.memref_squeeze %dma_start3A_285 : memref<1x96xf32, #tpu.memory_space<hbm>> -> memref<96xf32, #tpu.memory_space<hbm>>
        tpu.enqueue_dma source(%dma_start3A_286 : memref<96xf32, #tpu.memory_space<hbm>>) target(%arg18 : memref<96xf32, #tpu.memory_space<vmem>>) target_semaphore(%arg27 : memref<!tpu.dma_semaphore, #tpu.memory_space<semaphore_mem>>)
        %dma_start3A_287 = arith.constant 1 : i32
        %dma_start3A_288 = tpu.memref_slice %arg3[%dma_start3A_287, %add3A_276] : memref<4x147456xi32, #tpu.memory_space<hbm>> -> memref<1x96xi32, #tpu.memory_space<hbm>>
        %dma_start3A_289 = tpu.memref_squeeze %dma_start3A_288 : memref<1x96xi32, #tpu.memory_space<hbm>> -> memref<96xi32, #tpu.memory_space<hbm>>
        %dma_start3A_290 = tpu.memref_slice %arg3[%dma_start3A_287, %add3A_276] : memref<4x147456xi32, #tpu.memory_space<hbm>> -> memref<1x96xi32, #tpu.memory_space<hbm>>
        %dma_start3A_291 = tpu.memref_squeeze %dma_start3A_290 : memref<1x96xi32, #tpu.memory_space<hbm>> -> memref<96xi32, #tpu.memory_space<hbm>>
        tpu.enqueue_dma source(%dma_start3A_291 : memref<96xi32, #tpu.memory_space<hbm>>) target(%arg11 : memref<96xi32, #tpu.memory_space<vmem>>) target_semaphore(%arg27 : memref<!tpu.dma_semaphore, #tpu.memory_space<semaphore_mem>>)
        %dma_start3A_292 = arith.constant 1 : i32
        %dma_start3A_293 = tpu.memref_slice %arg4[%dma_start3A_292, %add3A_276] : memref<4x147456xf32, #tpu.memory_space<hbm>> -> memref<1x96xf32, #tpu.memory_space<hbm>>
        %dma_start3A_294 = tpu.memref_squeeze %dma_start3A_293 : memref<1x96xf32, #tpu.memory_space<hbm>> -> memref<96xf32, #tpu.memory_space<hbm>>
        %dma_start3A_295 = tpu.memref_slice %arg4[%dma_start3A_292, %add3A_276] : memref<4x147456xf32, #tpu.memory_space<hbm>> -> memref<1x96xf32, #tpu.memory_space<hbm>>
        %dma_start3A_296 = tpu.memref_squeeze %dma_start3A_295 : memref<1x96xf32, #tpu.memory_space<hbm>> -> memref<96xf32, #tpu.memory_space<hbm>>
        tpu.enqueue_dma source(%dma_start3A_296 : memref<96xf32, #tpu.memory_space<hbm>>) target(%arg19 : memref<96xf32, #tpu.memory_space<vmem>>) target_semaphore(%arg27 : memref<!tpu.dma_semaphore, #tpu.memory_space<semaphore_mem>>)
        %dma_start3A_297 = arith.constant 2 : i32
        %dma_start3A_298 = tpu.memref_slice %arg3[%dma_start3A_297, %add3A_276] : memref<4x147456xi32, #tpu.memory_space<hbm>> -> memref<1x96xi32, #tpu.memory_space<hbm>>
        %dma_start3A_299 = tpu.memref_squeeze %dma_start3A_298 : memref<1x96xi32, #tpu.memory_space<hbm>> -> memref<96xi32, #tpu.memory_space<hbm>>
        %dma_start3A_300 = tpu.memref_slice %arg3[%dma_start3A_297, %add3A_276] : memref<4x147456xi32, #tpu.memory_space<hbm>> -> memref<1x96xi32, #tpu.memory_space<hbm>>
        %dma_start3A_301 = tpu.memref_squeeze %dma_start3A_300 : memref<1x96xi32, #tpu.memory_space<hbm>> -> memref<96xi32, #tpu.memory_space<hbm>>
        tpu.enqueue_dma source(%dma_start3A_301 : memref<96xi32, #tpu.memory_space<hbm>>) target(%arg12 : memref<96xi32, #tpu.memory_space<vmem>>) target_semaphore(%arg27 : memref<!tpu.dma_semaphore, #tpu.memory_space<semaphore_mem>>)
        %dma_start3A_302 = arith.constant 2 : i32
        %dma_start3A_303 = tpu.memref_slice %arg4[%dma_start3A_302, %add3A_276] : memref<4x147456xf32, #tpu.memory_space<hbm>> -> memref<1x96xf32, #tpu.memory_space<hbm>>
        %dma_start3A_304 = tpu.memref_squeeze %dma_start3A_303 : memref<1x96xf32, #tpu.memory_space<hbm>> -> memref<96xf32, #tpu.memory_space<hbm>>
        %dma_start3A_305 = tpu.memref_slice %arg4[%dma_start3A_302, %add3A_276] : memref<4x147456xf32, #tpu.memory_space<hbm>> -> memref<1x96xf32, #tpu.memory_space<hbm>>
        %dma_start3A_306 = tpu.memref_squeeze %dma_start3A_305 : memref<1x96xf32, #tpu.memory_space<hbm>> -> memref<96xf32, #tpu.memory_space<hbm>>
        tpu.enqueue_dma source(%dma_start3A_306 : memref<96xf32, #tpu.memory_space<hbm>>) target(%arg20 : memref<96xf32, #tpu.memory_space<vmem>>) target_semaphore(%arg27 : memref<!tpu.dma_semaphore, #tpu.memory_space<semaphore_mem>>)
        %dma_start3A_307 = arith.constant 3 : i32
        %dma_start3A_308 = tpu.memref_slice %arg3[%dma_start3A_307, %add3A_276] : memref<4x147456xi32, #tpu.memory_space<hbm>> -> memref<1x96xi32, #tpu.memory_space<hbm>>
        %dma_start3A_309 = tpu.memref_squeeze %dma_start3A_308 : memref<1x96xi32, #tpu.memory_space<hbm>> -> memref<96xi32, #tpu.memory_space<hbm>>
        %dma_start3A_310 = tpu.memref_slice %arg3[%dma_start3A_307, %add3A_276] : memref<4x147456xi32, #tpu.memory_space<hbm>> -> memref<1x96xi32, #tpu.memory_space<hbm>>
        %dma_start3A_311 = tpu.memref_squeeze %dma_start3A_310 : memref<1x96xi32, #tpu.memory_space<hbm>> -> memref<96xi32, #tpu.memory_space<hbm>>
        tpu.enqueue_dma source(%dma_start3A_311 : memref<96xi32, #tpu.memory_space<hbm>>) target(%arg13 : memref<96xi32, #tpu.memory_space<vmem>>) target_semaphore(%arg27 : memref<!tpu.dma_semaphore, #tpu.memory_space<semaphore_mem>>)
        %dma_start3A_312 = arith.constant 3 : i32
        %dma_start3A_313 = tpu.memref_slice %arg4[%dma_start3A_312, %add3A_276] : memref<4x147456xf32, #tpu.memory_space<hbm>> -> memref<1x96xf32, #tpu.memory_space<hbm>>
        %dma_start3A_314 = tpu.memref_squeeze %dma_start3A_313 : memref<1x96xf32, #tpu.memory_space<hbm>> -> memref<96xf32, #tpu.memory_space<hbm>>
        %dma_start3A_315 = tpu.memref_slice %arg4[%dma_start3A_312, %add3A_276] : memref<4x147456xf32, #tpu.memory_space<hbm>> -> memref<1x96xf32, #tpu.memory_space<hbm>>
        %dma_start3A_316 = tpu.memref_squeeze %dma_start3A_315 : memref<1x96xf32, #tpu.memory_space<hbm>> -> memref<96xf32, #tpu.memory_space<hbm>>
        tpu.enqueue_dma source(%dma_start3A_316 : memref<96xf32, #tpu.memory_space<hbm>>) target(%arg21 : memref<96xf32, #tpu.memory_space<vmem>>) target_semaphore(%arg27 : memref<!tpu.dma_semaphore, #tpu.memory_space<semaphore_mem>>)
        %dma_wait3A_317 = arith.constant 0 : i32
        %dma_wait3A_318 = arith.constant 0 : i32
        %dma_wait3A_319 = tpu.memref_slice %arg3[%dma_wait3A_317, %dma_wait3A_318] : memref<4x147456xi32, #tpu.memory_space<hbm>> -> memref<1x96xi32, #tpu.memory_space<hbm>>
        %dma_wait3A_320 = tpu.memref_squeeze %dma_wait3A_319 : memref<1x96xi32, #tpu.memory_space<hbm>> -> memref<96xi32, #tpu.memory_space<hbm>>
        %dma_wait3A_321 = arith.constant 0 : i32
        %dma_wait3A_322 = tpu.memref_slice %arg3[%dma_wait3A_317, %dma_wait3A_321] : memref<4x147456xi32, #tpu.memory_space<hbm>> -> memref<1x96xi32, #tpu.memory_space<hbm>>
        %dma_wait3A_323 = tpu.memref_squeeze %dma_wait3A_322 : memref<1x96xi32, #tpu.memory_space<hbm>> -> memref<96xi32, #tpu.memory_space<hbm>>
        tpu.wait_dma2 semaphore(%arg27 : memref<!tpu.dma_semaphore, #tpu.memory_space<semaphore_mem>>) src(%dma_wait3A_323 : memref<96xi32, #tpu.memory_space<hbm>>) dst(%arg10 : memref<96xi32, #tpu.memory_space<vmem>>)
        %dma_wait3A_324 = arith.constant 0 : i32
        %dma_wait3A_325 = arith.constant 0 : i32
        %dma_wait3A_326 = tpu.memref_slice %arg4[%dma_wait3A_324, %dma_wait3A_325] : memref<4x147456xf32, #tpu.memory_space<hbm>> -> memref<1x96xf32, #tpu.memory_space<hbm>>
        %dma_wait3A_327 = tpu.memref_squeeze %dma_wait3A_326 : memref<1x96xf32, #tpu.memory_space<hbm>> -> memref<96xf32, #tpu.memory_space<hbm>>
        %dma_wait3A_328 = arith.constant 0 : i32
        %dma_wait3A_329 = tpu.memref_slice %arg4[%dma_wait3A_324, %dma_wait3A_328] : memref<4x147456xf32, #tpu.memory_space<hbm>> -> memref<1x96xf32, #tpu.memory_space<hbm>>
        %dma_wait3A_330 = tpu.memref_squeeze %dma_wait3A_329 : memref<1x96xf32, #tpu.memory_space<hbm>> -> memref<96xf32, #tpu.memory_space<hbm>>
        tpu.wait_dma2 semaphore(%arg27 : memref<!tpu.dma_semaphore, #tpu.memory_space<semaphore_mem>>) src(%dma_wait3A_330 : memref<96xf32, #tpu.memory_space<hbm>>) dst(%arg18 : memref<96xf32, #tpu.memory_space<vmem>>)
        %dma_wait3A_331 = arith.constant 0 : i32
        %dma_wait3A_332 = arith.constant 0 : i32
        %dma_wait3A_333 = tpu.memref_slice %arg3[%dma_wait3A_331, %dma_wait3A_332] : memref<4x147456xi32, #tpu.memory_space<hbm>> -> memref<1x96xi32, #tpu.memory_space<hbm>>
        %dma_wait3A_334 = tpu.memref_squeeze %dma_wait3A_333 : memref<1x96xi32, #tpu.memory_space<hbm>> -> memref<96xi32, #tpu.memory_space<hbm>>
        %dma_wait3A_335 = arith.constant 0 : i32
        %dma_wait3A_336 = tpu.memref_slice %arg3[%dma_wait3A_331, %dma_wait3A_335] : memref<4x147456xi32, #tpu.memory_space<hbm>> -> memref<1x96xi32, #tpu.memory_space<hbm>>
        %dma_wait3A_337 = tpu.memref_squeeze %dma_wait3A_336 : memref<1x96xi32, #tpu.memory_space<hbm>> -> memref<96xi32, #tpu.memory_space<hbm>>
        tpu.wait_dma2 semaphore(%arg27 : memref<!tpu.dma_semaphore, #tpu.memory_space<semaphore_mem>>) src(%dma_wait3A_337 : memref<96xi32, #tpu.memory_space<hbm>>) dst(%arg11 : memref<96xi32, #tpu.memory_space<vmem>>)
        %dma_wait3A_338 = arith.constant 0 : i32
        %dma_wait3A_339 = arith.constant 0 : i32
        %dma_wait3A_340 = tpu.memref_slice %arg4[%dma_wait3A_338, %dma_wait3A_339] : memref<4x147456xf32, #tpu.memory_space<hbm>> -> memref<1x96xf32, #tpu.memory_space<hbm>>
        %dma_wait3A_341 = tpu.memref_squeeze %dma_wait3A_340 : memref<1x96xf32, #tpu.memory_space<hbm>> -> memref<96xf32, #tpu.memory_space<hbm>>
        %dma_wait3A_342 = arith.constant 0 : i32
        %dma_wait3A_343 = tpu.memref_slice %arg4[%dma_wait3A_338, %dma_wait3A_342] : memref<4x147456xf32, #tpu.memory_space<hbm>> -> memref<1x96xf32, #tpu.memory_space<hbm>>
        %dma_wait3A_344 = tpu.memref_squeeze %dma_wait3A_343 : memref<1x96xf32, #tpu.memory_space<hbm>> -> memref<96xf32, #tpu.memory_space<hbm>>
        tpu.wait_dma2 semaphore(%arg27 : memref<!tpu.dma_semaphore, #tpu.memory_space<semaphore_mem>>) src(%dma_wait3A_344 : memref<96xf32, #tpu.memory_space<hbm>>) dst(%arg19 : memref<96xf32, #tpu.memory_space<vmem>>)
        %dma_wait3A_345 = arith.constant 0 : i32
        %dma_wait3A_346 = arith.constant 0 : i32
        %dma_wait3A_347 = tpu.memref_slice %arg3[%dma_wait3A_345, %dma_wait3A_346] : memref<4x147456xi32, #tpu.memory_space<hbm>> -> memref<1x96xi32, #tpu.memory_space<hbm>>
        %dma_wait3A_348 = tpu.memref_squeeze %dma_wait3A_347 : memref<1x96xi32, #tpu.memory_space<hbm>> -> memref<96xi32, #tpu.memory_space<hbm>>
        %dma_wait3A_349 = arith.constant 0 : i32
        %dma_wait3A_350 = tpu.memref_slice %arg3[%dma_wait3A_345, %dma_wait3A_349] : memref<4x147456xi32, #tpu.memory_space<hbm>> -> memref<1x96xi32, #tpu.memory_space<hbm>>
        %dma_wait3A_351 = tpu.memref_squeeze %dma_wait3A_350 : memref<1x96xi32, #tpu.memory_space<hbm>> -> memref<96xi32, #tpu.memory_space<hbm>>
        tpu.wait_dma2 semaphore(%arg27 : memref<!tpu.dma_semaphore, #tpu.memory_space<semaphore_mem>>) src(%dma_wait3A_351 : memref<96xi32, #tpu.memory_space<hbm>>) dst(%arg12 : memref<96xi32, #tpu.memory_space<vmem>>)
        %dma_wait3A_352 = arith.constant 0 : i32
        %dma_wait3A_353 = arith.constant 0 : i32
        %dma_wait3A_354 = tpu.memref_slice %arg4[%dma_wait3A_352, %dma_wait3A_353] : memref<4x147456xf32, #tpu.memory_space<hbm>> -> memref<1x96xf32, #tpu.memory_space<hbm>>
        %dma_wait3A_355 = tpu.memref_squeeze %dma_wait3A_354 : memref<1x96xf32, #tpu.memory_space<hbm>> -> memref<96xf32, #tpu.memory_space<hbm>>
        %dma_wait3A_356 = arith.constant 0 : i32
        %dma_wait3A_357 = tpu.memref_slice %arg4[%dma_wait3A_352, %dma_wait3A_356] : memref<4x147456xf32, #tpu.memory_space<hbm>> -> memref<1x96xf32, #tpu.memory_space<hbm>>
        %dma_wait3A_358 = tpu.memref_squeeze %dma_wait3A_357 : memref<1x96xf32, #tpu.memory_space<hbm>> -> memref<96xf32, #tpu.memory_space<hbm>>
        tpu.wait_dma2 semaphore(%arg27 : memref<!tpu.dma_semaphore, #tpu.memory_space<semaphore_mem>>) src(%dma_wait3A_358 : memref<96xf32, #tpu.memory_space<hbm>>) dst(%arg20 : memref<96xf32, #tpu.memory_space<vmem>>)
        %dma_wait3A_359 = arith.constant 0 : i32
        %dma_wait3A_360 = arith.constant 0 : i32
        %dma_wait3A_361 = tpu.memref_slice %arg3[%dma_wait3A_359, %dma_wait3A_360] : memref<4x147456xi32, #tpu.memory_space<hbm>> -> memref<1x96xi32, #tpu.memory_space<hbm>>
        %dma_wait3A_362 = tpu.memref_squeeze %dma_wait3A_361 : memref<1x96xi32, #tpu.memory_space<hbm>> -> memref<96xi32, #tpu.memory_space<hbm>>
        %dma_wait3A_363 = arith.constant 0 : i32
        %dma_wait3A_364 = tpu.memref_slice %arg3[%dma_wait3A_359, %dma_wait3A_363] : memref<4x147456xi32, #tpu.memory_space<hbm>> -> memref<1x96xi32, #tpu.memory_space<hbm>>
        %dma_wait3A_365 = tpu.memref_squeeze %dma_wait3A_364 : memref<1x96xi32, #tpu.memory_space<hbm>> -> memref<96xi32, #tpu.memory_space<hbm>>
        tpu.wait_dma2 semaphore(%arg27 : memref<!tpu.dma_semaphore, #tpu.memory_space<semaphore_mem>>) src(%dma_wait3A_365 : memref<96xi32, #tpu.memory_space<hbm>>) dst(%arg13 : memref<96xi32, #tpu.memory_space<vmem>>)
        %dma_wait3A_366 = arith.constant 0 : i32
        %dma_wait3A_367 = arith.constant 0 : i32
        %dma_wait3A_368 = tpu.memref_slice %arg4[%dma_wait3A_366, %dma_wait3A_367] : memref<4x147456xf32, #tpu.memory_space<hbm>> -> memref<1x96xf32, #tpu.memory_space<hbm>>
        %dma_wait3A_369 = tpu.memref_squeeze %dma_wait3A_368 : memref<1x96xf32, #tpu.memory_space<hbm>> -> memref<96xf32, #tpu.memory_space<hbm>>
        %dma_wait3A_370 = arith.constant 0 : i32
        %dma_wait3A_371 = tpu.memref_slice %arg4[%dma_wait3A_366, %dma_wait3A_370] : memref<4x147456xf32, #tpu.memory_space<hbm>> -> memref<1x96xf32, #tpu.memory_space<hbm>>
        %dma_wait3A_372 = tpu.memref_squeeze %dma_wait3A_371 : memref<1x96xf32, #tpu.memory_space<hbm>> -> memref<96xf32, #tpu.memory_space<hbm>>
        tpu.wait_dma2 semaphore(%arg27 : memref<!tpu.dma_semaphore, #tpu.memory_space<semaphore_mem>>) src(%dma_wait3A_372 : memref<96xf32, #tpu.memory_space<hbm>>) dst(%arg21 : memref<96xf32, #tpu.memory_space<vmem>>)
        %dma_start3A_373 = arith.constant 0 : i32
        %dma_start3A_374 = arith.constant 0 : i32
        %dma_start3A_375 = arith.constant 0 : i32
        %dma_start3A_376 = tpu.memref_slice %arg23[%dma_start3A_373, %dma_start3A_374, %dma_start3A_375] : memref<4x96x96xf32, #tpu.memory_space<vmem>> -> memref<1x96x96xf32, #tpu.memory_space<vmem>>
        %dma_start3A_377 = tpu.memref_squeeze %dma_start3A_376 : memref<1x96x96xf32, #tpu.memory_space<vmem>> -> memref<96x96xf32, #tpu.memory_space<vmem>>
        %dma_start3A_378 = arith.constant 0 : i32
        %dma_start3A_379 = arith.constant 0 : i32
        %dma_start3A_380 = tpu.memref_slice %arg2[%dma_start3A_378, %dma_start3A_379] : memref<589824x96xf32, #tpu.memory_space<hbm>> -> memref<589824x96xf32, #tpu.memory_space<hbm>>
        tpu.enqueue_indirect_dma source(%dma_start3A_380 : memref<589824x96xf32, #tpu.memory_space<hbm>>) target(%dma_start3A_377 : memref<96x96xf32, #tpu.memory_space<vmem>>) offsets(%arg10 : memref<96xi32, #tpu.memory_space<vmem>>) semaphore(%arg29 : memref<!tpu.dma_semaphore, #tpu.memory_space<semaphore_mem>>)
        %dma_start3A_381 = arith.constant 1 : i32
        %dma_start3A_382 = arith.constant 0 : i32
        %dma_start3A_383 = arith.constant 0 : i32
        %dma_start3A_384 = tpu.memref_slice %arg23[%dma_start3A_381, %dma_start3A_382, %dma_start3A_383] : memref<4x96x96xf32, #tpu.memory_space<vmem>> -> memref<1x96x96xf32, #tpu.memory_space<vmem>>
        %dma_start3A_385 = tpu.memref_squeeze %dma_start3A_384 : memref<1x96x96xf32, #tpu.memory_space<vmem>> -> memref<96x96xf32, #tpu.memory_space<vmem>>
        %dma_start3A_386 = arith.constant 0 : i32
        %dma_start3A_387 = arith.constant 0 : i32
        %dma_start3A_388 = tpu.memref_slice %arg2[%dma_start3A_386, %dma_start3A_387] : memref<589824x96xf32, #tpu.memory_space<hbm>> -> memref<589824x96xf32, #tpu.memory_space<hbm>>
        tpu.enqueue_indirect_dma source(%dma_start3A_388 : memref<589824x96xf32, #tpu.memory_space<hbm>>) target(%dma_start3A_385 : memref<96x96xf32, #tpu.memory_space<vmem>>) offsets(%arg11 : memref<96xi32, #tpu.memory_space<vmem>>) semaphore(%arg29 : memref<!tpu.dma_semaphore, #tpu.memory_space<semaphore_mem>>)
        %dma_start3A_389 = arith.constant 2 : i32
        %dma_start3A_390 = arith.constant 0 : i32
        %dma_start3A_391 = arith.constant 0 : i32
        %dma_start3A_392 = tpu.memref_slice %arg23[%dma_start3A_389, %dma_start3A_390, %dma_start3A_391] : memref<4x96x96xf32, #tpu.memory_space<vmem>> -> memref<1x96x96xf32, #tpu.memory_space<vmem>>
        %dma_start3A_393 = tpu.memref_squeeze %dma_start3A_392 : memref<1x96x96xf32, #tpu.memory_space<vmem>> -> memref<96x96xf32, #tpu.memory_space<vmem>>
        %dma_start3A_394 = arith.constant 0 : i32
        %dma_start3A_395 = arith.constant 0 : i32
        %dma_start3A_396 = tpu.memref_slice %arg2[%dma_start3A_394, %dma_start3A_395] : memref<589824x96xf32, #tpu.memory_space<hbm>> -> memref<589824x96xf32, #tpu.memory_space<hbm>>
        tpu.enqueue_indirect_dma source(%dma_start3A_396 : memref<589824x96xf32, #tpu.memory_space<hbm>>) target(%dma_start3A_393 : memref<96x96xf32, #tpu.memory_space<vmem>>) offsets(%arg12 : memref<96xi32, #tpu.memory_space<vmem>>) semaphore(%arg29 : memref<!tpu.dma_semaphore, #tpu.memory_space<semaphore_mem>>)
        %dma_start3A_397 = arith.constant 3 : i32
        %dma_start3A_398 = arith.constant 0 : i32
        %dma_start3A_399 = arith.constant 0 : i32
        %dma_start3A_400 = tpu.memref_slice %arg23[%dma_start3A_397, %dma_start3A_398, %dma_start3A_399] : memref<4x96x96xf32, #tpu.memory_space<vmem>> -> memref<1x96x96xf32, #tpu.memory_space<vmem>>
        %dma_start3A_401 = tpu.memref_squeeze %dma_start3A_400 : memref<1x96x96xf32, #tpu.memory_space<vmem>> -> memref<96x96xf32, #tpu.memory_space<vmem>>
        %dma_start3A_402 = arith.constant 0 : i32
        %dma_start3A_403 = arith.constant 0 : i32
        %dma_start3A_404 = tpu.memref_slice %arg2[%dma_start3A_402, %dma_start3A_403] : memref<589824x96xf32, #tpu.memory_space<hbm>> -> memref<589824x96xf32, #tpu.memory_space<hbm>>
        tpu.enqueue_indirect_dma source(%dma_start3A_404 : memref<589824x96xf32, #tpu.memory_space<hbm>>) target(%dma_start3A_401 : memref<96x96xf32, #tpu.memory_space<vmem>>) offsets(%arg13 : memref<96xi32, #tpu.memory_space<vmem>>) semaphore(%arg29 : memref<!tpu.dma_semaphore, #tpu.memory_space<semaphore_mem>>)
      } else {
      }
      %dma_wait3A_159 = arith.constant 0 : i32
      %dma_wait3A_160 = arith.constant 0 : i32
      %dma_wait3A_161 = arith.constant 0 : i32
      %dma_wait3A_162 = tpu.memref_slice %arg22[%dma_wait3A_159, %dma_wait3A_160, %dma_wait3A_161] : memref<4x96x96xf32, #tpu.memory_space<vmem>> -> memref<1x96x96xf32, #tpu.memory_space<vmem>>
      %dma_wait3A_163 = tpu.memref_squeeze %dma_wait3A_162 : memref<1x96x96xf32, #tpu.memory_space<vmem>> -> memref<96x96xf32, #tpu.memory_space<vmem>>
      %dma_wait3A_164 = arith.constant 0 : i32
      %dma_wait3A_165 = arith.constant 0 : i32
      %dma_wait3A_166 = tpu.memref_slice %arg2[%dma_wait3A_164, %dma_wait3A_165] : memref<589824x96xf32, #tpu.memory_space<hbm>> -> memref<589824x96xf32, #tpu.memory_space<hbm>>
      tpu.wait_indirect_dma semaphore(%arg28 : memref<!tpu.dma_semaphore, #tpu.memory_space<semaphore_mem>>) src(%dma_wait3A_166 : memref<589824x96xf32, #tpu.memory_space<hbm>>) dst(%dma_wait3A_163 : memref<96x96xf32, #tpu.memory_space<vmem>>)
      %dma_wait3A_167 = arith.constant 1 : i32
      %dma_wait3A_168 = arith.constant 0 : i32
      %dma_wait3A_169 = arith.constant 0 : i32
      %dma_wait3A_170 = tpu.memref_slice %arg22[%dma_wait3A_167, %dma_wait3A_168, %dma_wait3A_169] : memref<4x96x96xf32, #tpu.memory_space<vmem>> -> memref<1x96x96xf32, #tpu.memory_space<vmem>>
      %dma_wait3A_171 = tpu.memref_squeeze %dma_wait3A_170 : memref<1x96x96xf32, #tpu.memory_space<vmem>> -> memref<96x96xf32, #tpu.memory_space<vmem>>
      %dma_wait3A_172 = arith.constant 0 : i32
      %dma_wait3A_173 = arith.constant 0 : i32
      %dma_wait3A_174 = tpu.memref_slice %arg2[%dma_wait3A_172, %dma_wait3A_173] : memref<589824x96xf32, #tpu.memory_space<hbm>> -> memref<589824x96xf32, #tpu.memory_space<hbm>>
      tpu.wait_indirect_dma semaphore(%arg28 : memref<!tpu.dma_semaphore, #tpu.memory_space<semaphore_mem>>) src(%dma_wait3A_174 : memref<589824x96xf32, #tpu.memory_space<hbm>>) dst(%dma_wait3A_171 : memref<96x96xf32, #tpu.memory_space<vmem>>)
      %dma_wait3A_175 = arith.constant 2 : i32
      %dma_wait3A_176 = arith.constant 0 : i32
      %dma_wait3A_177 = arith.constant 0 : i32
      %dma_wait3A_178 = tpu.memref_slice %arg22[%dma_wait3A_175, %dma_wait3A_176, %dma_wait3A_177] : memref<4x96x96xf32, #tpu.memory_space<vmem>> -> memref<1x96x96xf32, #tpu.memory_space<vmem>>
      %dma_wait3A_179 = tpu.memref_squeeze %dma_wait3A_178 : memref<1x96x96xf32, #tpu.memory_space<vmem>> -> memref<96x96xf32, #tpu.memory_space<vmem>>
      %dma_wait3A_180 = arith.constant 0 : i32
      %dma_wait3A_181 = arith.constant 0 : i32
      %dma_wait3A_182 = tpu.memref_slice %arg2[%dma_wait3A_180, %dma_wait3A_181] : memref<589824x96xf32, #tpu.memory_space<hbm>> -> memref<589824x96xf32, #tpu.memory_space<hbm>>
      tpu.wait_indirect_dma semaphore(%arg28 : memref<!tpu.dma_semaphore, #tpu.memory_space<semaphore_mem>>) src(%dma_wait3A_182 : memref<589824x96xf32, #tpu.memory_space<hbm>>) dst(%dma_wait3A_179 : memref<96x96xf32, #tpu.memory_space<vmem>>)
      %dma_wait3A_183 = arith.constant 3 : i32
      %dma_wait3A_184 = arith.constant 0 : i32
      %dma_wait3A_185 = arith.constant 0 : i32
      %dma_wait3A_186 = tpu.memref_slice %arg22[%dma_wait3A_183, %dma_wait3A_184, %dma_wait3A_185] : memref<4x96x96xf32, #tpu.memory_space<vmem>> -> memref<1x96x96xf32, #tpu.memory_space<vmem>>
      %dma_wait3A_187 = tpu.memref_squeeze %dma_wait3A_186 : memref<1x96x96xf32, #tpu.memory_space<vmem>> -> memref<96x96xf32, #tpu.memory_space<vmem>>
      %dma_wait3A_188 = arith.constant 0 : i32
      %dma_wait3A_189 = arith.constant 0 : i32
      %dma_wait3A_190 = tpu.memref_slice %arg2[%dma_wait3A_188, %dma_wait3A_189] : memref<589824x96xf32, #tpu.memory_space<hbm>> -> memref<589824x96xf32, #tpu.memory_space<hbm>>
      tpu.wait_indirect_dma semaphore(%arg28 : memref<!tpu.dma_semaphore, #tpu.memory_space<semaphore_mem>>) src(%dma_wait3A_190 : memref<589824x96xf32, #tpu.memory_space<hbm>>) dst(%dma_wait3A_187 : memref<96x96xf32, #tpu.memory_space<vmem>>)
      %ge3A = arith.constant 2 : i32
      %ge3A_191 = arith.cmpi sge, %add3A_154, %ge3A : i32
      %convert_element_type3A_192 = arith.extui %ge3A_191 : i1 to i32
      %cond3A_193 = arith.constant 0 : i32
      %cond3A_194 = arith.cmpi ne, %convert_element_type3A_192, %cond3A_193 : i32
      scf.if %cond3A_194 {
        %dma_wait3A_272 = arith.constant 0 : i32
        %dma_wait3A_273 = arith.constant 0 : i32
        %dma_wait3A_274 = tpu.memref_slice %arg5[%dma_wait3A_272, %dma_wait3A_273] : memref<147456x96xf32, #tpu.memory_space<hbm>> -> memref<96x96xf32, #tpu.memory_space<hbm>>
        %dma_wait3A_275 = arith.constant 0 : i32
        %dma_wait3A_276 = arith.constant 0 : i32
        %dma_wait3A_277 = tpu.memref_slice %arg5[%dma_wait3A_275, %dma_wait3A_276] : memref<147456x96xf32, #tpu.memory_space<hbm>> -> memref<96x96xf32, #tpu.memory_space<hbm>>
        tpu.wait_dma2 semaphore(%arg30 : memref<!tpu.dma_semaphore, #tpu.memory_space<semaphore_mem>>) src(%arg24 : memref<96x96xf32, #tpu.memory_space<vmem>>) dst(%dma_wait3A_277 : memref<96x96xf32, #tpu.memory_space<hbm>>)
      } else {
      }
      %scan3A_195 = arith.constant 0 : i32
      %scan3A_196 = arith.constant 0 : i32
      %scan3A_197 = arith.constant 48 : i32
      %scan3A_198 = arith.addi %scan3A_196, %scan3A_197 : i32
      %scan3A_199 = arith.constant 1 : i32
      %scan3A_200 = scf.for %scan3A_272 = %scan3A_196 to %scan3A_198 step %scan3A_199 iter_args(%scan3A_273 = %scan3A_195) -> (i32)  : i32 {
        %mul3A_274 = arith.constant 2 : i32
        %mul3A_275 = arith.muli %scan3A_272, %mul3A_274 : i32
        %add3A_276 = arith.constant 0 : i32
        %add3A_277 = arith.addi %mul3A_275, %add3A_276 : i32
        %broadcast_in_dim3A = arith.constant 0 : i32
        %broadcast_in_dim3A_278 = vector.broadcast %broadcast_in_dim3A : i32 to vector<16xi32>
        %add3A_279 = vector.broadcast %add3A_277 : i32 to vector<16xi32>
        %add3A_280 = arith.addi %broadcast_in_dim3A_278, %add3A_279 : vector<16xi32>
        %gather3A = tpu.vector_load_idx %arg14[%add3A_280] : memref<96xf32, #tpu.memory_space<vmem>>[vector<16xi32>], vector<16xf32>,
        %gather3A_281 = tpu.vector_load_idx %arg15[%add3A_280] : memref<96xf32, #tpu.memory_space<vmem>>[vector<16xi32>], vector<16xf32>,
        %gather3A_282 = tpu.vector_load_idx %arg16[%add3A_280] : memref<96xf32, #tpu.memory_space<vmem>>[vector<16xi32>], vector<16xf32>,
        %gather3A_283 = tpu.vector_load_idx %arg17[%add3A_280] : memref<96xf32, #tpu.memory_space<vmem>>[vector<16xi32>], vector<16xf32>,
        %get3A = arith.constant 0 : i32
        %get3A_284 = arith.index_cast %get3A : i32 to index
        %get3A_285 = arith.index_cast %add3A_277 : i32 to index
        %get3A_286 = arith.constant 0 : index
        %get3A_287 = tpu.vector_load %arg22[%get3A_284, %get3A_285, %get3A_286] {strides = array<i32>} : memref<4x96x96xf32, #tpu.memory_space<vmem>>, vector<16xf32>,
        %mul3A_288 = arith.mulf %get3A_287, %gather3A : vector<16xf32>
        %get3A_289 = arith.constant 1 : i32
        %get3A_290 = arith.index_cast %get3A_289 : i32 to index
        %get3A_291 = arith.index_cast %add3A_277 : i32 to index
        %get3A_292 = arith.constant 0 : index
        %get3A_293 = tpu.vector_load %arg22[%get3A_290, %get3A_291, %get3A_292] {strides = array<i32>} : memref<4x96x96xf32, #tpu.memory_space<vmem>>, vector<16xf32>,
        %mul3A_294 = arith.mulf %get3A_293, %gather3A_281 : vector<16xf32>
        %add3A_295 = arith.addf %mul3A_288, %mul3A_294 : vector<16xf32>
        %get3A_296 = arith.constant 2 : i32
        %get3A_297 = arith.index_cast %get3A_296 : i32 to index
        %get3A_298 = arith.index_cast %add3A_277 : i32 to index
        %get3A_299 = arith.constant 0 : index
        %get3A_300 = tpu.vector_load %arg22[%get3A_297, %get3A_298, %get3A_299] {strides = array<i32>} : memref<4x96x96xf32, #tpu.memory_space<vmem>>, vector<16xf32>,
        %mul3A_301 = arith.mulf %get3A_300, %gather3A_282 : vector<16xf32>
        %add3A_302 = arith.addf %add3A_295, %mul3A_301 : vector<16xf32>
        %get3A_303 = arith.constant 3 : i32
        %get3A_304 = arith.index_cast %get3A_303 : i32 to index
        %get3A_305 = arith.index_cast %add3A_277 : i32 to index
        %get3A_306 = arith.constant 0 : index
        %get3A_307 = tpu.vector_load %arg22[%get3A_304, %get3A_305, %get3A_306] {strides = array<i32>} : memref<4x96x96xf32, #tpu.memory_space<vmem>>, vector<16xf32>,
        %mul3A_308 = arith.mulf %get3A_307, %gather3A_283 : vector<16xf32>
        %add3A_309 = arith.addf %add3A_302, %mul3A_308 : vector<16xf32>
        %swap3A = arith.index_cast %add3A_277 : i32 to index
        %swap3A_310 = arith.constant 0 : index
        %swap3A_311 = tpu.vector_load %arg24[%swap3A, %swap3A_310] {strides = array<i32>} : memref<96x96xf32, #tpu.memory_space<vmem>>, vector<16xf32>,
        tpu.vector_store %arg24[%swap3A, %swap3A_310], %add3A_309 {strides = array<i32>} : memref<96x96xf32, #tpu.memory_space<vmem>>, vector<16xf32>,
        %get3A_312 = arith.constant 0 : i32
        %get3A_313 = arith.index_cast %get3A_312 : i32 to index
        %get3A_314 = arith.index_cast %add3A_277 : i32 to index
        %get3A_315 = arith.constant 16 : index
        %get3A_316 = tpu.vector_load %arg22[%get3A_313, %get3A_314, %get3A_315] {strides = array<i32>} : memref<4x96x96xf32, #tpu.memory_space<vmem>>, vector<16xf32>,
        %mul3A_317 = arith.mulf %get3A_316, %gather3A : vector<16xf32>
        %get3A_318 = arith.constant 1 : i32
        %get3A_319 = arith.index_cast %get3A_318 : i32 to index
        %get3A_320 = arith.index_cast %add3A_277 : i32 to index
        %get3A_321 = arith.constant 16 : index
        %get3A_322 = tpu.vector_load %arg22[%get3A_319, %get3A_320, %get3A_321] {strides = array<i32>} : memref<4x96x96xf32, #tpu.memory_space<vmem>>, vector<16xf32>,
        %mul3A_323 = arith.mulf %get3A_322, %gather3A_281 : vector<16xf32>
        %add3A_324 = arith.addf %mul3A_317, %mul3A_323 : vector<16xf32>
        %get3A_325 = arith.constant 2 : i32
        %get3A_326 = arith.index_cast %get3A_325 : i32 to index
        %get3A_327 = arith.index_cast %add3A_277 : i32 to index
        %get3A_328 = arith.constant 16 : index
        %get3A_329 = tpu.vector_load %arg22[%get3A_326, %get3A_327, %get3A_328] {strides = array<i32>} : memref<4x96x96xf32, #tpu.memory_space<vmem>>, vector<16xf32>,
        %mul3A_330 = arith.mulf %get3A_329, %gather3A_282 : vector<16xf32>
        %add3A_331 = arith.addf %add3A_324, %mul3A_330 : vector<16xf32>
        %get3A_332 = arith.constant 3 : i32
        %get3A_333 = arith.index_cast %get3A_332 : i32 to index
        %get3A_334 = arith.index_cast %add3A_277 : i32 to index
        %get3A_335 = arith.constant 16 : index
        %get3A_336 = tpu.vector_load %arg22[%get3A_333, %get3A_334, %get3A_335] {strides = array<i32>} : memref<4x96x96xf32, #tpu.memory_space<vmem>>, vector<16xf32>,
        %mul3A_337 = arith.mulf %get3A_336, %gather3A_283 : vector<16xf32>
        %add3A_338 = arith.addf %add3A_331, %mul3A_337 : vector<16xf32>
        %swap3A_339 = arith.index_cast %add3A_277 : i32 to index
        %swap3A_340 = arith.constant 16 : index
        %swap3A_341 = tpu.vector_load %arg24[%swap3A_339, %swap3A_340] {strides = array<i32>} : memref<96x96xf32, #tpu.memory_space<vmem>>, vector<16xf32>,
        tpu.vector_store %arg24[%swap3A_339, %swap3A_340], %add3A_338 {strides = array<i32>} : memref<96x96xf32, #tpu.memory_space<vmem>>, vector<16xf32>,
        %get3A_342 = arith.constant 0 : i32
        %get3A_343 = arith.index_cast %get3A_342 : i32 to index
        %get3A_344 = arith.index_cast %add3A_277 : i32 to index
        %get3A_345 = arith.constant 32 : index
        %get3A_346 = tpu.vector_load %arg22[%get3A_343, %get3A_344, %get3A_345] {strides = array<i32>} : memref<4x96x96xf32, #tpu.memory_space<vmem>>, vector<16xf32>,
        %mul3A_347 = arith.mulf %get3A_346, %gather3A : vector<16xf32>
        %get3A_348 = arith.constant 1 : i32
        %get3A_349 = arith.index_cast %get3A_348 : i32 to index
        %get3A_350 = arith.index_cast %add3A_277 : i32 to index
        %get3A_351 = arith.constant 32 : index
        %get3A_352 = tpu.vector_load %arg22[%get3A_349, %get3A_350, %get3A_351] {strides = array<i32>} : memref<4x96x96xf32, #tpu.memory_space<vmem>>, vector<16xf32>,
        %mul3A_353 = arith.mulf %get3A_352, %gather3A_281 : vector<16xf32>
        %add3A_354 = arith.addf %mul3A_347, %mul3A_353 : vector<16xf32>
        %get3A_355 = arith.constant 2 : i32
        %get3A_356 = arith.index_cast %get3A_355 : i32 to index
        %get3A_357 = arith.index_cast %add3A_277 : i32 to index
        %get3A_358 = arith.constant 32 : index
        %get3A_359 = tpu.vector_load %arg22[%get3A_356, %get3A_357, %get3A_358] {strides = array<i32>} : memref<4x96x96xf32, #tpu.memory_space<vmem>>, vector<16xf32>,
        %mul3A_360 = arith.mulf %get3A_359, %gather3A_282 : vector<16xf32>
        %add3A_361 = arith.addf %add3A_354, %mul3A_360 : vector<16xf32>
        %get3A_362 = arith.constant 3 : i32
        %get3A_363 = arith.index_cast %get3A_362 : i32 to index
        %get3A_364 = arith.index_cast %add3A_277 : i32 to index
        %get3A_365 = arith.constant 32 : index
        %get3A_366 = tpu.vector_load %arg22[%get3A_363, %get3A_364, %get3A_365] {strides = array<i32>} : memref<4x96x96xf32, #tpu.memory_space<vmem>>, vector<16xf32>,
        %mul3A_367 = arith.mulf %get3A_366, %gather3A_283 : vector<16xf32>
        %add3A_368 = arith.addf %add3A_361, %mul3A_367 : vector<16xf32>
        %swap3A_369 = arith.index_cast %add3A_277 : i32 to index
        %swap3A_370 = arith.constant 32 : index
        %swap3A_371 = tpu.vector_load %arg24[%swap3A_369, %swap3A_370] {strides = array<i32>} : memref<96x96xf32, #tpu.memory_space<vmem>>, vector<16xf32>,
        tpu.vector_store %arg24[%swap3A_369, %swap3A_370], %add3A_368 {strides = array<i32>} : memref<96x96xf32, #tpu.memory_space<vmem>>, vector<16xf32>,
        %get3A_372 = arith.constant 0 : i32
        %get3A_373 = arith.index_cast %get3A_372 : i32 to index
        %get3A_374 = arith.index_cast %add3A_277 : i32 to index
        %get3A_375 = arith.constant 48 : index
        %get3A_376 = tpu.vector_load %arg22[%get3A_373, %get3A_374, %get3A_375] {strides = array<i32>} : memref<4x96x96xf32, #tpu.memory_space<vmem>>, vector<16xf32>,
        %mul3A_377 = arith.mulf %get3A_376, %gather3A : vector<16xf32>
        %get3A_378 = arith.constant 1 : i32
        %get3A_379 = arith.index_cast %get3A_378 : i32 to index
        %get3A_380 = arith.index_cast %add3A_277 : i32 to index
        %get3A_381 = arith.constant 48 : index
        %get3A_382 = tpu.vector_load %arg22[%get3A_379, %get3A_380, %get3A_381] {strides = array<i32>} : memref<4x96x96xf32, #tpu.memory_space<vmem>>, vector<16xf32>,
        %mul3A_383 = arith.mulf %get3A_382, %gather3A_281 : vector<16xf32>
        %add3A_384 = arith.addf %mul3A_377, %mul3A_383 : vector<16xf32>
        %get3A_385 = arith.constant 2 : i32
        %get3A_386 = arith.index_cast %get3A_385 : i32 to index
        %get3A_387 = arith.index_cast %add3A_277 : i32 to index
        %get3A_388 = arith.constant 48 : index
        %get3A_389 = tpu.vector_load %arg22[%get3A_386, %get3A_387, %get3A_388] {strides = array<i32>} : memref<4x96x96xf32, #tpu.memory_space<vmem>>, vector<16xf32>,
        %mul3A_390 = arith.mulf %get3A_389, %gather3A_282 : vector<16xf32>
        %add3A_391 = arith.addf %add3A_384, %mul3A_390 : vector<16xf32>
        %get3A_392 = arith.constant 3 : i32
        %get3A_393 = arith.index_cast %get3A_392 : i32 to index
        %get3A_394 = arith.index_cast %add3A_277 : i32 to index
        %get3A_395 = arith.constant 48 : index
        %get3A_396 = tpu.vector_load %arg22[%get3A_393, %get3A_394, %get3A_395] {strides = array<i32>} : memref<4x96x96xf32, #tpu.memory_space<vmem>>, vector<16xf32>,
        %mul3A_397 = arith.mulf %get3A_396, %gather3A_283 : vector<16xf32>
        %add3A_398 = arith.addf %add3A_391, %mul3A_397 : vector<16xf32>
        %swap3A_399 = arith.index_cast %add3A_277 : i32 to index
        %swap3A_400 = arith.constant 48 : index
        %swap3A_401 = tpu.vector_load %arg24[%swap3A_399, %swap3A_400] {strides = array<i32>} : memref<96x96xf32, #tpu.memory_space<vmem>>, vector<16xf32>,
        tpu.vector_store %arg24[%swap3A_399, %swap3A_400], %add3A_398 {strides = array<i32>} : memref<96x96xf32, #tpu.memory_space<vmem>>, vector<16xf32>,
        %get3A_402 = arith.constant 0 : i32
        %get3A_403 = arith.index_cast %get3A_402 : i32 to index
        %get3A_404 = arith.index_cast %add3A_277 : i32 to index
        %get3A_405 = arith.constant 64 : index
        %get3A_406 = tpu.vector_load %arg22[%get3A_403, %get3A_404, %get3A_405] {strides = array<i32>} : memref<4x96x96xf32, #tpu.memory_space<vmem>>, vector<16xf32>,
        %mul3A_407 = arith.mulf %get3A_406, %gather3A : vector<16xf32>
        %get3A_408 = arith.constant 1 : i32
        %get3A_409 = arith.index_cast %get3A_408 : i32 to index
        %get3A_410 = arith.index_cast %add3A_277 : i32 to index
        %get3A_411 = arith.constant 64 : index
        %get3A_412 = tpu.vector_load %arg22[%get3A_409, %get3A_410, %get3A_411] {strides = array<i32>} : memref<4x96x96xf32, #tpu.memory_space<vmem>>, vector<16xf32>,
        %mul3A_413 = arith.mulf %get3A_412, %gather3A_281 : vector<16xf32>
        %add3A_414 = arith.addf %mul3A_407, %mul3A_413 : vector<16xf32>
        %get3A_415 = arith.constant 2 : i32
        %get3A_416 = arith.index_cast %get3A_415 : i32 to index
        %get3A_417 = arith.index_cast %add3A_277 : i32 to index
        %get3A_418 = arith.constant 64 : index
        %get3A_419 = tpu.vector_load %arg22[%get3A_416, %get3A_417, %get3A_418] {strides = array<i32>} : memref<4x96x96xf32, #tpu.memory_space<vmem>>, vector<16xf32>,
        %mul3A_420 = arith.mulf %get3A_419, %gather3A_282 : vector<16xf32>
        %add3A_421 = arith.addf %add3A_414, %mul3A_420 : vector<16xf32>
        %get3A_422 = arith.constant 3 : i32
        %get3A_423 = arith.index_cast %get3A_422 : i32 to index
        %get3A_424 = arith.index_cast %add3A_277 : i32 to index
        %get3A_425 = arith.constant 64 : index
        %get3A_426 = tpu.vector_load %arg22[%get3A_423, %get3A_424, %get3A_425] {strides = array<i32>} : memref<4x96x96xf32, #tpu.memory_space<vmem>>, vector<16xf32>,
        %mul3A_427 = arith.mulf %get3A_426, %gather3A_283 : vector<16xf32>
        %add3A_428 = arith.addf %add3A_421, %mul3A_427 : vector<16xf32>
        %swap3A_429 = arith.index_cast %add3A_277 : i32 to index
        %swap3A_430 = arith.constant 64 : index
        %swap3A_431 = tpu.vector_load %arg24[%swap3A_429, %swap3A_430] {strides = array<i32>} : memref<96x96xf32, #tpu.memory_space<vmem>>, vector<16xf32>,
        tpu.vector_store %arg24[%swap3A_429, %swap3A_430], %add3A_428 {strides = array<i32>} : memref<96x96xf32, #tpu.memory_space<vmem>>, vector<16xf32>,
        %get3A_432 = arith.constant 0 : i32
        %get3A_433 = arith.index_cast %get3A_432 : i32 to index
        %get3A_434 = arith.index_cast %add3A_277 : i32 to index
        %get3A_435 = arith.constant 80 : index
        %get3A_436 = tpu.vector_load %arg22[%get3A_433, %get3A_434, %get3A_435] {strides = array<i32>} : memref<4x96x96xf32, #tpu.memory_space<vmem>>, vector<16xf32>,
        %mul3A_437 = arith.mulf %get3A_436, %gather3A : vector<16xf32>
        %get3A_438 = arith.constant 1 : i32
        %get3A_439 = arith.index_cast %get3A_438 : i32 to index
        %get3A_440 = arith.index_cast %add3A_277 : i32 to index
        %get3A_441 = arith.constant 80 : index
        %get3A_442 = tpu.vector_load %arg22[%get3A_439, %get3A_440, %get3A_441] {strides = array<i32>} : memref<4x96x96xf32, #tpu.memory_space<vmem>>, vector<16xf32>,
        %mul3A_443 = arith.mulf %get3A_442, %gather3A_281 : vector<16xf32>
        %add3A_444 = arith.addf %mul3A_437, %mul3A_443 : vector<16xf32>
        %get3A_445 = arith.constant 2 : i32
        %get3A_446 = arith.index_cast %get3A_445 : i32 to index
        %get3A_447 = arith.index_cast %add3A_277 : i32 to index
        %get3A_448 = arith.constant 80 : index
        %get3A_449 = tpu.vector_load %arg22[%get3A_446, %get3A_447, %get3A_448] {strides = array<i32>} : memref<4x96x96xf32, #tpu.memory_space<vmem>>, vector<16xf32>,
        %mul3A_450 = arith.mulf %get3A_449, %gather3A_282 : vector<16xf32>
        %add3A_451 = arith.addf %add3A_444, %mul3A_450 : vector<16xf32>
        %get3A_452 = arith.constant 3 : i32
        %get3A_453 = arith.index_cast %get3A_452 : i32 to index
        %get3A_454 = arith.index_cast %add3A_277 : i32 to index
        %get3A_455 = arith.constant 80 : index
        %get3A_456 = tpu.vector_load %arg22[%get3A_453, %get3A_454, %get3A_455] {strides = array<i32>} : memref<4x96x96xf32, #tpu.memory_space<vmem>>, vector<16xf32>,
        %mul3A_457 = arith.mulf %get3A_456, %gather3A_283 : vector<16xf32>
        %add3A_458 = arith.addf %add3A_451, %mul3A_457 : vector<16xf32>
        %swap3A_459 = arith.index_cast %add3A_277 : i32 to index
        %swap3A_460 = arith.constant 80 : index
        %swap3A_461 = tpu.vector_load %arg24[%swap3A_459, %swap3A_460] {strides = array<i32>} : memref<96x96xf32, #tpu.memory_space<vmem>>, vector<16xf32>,
        tpu.vector_store %arg24[%swap3A_459, %swap3A_460], %add3A_458 {strides = array<i32>} : memref<96x96xf32, #tpu.memory_space<vmem>>, vector<16xf32>,
        %mul3A_462 = arith.constant 2 : i32
        %mul3A_463 = arith.muli %scan3A_272, %mul3A_462 : i32
        %add3A_464 = arith.constant 1 : i32
        %add3A_465 = arith.addi %mul3A_463, %add3A_464 : i32
        %broadcast_in_dim3A_466 = arith.constant 0 : i32
        %broadcast_in_dim3A_467 = vector.broadcast %broadcast_in_dim3A_466 : i32 to vector<16xi32>
        %add3A_468 = vector.broadcast %add3A_465 : i32 to vector<16xi32>
        %add3A_469 = arith.addi %broadcast_in_dim3A_467, %add3A_468 : vector<16xi32>
        %gather3A_470 = tpu.vector_load_idx %arg14[%add3A_469] : memref<96xf32, #tpu.memory_space<vmem>>[vector<16xi32>], vector<16xf32>,
        %gather3A_471 = tpu.vector_load_idx %arg15[%add3A_469] : memref<96xf32, #tpu.memory_space<vmem>>[vector<16xi32>], vector<16xf32>,
        %gather3A_472 = tpu.vector_load_idx %arg16[%add3A_469] : memref<96xf32, #tpu.memory_space<vmem>>[vector<16xi32>], vector<16xf32>,
        %gather3A_473 = tpu.vector_load_idx %arg17[%add3A_469] : memref<96xf32, #tpu.memory_space<vmem>>[vector<16xi32>], vector<16xf32>,
        %get3A_474 = arith.constant 0 : i32
        %get3A_475 = arith.index_cast %get3A_474 : i32 to index
        %get3A_476 = arith.index_cast %add3A_465 : i32 to index
        %get3A_477 = arith.constant 0 : index
        %get3A_478 = tpu.vector_load %arg22[%get3A_475, %get3A_476, %get3A_477] {strides = array<i32>} : memref<4x96x96xf32, #tpu.memory_space<vmem>>, vector<16xf32>,
        %mul3A_479 = arith.mulf %get3A_478, %gather3A_470 : vector<16xf32>
        %get3A_480 = arith.constant 1 : i32
        %get3A_481 = arith.index_cast %get3A_480 : i32 to index
        %get3A_482 = arith.index_cast %add3A_465 : i32 to index
        %get3A_483 = arith.constant 0 : index
        %get3A_484 = tpu.vector_load %arg22[%get3A_481, %get3A_482, %get3A_483] {strides = array<i32>} : memref<4x96x96xf32, #tpu.memory_space<vmem>>, vector<16xf32>,
        %mul3A_485 = arith.mulf %get3A_484, %gather3A_471 : vector<16xf32>
        %add3A_486 = arith.addf %mul3A_479, %mul3A_485 : vector<16xf32>
        %get3A_487 = arith.constant 2 : i32
        %get3A_488 = arith.index_cast %get3A_487 : i32 to index
        %get3A_489 = arith.index_cast %add3A_465 : i32 to index
        %get3A_490 = arith.constant 0 : index
        %get3A_491 = tpu.vector_load %arg22[%get3A_488, %get3A_489, %get3A_490] {strides = array<i32>} : memref<4x96x96xf32, #tpu.memory_space<vmem>>, vector<16xf32>,
        %mul3A_492 = arith.mulf %get3A_491, %gather3A_472 : vector<16xf32>
        %add3A_493 = arith.addf %add3A_486, %mul3A_492 : vector<16xf32>
        %get3A_494 = arith.constant 3 : i32
        %get3A_495 = arith.index_cast %get3A_494 : i32 to index
        %get3A_496 = arith.index_cast %add3A_465 : i32 to index
        %get3A_497 = arith.constant 0 : index
        %get3A_498 = tpu.vector_load %arg22[%get3A_495, %get3A_496, %get3A_497] {strides = array<i32>} : memref<4x96x96xf32, #tpu.memory_space<vmem>>, vector<16xf32>,
        %mul3A_499 = arith.mulf %get3A_498, %gather3A_473 : vector<16xf32>
        %add3A_500 = arith.addf %add3A_493, %mul3A_499 : vector<16xf32>
        %swap3A_501 = arith.index_cast %add3A_465 : i32 to index
        %swap3A_502 = arith.constant 0 : index
        %swap3A_503 = tpu.vector_load %arg24[%swap3A_501, %swap3A_502] {strides = array<i32>} : memref<96x96xf32, #tpu.memory_space<vmem>>, vector<16xf32>,
        tpu.vector_store %arg24[%swap3A_501, %swap3A_502], %add3A_500 {strides = array<i32>} : memref<96x96xf32, #tpu.memory_space<vmem>>, vector<16xf32>,
        %get3A_504 = arith.constant 0 : i32
        %get3A_505 = arith.index_cast %get3A_504 : i32 to index
        %get3A_506 = arith.index_cast %add3A_465 : i32 to index
        %get3A_507 = arith.constant 16 : index
        %get3A_508 = tpu.vector_load %arg22[%get3A_505, %get3A_506, %get3A_507] {strides = array<i32>} : memref<4x96x96xf32, #tpu.memory_space<vmem>>, vector<16xf32>,
        %mul3A_509 = arith.mulf %get3A_508, %gather3A_470 : vector<16xf32>
        %get3A_510 = arith.constant 1 : i32
        %get3A_511 = arith.index_cast %get3A_510 : i32 to index
        %get3A_512 = arith.index_cast %add3A_465 : i32 to index
        %get3A_513 = arith.constant 16 : index
        %get3A_514 = tpu.vector_load %arg22[%get3A_511, %get3A_512, %get3A_513] {strides = array<i32>} : memref<4x96x96xf32, #tpu.memory_space<vmem>>, vector<16xf32>,
        %mul3A_515 = arith.mulf %get3A_514, %gather3A_471 : vector<16xf32>
        %add3A_516 = arith.addf %mul3A_509, %mul3A_515 : vector<16xf32>
        %get3A_517 = arith.constant 2 : i32
        %get3A_518 = arith.index_cast %get3A_517 : i32 to index
        %get3A_519 = arith.index_cast %add3A_465 : i32 to index
        %get3A_520 = arith.constant 16 : index
        %get3A_521 = tpu.vector_load %arg22[%get3A_518, %get3A_519, %get3A_520] {strides = array<i32>} : memref<4x96x96xf32, #tpu.memory_space<vmem>>, vector<16xf32>,
        %mul3A_522 = arith.mulf %get3A_521, %gather3A_472 : vector<16xf32>
        %add3A_523 = arith.addf %add3A_516, %mul3A_522 : vector<16xf32>
        %get3A_524 = arith.constant 3 : i32
        %get3A_525 = arith.index_cast %get3A_524 : i32 to index
        %get3A_526 = arith.index_cast %add3A_465 : i32 to index
        %get3A_527 = arith.constant 16 : index
        %get3A_528 = tpu.vector_load %arg22[%get3A_525, %get3A_526, %get3A_527] {strides = array<i32>} : memref<4x96x96xf32, #tpu.memory_space<vmem>>, vector<16xf32>,
        %mul3A_529 = arith.mulf %get3A_528, %gather3A_473 : vector<16xf32>
        %add3A_530 = arith.addf %add3A_523, %mul3A_529 : vector<16xf32>
        %swap3A_531 = arith.index_cast %add3A_465 : i32 to index
        %swap3A_532 = arith.constant 16 : index
        %swap3A_533 = tpu.vector_load %arg24[%swap3A_531, %swap3A_532] {strides = array<i32>} : memref<96x96xf32, #tpu.memory_space<vmem>>, vector<16xf32>,
        tpu.vector_store %arg24[%swap3A_531, %swap3A_532], %add3A_530 {strides = array<i32>} : memref<96x96xf32, #tpu.memory_space<vmem>>, vector<16xf32>,
        %get3A_534 = arith.constant 0 : i32
        %get3A_535 = arith.index_cast %get3A_534 : i32 to index
        %get3A_536 = arith.index_cast %add3A_465 : i32 to index
        %get3A_537 = arith.constant 32 : index
        %get3A_538 = tpu.vector_load %arg22[%get3A_535, %get3A_536, %get3A_537] {strides = array<i32>} : memref<4x96x96xf32, #tpu.memory_space<vmem>>, vector<16xf32>,
        %mul3A_539 = arith.mulf %get3A_538, %gather3A_470 : vector<16xf32>
        %get3A_540 = arith.constant 1 : i32
        %get3A_541 = arith.index_cast %get3A_540 : i32 to index
        %get3A_542 = arith.index_cast %add3A_465 : i32 to index
        %get3A_543 = arith.constant 32 : index
        %get3A_544 = tpu.vector_load %arg22[%get3A_541, %get3A_542, %get3A_543] {strides = array<i32>} : memref<4x96x96xf32, #tpu.memory_space<vmem>>, vector<16xf32>,
        %mul3A_545 = arith.mulf %get3A_544, %gather3A_471 : vector<16xf32>
        %add3A_546 = arith.addf %mul3A_539, %mul3A_545 : vector<16xf32>
        %get3A_547 = arith.constant 2 : i32
        %get3A_548 = arith.index_cast %get3A_547 : i32 to index
        %get3A_549 = arith.index_cast %add3A_465 : i32 to index
        %get3A_550 = arith.constant 32 : index
        %get3A_551 = tpu.vector_load %arg22[%get3A_548, %get3A_549, %get3A_550] {strides = array<i32>} : memref<4x96x96xf32, #tpu.memory_space<vmem>>, vector<16xf32>,
        %mul3A_552 = arith.mulf %get3A_551, %gather3A_472 : vector<16xf32>
        %add3A_553 = arith.addf %add3A_546, %mul3A_552 : vector<16xf32>
        %get3A_554 = arith.constant 3 : i32
        %get3A_555 = arith.index_cast %get3A_554 : i32 to index
        %get3A_556 = arith.index_cast %add3A_465 : i32 to index
        %get3A_557 = arith.constant 32 : index
        %get3A_558 = tpu.vector_load %arg22[%get3A_555, %get3A_556, %get3A_557] {strides = array<i32>} : memref<4x96x96xf32, #tpu.memory_space<vmem>>, vector<16xf32>,
        %mul3A_559 = arith.mulf %get3A_558, %gather3A_473 : vector<16xf32>
        %add3A_560 = arith.addf %add3A_553, %mul3A_559 : vector<16xf32>
        %swap3A_561 = arith.index_cast %add3A_465 : i32 to index
        %swap3A_562 = arith.constant 32 : index
        %swap3A_563 = tpu.vector_load %arg24[%swap3A_561, %swap3A_562] {strides = array<i32>} : memref<96x96xf32, #tpu.memory_space<vmem>>, vector<16xf32>,
        tpu.vector_store %arg24[%swap3A_561, %swap3A_562], %add3A_560 {strides = array<i32>} : memref<96x96xf32, #tpu.memory_space<vmem>>, vector<16xf32>,
        %get3A_564 = arith.constant 0 : i32
        %get3A_565 = arith.index_cast %get3A_564 : i32 to index
        %get3A_566 = arith.index_cast %add3A_465 : i32 to index
        %get3A_567 = arith.constant 48 : index
        %get3A_568 = tpu.vector_load %arg22[%get3A_565, %get3A_566, %get3A_567] {strides = array<i32>} : memref<4x96x96xf32, #tpu.memory_space<vmem>>, vector<16xf32>,
        %mul3A_569 = arith.mulf %get3A_568, %gather3A_470 : vector<16xf32>
        %get3A_570 = arith.constant 1 : i32
        %get3A_571 = arith.index_cast %get3A_570 : i32 to index
        %get3A_572 = arith.index_cast %add3A_465 : i32 to index
        %get3A_573 = arith.constant 48 : index
        %get3A_574 = tpu.vector_load %arg22[%get3A_571, %get3A_572, %get3A_573] {strides = array<i32>} : memref<4x96x96xf32, #tpu.memory_space<vmem>>, vector<16xf32>,
        %mul3A_575 = arith.mulf %get3A_574, %gather3A_471 : vector<16xf32>
        %add3A_576 = arith.addf %mul3A_569, %mul3A_575 : vector<16xf32>
        %get3A_577 = arith.constant 2 : i32
        %get3A_578 = arith.index_cast %get3A_577 : i32 to index
        %get3A_579 = arith.index_cast %add3A_465 : i32 to index
        %get3A_580 = arith.constant 48 : index
        %get3A_581 = tpu.vector_load %arg22[%get3A_578, %get3A_579, %get3A_580] {strides = array<i32>} : memref<4x96x96xf32, #tpu.memory_space<vmem>>, vector<16xf32>,
        %mul3A_582 = arith.mulf %get3A_581, %gather3A_472 : vector<16xf32>
        %add3A_583 = arith.addf %add3A_576, %mul3A_582 : vector<16xf32>
        %get3A_584 = arith.constant 3 : i32
        %get3A_585 = arith.index_cast %get3A_584 : i32 to index
        %get3A_586 = arith.index_cast %add3A_465 : i32 to index
        %get3A_587 = arith.constant 48 : index
        %get3A_588 = tpu.vector_load %arg22[%get3A_585, %get3A_586, %get3A_587] {strides = array<i32>} : memref<4x96x96xf32, #tpu.memory_space<vmem>>, vector<16xf32>,
        %mul3A_589 = arith.mulf %get3A_588, %gather3A_473 : vector<16xf32>
        %add3A_590 = arith.addf %add3A_583, %mul3A_589 : vector<16xf32>
        %swap3A_591 = arith.index_cast %add3A_465 : i32 to index
        %swap3A_592 = arith.constant 48 : index
        %swap3A_593 = tpu.vector_load %arg24[%swap3A_591, %swap3A_592] {strides = array<i32>} : memref<96x96xf32, #tpu.memory_space<vmem>>, vector<16xf32>,
        tpu.vector_store %arg24[%swap3A_591, %swap3A_592], %add3A_590 {strides = array<i32>} : memref<96x96xf32, #tpu.memory_space<vmem>>, vector<16xf32>,
        %get3A_594 = arith.constant 0 : i32
        %get3A_595 = arith.index_cast %get3A_594 : i32 to index
        %get3A_596 = arith.index_cast %add3A_465 : i32 to index
        %get3A_597 = arith.constant 64 : index
        %get3A_598 = tpu.vector_load %arg22[%get3A_595, %get3A_596, %get3A_597] {strides = array<i32>} : memref<4x96x96xf32, #tpu.memory_space<vmem>>, vector<16xf32>,
        %mul3A_599 = arith.mulf %get3A_598, %gather3A_470 : vector<16xf32>
        %get3A_600 = arith.constant 1 : i32
        %get3A_601 = arith.index_cast %get3A_600 : i32 to index
        %get3A_602 = arith.index_cast %add3A_465 : i32 to index
        %get3A_603 = arith.constant 64 : index
        %get3A_604 = tpu.vector_load %arg22[%get3A_601, %get3A_602, %get3A_603] {strides = array<i32>} : memref<4x96x96xf32, #tpu.memory_space<vmem>>, vector<16xf32>,
        %mul3A_605 = arith.mulf %get3A_604, %gather3A_471 : vector<16xf32>
        %add3A_606 = arith.addf %mul3A_599, %mul3A_605 : vector<16xf32>
        %get3A_607 = arith.constant 2 : i32
        %get3A_608 = arith.index_cast %get3A_607 : i32 to index
        %get3A_609 = arith.index_cast %add3A_465 : i32 to index
        %get3A_610 = arith.constant 64 : index
        %get3A_611 = tpu.vector_load %arg22[%get3A_608, %get3A_609, %get3A_610] {strides = array<i32>} : memref<4x96x96xf32, #tpu.memory_space<vmem>>, vector<16xf32>,
        %mul3A_612 = arith.mulf %get3A_611, %gather3A_472 : vector<16xf32>
        %add3A_613 = arith.addf %add3A_606, %mul3A_612 : vector<16xf32>
        %get3A_614 = arith.constant 3 : i32
        %get3A_615 = arith.index_cast %get3A_614 : i32 to index
        %get3A_616 = arith.index_cast %add3A_465 : i32 to index
        %get3A_617 = arith.constant 64 : index
        %get3A_618 = tpu.vector_load %arg22[%get3A_615, %get3A_616, %get3A_617] {strides = array<i32>} : memref<4x96x96xf32, #tpu.memory_space<vmem>>, vector<16xf32>,
        %mul3A_619 = arith.mulf %get3A_618, %gather3A_473 : vector<16xf32>
        %add3A_620 = arith.addf %add3A_613, %mul3A_619 : vector<16xf32>
        %swap3A_621 = arith.index_cast %add3A_465 : i32 to index
        %swap3A_622 = arith.constant 64 : index
        %swap3A_623 = tpu.vector_load %arg24[%swap3A_621, %swap3A_622] {strides = array<i32>} : memref<96x96xf32, #tpu.memory_space<vmem>>, vector<16xf32>,
        tpu.vector_store %arg24[%swap3A_621, %swap3A_622], %add3A_620 {strides = array<i32>} : memref<96x96xf32, #tpu.memory_space<vmem>>, vector<16xf32>,
        %get3A_624 = arith.constant 0 : i32
        %get3A_625 = arith.index_cast %get3A_624 : i32 to index
        %get3A_626 = arith.index_cast %add3A_465 : i32 to index
        %get3A_627 = arith.constant 80 : index
        %get3A_628 = tpu.vector_load %arg22[%get3A_625, %get3A_626, %get3A_627] {strides = array<i32>} : memref<4x96x96xf32, #tpu.memory_space<vmem>>, vector<16xf32>,
        %mul3A_629 = arith.mulf %get3A_628, %gather3A_470 : vector<16xf32>
        %get3A_630 = arith.constant 1 : i32
        %get3A_631 = arith.index_cast %get3A_630 : i32 to index
        %get3A_632 = arith.index_cast %add3A_465 : i32 to index
        %get3A_633 = arith.constant 80 : index
        %get3A_634 = tpu.vector_load %arg22[%get3A_631, %get3A_632, %get3A_633] {strides = array<i32>} : memref<4x96x96xf32, #tpu.memory_space<vmem>>, vector<16xf32>,
        %mul3A_635 = arith.mulf %get3A_634, %gather3A_471 : vector<16xf32>
        %add3A_636 = arith.addf %mul3A_629, %mul3A_635 : vector<16xf32>
        %get3A_637 = arith.constant 2 : i32
        %get3A_638 = arith.index_cast %get3A_637 : i32 to index
        %get3A_639 = arith.index_cast %add3A_465 : i32 to index
        %get3A_640 = arith.constant 80 : index
        %get3A_641 = tpu.vector_load %arg22[%get3A_638, %get3A_639, %get3A_640] {strides = array<i32>} : memref<4x96x96xf32, #tpu.memory_space<vmem>>, vector<16xf32>,
        %mul3A_642 = arith.mulf %get3A_641, %gather3A_472 : vector<16xf32>
        %add3A_643 = arith.addf %add3A_636, %mul3A_642 : vector<16xf32>
        %get3A_644 = arith.constant 3 : i32
        %get3A_645 = arith.index_cast %get3A_644 : i32 to index
        %get3A_646 = arith.index_cast %add3A_465 : i32 to index
        %get3A_647 = arith.constant 80 : index
        %get3A_648 = tpu.vector_load %arg22[%get3A_645, %get3A_646, %get3A_647] {strides = array<i32>} : memref<4x96x96xf32, #tpu.memory_space<vmem>>, vector<16xf32>,
        %mul3A_649 = arith.mulf %get3A_648, %gather3A_473 : vector<16xf32>
        %add3A_650 = arith.addf %add3A_643, %mul3A_649 : vector<16xf32>
        %swap3A_651 = arith.index_cast %add3A_465 : i32 to index
        %swap3A_652 = arith.constant 80 : index
        %swap3A_653 = tpu.vector_load %arg24[%swap3A_651, %swap3A_652] {strides = array<i32>} : memref<96x96xf32, #tpu.memory_space<vmem>>, vector<16xf32>,
        tpu.vector_store %arg24[%swap3A_651, %swap3A_652], %add3A_650 {strides = array<i32>} : memref<96x96xf32, #tpu.memory_space<vmem>>, vector<16xf32>,
        %scan3A_654 = arith.constant 0 : i32
        scf.yield %scan3A_654 : i32
      }
      %scan3A_201 = arith.constant 48 : i32
      %mul3A_202 = arith.constant 96 : i32
      %mul3A_203 = arith.muli %add3A_154, %mul3A_202 : i32
      %add3A_204 = arith.addi %mul3A_2, %mul3A_203 : i32
      %dma_start3A_205 = arith.constant 0 : i32
      %dma_start3A_206 = tpu.memref_slice %arg5[%add3A_204, %dma_start3A_205] : memref<147456x96xf32, #tpu.memory_space<hbm>> -> memref<96x96xf32, #tpu.memory_space<hbm>>
      %dma_start3A_207 = arith.constant 0 : i32
      %dma_start3A_208 = tpu.memref_slice %arg5[%add3A_204, %dma_start3A_207] : memref<147456x96xf32, #tpu.memory_space<hbm>> -> memref<96x96xf32, #tpu.memory_space<hbm>>
      tpu.enqueue_dma source(%arg24 : memref<96x96xf32, #tpu.memory_space<vmem>>) target(%dma_start3A_208 : memref<96x96xf32, #tpu.memory_space<hbm>>) target_semaphore(%arg30 : memref<!tpu.dma_semaphore, #tpu.memory_space<semaphore_mem>>)
      %mul3A_209 = arith.constant 2 : i32
      %mul3A_210 = arith.muli %mul3A_209, %scan3A_149 : i32
      %add3A_211 = arith.constant 1 : i32
      %add3A_212 = arith.addi %mul3A_210, %add3A_211 : i32
      %add3A_213 = arith.constant 1 : i32
      %add3A_214 = arith.addi %add3A_212, %add3A_213 : i32
      %lt3A_215 = arith.constant 48 : i32
      %lt3A_216 = arith.cmpi slt, %add3A_214, %lt3A_215 : i32
      %convert_element_type3A_217 = arith.extui %lt3A_216 : i1 to i32
      %cond3A_218 = arith.constant 0 : i32
      %cond3A_219 = arith.cmpi ne, %convert_element_type3A_217, %cond3A_218 : i32
      scf.if %cond3A_219 {
        %add3A_272 = arith.constant 1 : i32
        %add3A_273 = arith.addi %add3A_212, %add3A_272 : i32
        %mul3A_274 = arith.constant 96 : i32
        %mul3A_275 = arith.muli %add3A_273, %mul3A_274 : i32
        %add3A_276 = arith.addi %mul3A_2, %mul3A_275 : i32
        %dma_start3A_277 = arith.constant 0 : i32
        %dma_start3A_278 = tpu.memref_slice %arg3[%dma_start3A_277, %add3A_276] : memref<4x147456xi32, #tpu.memory_space<hbm>> -> memref<1x96xi32, #tpu.memory_space<hbm>>
        %dma_start3A_279 = tpu.memref_squeeze %dma_start3A_278 : memref<1x96xi32, #tpu.memory_space<hbm>> -> memref<96xi32, #tpu.memory_space<hbm>>
        %dma_start3A_280 = tpu.memref_slice %arg3[%dma_start3A_277, %add3A_276] : memref<4x147456xi32, #tpu.memory_space<hbm>> -> memref<1x96xi32, #tpu.memory_space<hbm>>
        %dma_start3A_281 = tpu.memref_squeeze %dma_start3A_280 : memref<1x96xi32, #tpu.memory_space<hbm>> -> memref<96xi32, #tpu.memory_space<hbm>>
        tpu.enqueue_dma source(%dma_start3A_281 : memref<96xi32, #tpu.memory_space<hbm>>) target(%arg6 : memref<96xi32, #tpu.memory_space<vmem>>) target_semaphore(%arg26 : memref<!tpu.dma_semaphore, #tpu.memory_space<semaphore_mem>>)
        %dma_start3A_282 = arith.constant 0 : i32
        %dma_start3A_283 = tpu.memref_slice %arg4[%dma_start3A_282, %add3A_276] : memref<4x147456xf32, #tpu.memory_space<hbm>> -> memref<1x96xf32, #tpu.memory_space<hbm>>
        %dma_start3A_284 = tpu.memref_squeeze %dma_start3A_283 : memref<1x96xf32, #tpu.memory_space<hbm>> -> memref<96xf32, #tpu.memory_space<hbm>>
        %dma_start3A_285 = tpu.memref_slice %arg4[%dma_start3A_282, %add3A_276] : memref<4x147456xf32, #tpu.memory_space<hbm>> -> memref<1x96xf32, #tpu.memory_space<hbm>>
        %dma_start3A_286 = tpu.memref_squeeze %dma_start3A_285 : memref<1x96xf32, #tpu.memory_space<hbm>> -> memref<96xf32, #tpu.memory_space<hbm>>
        tpu.enqueue_dma source(%dma_start3A_286 : memref<96xf32, #tpu.memory_space<hbm>>) target(%arg14 : memref<96xf32, #tpu.memory_space<vmem>>) target_semaphore(%arg26 : memref<!tpu.dma_semaphore, #tpu.memory_space<semaphore_mem>>)
        %dma_start3A_287 = arith.constant 1 : i32
        %dma_start3A_288 = tpu.memref_slice %arg3[%dma_start3A_287, %add3A_276] : memref<4x147456xi32, #tpu.memory_space<hbm>> -> memref<1x96xi32, #tpu.memory_space<hbm>>
        %dma_start3A_289 = tpu.memref_squeeze %dma_start3A_288 : memref<1x96xi32, #tpu.memory_space<hbm>> -> memref<96xi32, #tpu.memory_space<hbm>>
        %dma_start3A_290 = tpu.memref_slice %arg3[%dma_start3A_287, %add3A_276] : memref<4x147456xi32, #tpu.memory_space<hbm>> -> memref<1x96xi32, #tpu.memory_space<hbm>>
        %dma_start3A_291 = tpu.memref_squeeze %dma_start3A_290 : memref<1x96xi32, #tpu.memory_space<hbm>> -> memref<96xi32, #tpu.memory_space<hbm>>
        tpu.enqueue_dma source(%dma_start3A_291 : memref<96xi32, #tpu.memory_space<hbm>>) target(%arg7 : memref<96xi32, #tpu.memory_space<vmem>>) target_semaphore(%arg26 : memref<!tpu.dma_semaphore, #tpu.memory_space<semaphore_mem>>)
        %dma_start3A_292 = arith.constant 1 : i32
        %dma_start3A_293 = tpu.memref_slice %arg4[%dma_start3A_292, %add3A_276] : memref<4x147456xf32, #tpu.memory_space<hbm>> -> memref<1x96xf32, #tpu.memory_space<hbm>>
        %dma_start3A_294 = tpu.memref_squeeze %dma_start3A_293 : memref<1x96xf32, #tpu.memory_space<hbm>> -> memref<96xf32, #tpu.memory_space<hbm>>
        %dma_start3A_295 = tpu.memref_slice %arg4[%dma_start3A_292, %add3A_276] : memref<4x147456xf32, #tpu.memory_space<hbm>> -> memref<1x96xf32, #tpu.memory_space<hbm>>
        %dma_start3A_296 = tpu.memref_squeeze %dma_start3A_295 : memref<1x96xf32, #tpu.memory_space<hbm>> -> memref<96xf32, #tpu.memory_space<hbm>>
        tpu.enqueue_dma source(%dma_start3A_296 : memref<96xf32, #tpu.memory_space<hbm>>) target(%arg15 : memref<96xf32, #tpu.memory_space<vmem>>) target_semaphore(%arg26 : memref<!tpu.dma_semaphore, #tpu.memory_space<semaphore_mem>>)
        %dma_start3A_297 = arith.constant 2 : i32
        %dma_start3A_298 = tpu.memref_slice %arg3[%dma_start3A_297, %add3A_276] : memref<4x147456xi32, #tpu.memory_space<hbm>> -> memref<1x96xi32, #tpu.memory_space<hbm>>
        %dma_start3A_299 = tpu.memref_squeeze %dma_start3A_298 : memref<1x96xi32, #tpu.memory_space<hbm>> -> memref<96xi32, #tpu.memory_space<hbm>>
        %dma_start3A_300 = tpu.memref_slice %arg3[%dma_start3A_297, %add3A_276] : memref<4x147456xi32, #tpu.memory_space<hbm>> -> memref<1x96xi32, #tpu.memory_space<hbm>>
        %dma_start3A_301 = tpu.memref_squeeze %dma_start3A_300 : memref<1x96xi32, #tpu.memory_space<hbm>> -> memref<96xi32, #tpu.memory_space<hbm>>
        tpu.enqueue_dma source(%dma_start3A_301 : memref<96xi32, #tpu.memory_space<hbm>>) target(%arg8 : memref<96xi32, #tpu.memory_space<vmem>>) target_semaphore(%arg26 : memref<!tpu.dma_semaphore, #tpu.memory_space<semaphore_mem>>)
        %dma_start3A_302 = arith.constant 2 : i32
        %dma_start3A_303 = tpu.memref_slice %arg4[%dma_start3A_302, %add3A_276] : memref<4x147456xf32, #tpu.memory_space<hbm>> -> memref<1x96xf32, #tpu.memory_space<hbm>>
        %dma_start3A_304 = tpu.memref_squeeze %dma_start3A_303 : memref<1x96xf32, #tpu.memory_space<hbm>> -> memref<96xf32, #tpu.memory_space<hbm>>
        %dma_start3A_305 = tpu.memref_slice %arg4[%dma_start3A_302, %add3A_276] : memref<4x147456xf32, #tpu.memory_space<hbm>> -> memref<1x96xf32, #tpu.memory_space<hbm>>
        %dma_start3A_306 = tpu.memref_squeeze %dma_start3A_305 : memref<1x96xf32, #tpu.memory_space<hbm>> -> memref<96xf32, #tpu.memory_space<hbm>>
        tpu.enqueue_dma source(%dma_start3A_306 : memref<96xf32, #tpu.memory_space<hbm>>) target(%arg16 : memref<96xf32, #tpu.memory_space<vmem>>) target_semaphore(%arg26 : memref<!tpu.dma_semaphore, #tpu.memory_space<semaphore_mem>>)
        %dma_start3A_307 = arith.constant 3 : i32
        %dma_start3A_308 = tpu.memref_slice %arg3[%dma_start3A_307, %add3A_276] : memref<4x147456xi32, #tpu.memory_space<hbm>> -> memref<1x96xi32, #tpu.memory_space<hbm>>
        %dma_start3A_309 = tpu.memref_squeeze %dma_start3A_308 : memref<1x96xi32, #tpu.memory_space<hbm>> -> memref<96xi32, #tpu.memory_space<hbm>>
        %dma_start3A_310 = tpu.memref_slice %arg3[%dma_start3A_307, %add3A_276] : memref<4x147456xi32, #tpu.memory_space<hbm>> -> memref<1x96xi32, #tpu.memory_space<hbm>>
        %dma_start3A_311 = tpu.memref_squeeze %dma_start3A_310 : memref<1x96xi32, #tpu.memory_space<hbm>> -> memref<96xi32, #tpu.memory_space<hbm>>
        tpu.enqueue_dma source(%dma_start3A_311 : memref<96xi32, #tpu.memory_space<hbm>>) target(%arg9 : memref<96xi32, #tpu.memory_space<vmem>>) target_semaphore(%arg26 : memref<!tpu.dma_semaphore, #tpu.memory_space<semaphore_mem>>)
        %dma_start3A_312 = arith.constant 3 : i32
        %dma_start3A_313 = tpu.memref_slice %arg4[%dma_start3A_312, %add3A_276] : memref<4x147456xf32, #tpu.memory_space<hbm>> -> memref<1x96xf32, #tpu.memory_space<hbm>>
        %dma_start3A_314 = tpu.memref_squeeze %dma_start3A_313 : memref<1x96xf32, #tpu.memory_space<hbm>> -> memref<96xf32, #tpu.memory_space<hbm>>
        %dma_start3A_315 = tpu.memref_slice %arg4[%dma_start3A_312, %add3A_276] : memref<4x147456xf32, #tpu.memory_space<hbm>> -> memref<1x96xf32, #tpu.memory_space<hbm>>
        %dma_start3A_316 = tpu.memref_squeeze %dma_start3A_315 : memref<1x96xf32, #tpu.memory_space<hbm>> -> memref<96xf32, #tpu.memory_space<hbm>>
        tpu.enqueue_dma source(%dma_start3A_316 : memref<96xf32, #tpu.memory_space<hbm>>) target(%arg17 : memref<96xf32, #tpu.memory_space<vmem>>) target_semaphore(%arg26 : memref<!tpu.dma_semaphore, #tpu.memory_space<semaphore_mem>>)
        %dma_wait3A_317 = arith.constant 0 : i32
        %dma_wait3A_318 = arith.constant 0 : i32
        %dma_wait3A_319 = tpu.memref_slice %arg3[%dma_wait3A_317, %dma_wait3A_318] : memref<4x147456xi32, #tpu.memory_space<hbm>> -> memref<1x96xi32, #tpu.memory_space<hbm>>
        %dma_wait3A_320 = tpu.memref_squeeze %dma_wait3A_319 : memref<1x96xi32, #tpu.memory_space<hbm>> -> memref<96xi32, #tpu.memory_space<hbm>>
        %dma_wait3A_321 = arith.constant 0 : i32
        %dma_wait3A_322 = tpu.memref_slice %arg3[%dma_wait3A_317, %dma_wait3A_321] : memref<4x147456xi32, #tpu.memory_space<hbm>> -> memref<1x96xi32, #tpu.memory_space<hbm>>
        %dma_wait3A_323 = tpu.memref_squeeze %dma_wait3A_322 : memref<1x96xi32, #tpu.memory_space<hbm>> -> memref<96xi32, #tpu.memory_space<hbm>>
        tpu.wait_dma2 semaphore(%arg26 : memref<!tpu.dma_semaphore, #tpu.memory_space<semaphore_mem>>) src(%dma_wait3A_323 : memref<96xi32, #tpu.memory_space<hbm>>) dst(%arg6 : memref<96xi32, #tpu.memory_space<vmem>>)
        %dma_wait3A_324 = arith.constant 0 : i32
        %dma_wait3A_325 = arith.constant 0 : i32
        %dma_wait3A_326 = tpu.memref_slice %arg4[%dma_wait3A_324, %dma_wait3A_325] : memref<4x147456xf32, #tpu.memory_space<hbm>> -> memref<1x96xf32, #tpu.memory_space<hbm>>
        %dma_wait3A_327 = tpu.memref_squeeze %dma_wait3A_326 : memref<1x96xf32, #tpu.memory_space<hbm>> -> memref<96xf32, #tpu.memory_space<hbm>>
        %dma_wait3A_328 = arith.constant 0 : i32
        %dma_wait3A_329 = tpu.memref_slice %arg4[%dma_wait3A_324, %dma_wait3A_328] : memref<4x147456xf32, #tpu.memory_space<hbm>> -> memref<1x96xf32, #tpu.memory_space<hbm>>
        %dma_wait3A_330 = tpu.memref_squeeze %dma_wait3A_329 : memref<1x96xf32, #tpu.memory_space<hbm>> -> memref<96xf32, #tpu.memory_space<hbm>>
        tpu.wait_dma2 semaphore(%arg26 : memref<!tpu.dma_semaphore, #tpu.memory_space<semaphore_mem>>) src(%dma_wait3A_330 : memref<96xf32, #tpu.memory_space<hbm>>) dst(%arg14 : memref<96xf32, #tpu.memory_space<vmem>>)
        %dma_wait3A_331 = arith.constant 0 : i32
        %dma_wait3A_332 = arith.constant 0 : i32
        %dma_wait3A_333 = tpu.memref_slice %arg3[%dma_wait3A_331, %dma_wait3A_332] : memref<4x147456xi32, #tpu.memory_space<hbm>> -> memref<1x96xi32, #tpu.memory_space<hbm>>
        %dma_wait3A_334 = tpu.memref_squeeze %dma_wait3A_333 : memref<1x96xi32, #tpu.memory_space<hbm>> -> memref<96xi32, #tpu.memory_space<hbm>>
        %dma_wait3A_335 = arith.constant 0 : i32
        %dma_wait3A_336 = tpu.memref_slice %arg3[%dma_wait3A_331, %dma_wait3A_335] : memref<4x147456xi32, #tpu.memory_space<hbm>> -> memref<1x96xi32, #tpu.memory_space<hbm>>
        %dma_wait3A_337 = tpu.memref_squeeze %dma_wait3A_336 : memref<1x96xi32, #tpu.memory_space<hbm>> -> memref<96xi32, #tpu.memory_space<hbm>>
        tpu.wait_dma2 semaphore(%arg26 : memref<!tpu.dma_semaphore, #tpu.memory_space<semaphore_mem>>) src(%dma_wait3A_337 : memref<96xi32, #tpu.memory_space<hbm>>) dst(%arg7 : memref<96xi32, #tpu.memory_space<vmem>>)
        %dma_wait3A_338 = arith.constant 0 : i32
        %dma_wait3A_339 = arith.constant 0 : i32
        %dma_wait3A_340 = tpu.memref_slice %arg4[%dma_wait3A_338, %dma_wait3A_339] : memref<4x147456xf32, #tpu.memory_space<hbm>> -> memref<1x96xf32, #tpu.memory_space<hbm>>
        %dma_wait3A_341 = tpu.memref_squeeze %dma_wait3A_340 : memref<1x96xf32, #tpu.memory_space<hbm>> -> memref<96xf32, #tpu.memory_space<hbm>>
        %dma_wait3A_342 = arith.constant 0 : i32
        %dma_wait3A_343 = tpu.memref_slice %arg4[%dma_wait3A_338, %dma_wait3A_342] : memref<4x147456xf32, #tpu.memory_space<hbm>> -> memref<1x96xf32, #tpu.memory_space<hbm>>
        %dma_wait3A_344 = tpu.memref_squeeze %dma_wait3A_343 : memref<1x96xf32, #tpu.memory_space<hbm>> -> memref<96xf32, #tpu.memory_space<hbm>>
        tpu.wait_dma2 semaphore(%arg26 : memref<!tpu.dma_semaphore, #tpu.memory_space<semaphore_mem>>) src(%dma_wait3A_344 : memref<96xf32, #tpu.memory_space<hbm>>) dst(%arg15 : memref<96xf32, #tpu.memory_space<vmem>>)
        %dma_wait3A_345 = arith.constant 0 : i32
        %dma_wait3A_346 = arith.constant 0 : i32
        %dma_wait3A_347 = tpu.memref_slice %arg3[%dma_wait3A_345, %dma_wait3A_346] : memref<4x147456xi32, #tpu.memory_space<hbm>> -> memref<1x96xi32, #tpu.memory_space<hbm>>
        %dma_wait3A_348 = tpu.memref_squeeze %dma_wait3A_347 : memref<1x96xi32, #tpu.memory_space<hbm>> -> memref<96xi32, #tpu.memory_space<hbm>>
        %dma_wait3A_349 = arith.constant 0 : i32
        %dma_wait3A_350 = tpu.memref_slice %arg3[%dma_wait3A_345, %dma_wait3A_349] : memref<4x147456xi32, #tpu.memory_space<hbm>> -> memref<1x96xi32, #tpu.memory_space<hbm>>
        %dma_wait3A_351 = tpu.memref_squeeze %dma_wait3A_350 : memref<1x96xi32, #tpu.memory_space<hbm>> -> memref<96xi32, #tpu.memory_space<hbm>>
        tpu.wait_dma2 semaphore(%arg26 : memref<!tpu.dma_semaphore, #tpu.memory_space<semaphore_mem>>) src(%dma_wait3A_351 : memref<96xi32, #tpu.memory_space<hbm>>) dst(%arg8 : memref<96xi32, #tpu.memory_space<vmem>>)
        %dma_wait3A_352 = arith.constant 0 : i32
        %dma_wait3A_353 = arith.constant 0 : i32
        %dma_wait3A_354 = tpu.memref_slice %arg4[%dma_wait3A_352, %dma_wait3A_353] : memref<4x147456xf32, #tpu.memory_space<hbm>> -> memref<1x96xf32, #tpu.memory_space<hbm>>
        %dma_wait3A_355 = tpu.memref_squeeze %dma_wait3A_354 : memref<1x96xf32, #tpu.memory_space<hbm>> -> memref<96xf32, #tpu.memory_space<hbm>>
        %dma_wait3A_356 = arith.constant 0 : i32
        %dma_wait3A_357 = tpu.memref_slice %arg4[%dma_wait3A_352, %dma_wait3A_356] : memref<4x147456xf32, #tpu.memory_space<hbm>> -> memref<1x96xf32, #tpu.memory_space<hbm>>
        %dma_wait3A_358 = tpu.memref_squeeze %dma_wait3A_357 : memref<1x96xf32, #tpu.memory_space<hbm>> -> memref<96xf32, #tpu.memory_space<hbm>>
        tpu.wait_dma2 semaphore(%arg26 : memref<!tpu.dma_semaphore, #tpu.memory_space<semaphore_mem>>) src(%dma_wait3A_358 : memref<96xf32, #tpu.memory_space<hbm>>) dst(%arg16 : memref<96xf32, #tpu.memory_space<vmem>>)
        %dma_wait3A_359 = arith.constant 0 : i32
        %dma_wait3A_360 = arith.constant 0 : i32
        %dma_wait3A_361 = tpu.memref_slice %arg3[%dma_wait3A_359, %dma_wait3A_360] : memref<4x147456xi32, #tpu.memory_space<hbm>> -> memref<1x96xi32, #tpu.memory_space<hbm>>
        %dma_wait3A_362 = tpu.memref_squeeze %dma_wait3A_361 : memref<1x96xi32, #tpu.memory_space<hbm>> -> memref<96xi32, #tpu.memory_space<hbm>>
        %dma_wait3A_363 = arith.constant 0 : i32
        %dma_wait3A_364 = tpu.memref_slice %arg3[%dma_wait3A_359, %dma_wait3A_363] : memref<4x147456xi32, #tpu.memory_space<hbm>> -> memref<1x96xi32, #tpu.memory_space<hbm>>
        %dma_wait3A_365 = tpu.memref_squeeze %dma_wait3A_364 : memref<1x96xi32, #tpu.memory_space<hbm>> -> memref<96xi32, #tpu.memory_space<hbm>>
        tpu.wait_dma2 semaphore(%arg26 : memref<!tpu.dma_semaphore, #tpu.memory_space<semaphore_mem>>) src(%dma_wait3A_365 : memref<96xi32, #tpu.memory_space<hbm>>) dst(%arg9 : memref<96xi32, #tpu.memory_space<vmem>>)
        %dma_wait3A_366 = arith.constant 0 : i32
        %dma_wait3A_367 = arith.constant 0 : i32
        %dma_wait3A_368 = tpu.memref_slice %arg4[%dma_wait3A_366, %dma_wait3A_367] : memref<4x147456xf32, #tpu.memory_space<hbm>> -> memref<1x96xf32, #tpu.memory_space<hbm>>
        %dma_wait3A_369 = tpu.memref_squeeze %dma_wait3A_368 : memref<1x96xf32, #tpu.memory_space<hbm>> -> memref<96xf32, #tpu.memory_space<hbm>>
        %dma_wait3A_370 = arith.constant 0 : i32
        %dma_wait3A_371 = tpu.memref_slice %arg4[%dma_wait3A_366, %dma_wait3A_370] : memref<4x147456xf32, #tpu.memory_space<hbm>> -> memref<1x96xf32, #tpu.memory_space<hbm>>
        %dma_wait3A_372 = tpu.memref_squeeze %dma_wait3A_371 : memref<1x96xf32, #tpu.memory_space<hbm>> -> memref<96xf32, #tpu.memory_space<hbm>>
        tpu.wait_dma2 semaphore(%arg26 : memref<!tpu.dma_semaphore, #tpu.memory_space<semaphore_mem>>) src(%dma_wait3A_372 : memref<96xf32, #tpu.memory_space<hbm>>) dst(%arg17 : memref<96xf32, #tpu.memory_space<vmem>>)
        %dma_start3A_373 = arith.constant 0 : i32
        %dma_start3A_374 = arith.constant 0 : i32
        %dma_start3A_375 = arith.constant 0 : i32
        %dma_start3A_376 = tpu.memref_slice %arg22[%dma_start3A_373, %dma_start3A_374, %dma_start3A_375] : memref<4x96x96xf32, #tpu.memory_space<vmem>> -> memref<1x96x96xf32, #tpu.memory_space<vmem>>
        %dma_start3A_377 = tpu.memref_squeeze %dma_start3A_376 : memref<1x96x96xf32, #tpu.memory_space<vmem>> -> memref<96x96xf32, #tpu.memory_space<vmem>>
        %dma_start3A_378 = arith.constant 0 : i32
        %dma_start3A_379 = arith.constant 0 : i32
        %dma_start3A_380 = tpu.memref_slice %arg2[%dma_start3A_378, %dma_start3A_379] : memref<589824x96xf32, #tpu.memory_space<hbm>> -> memref<589824x96xf32, #tpu.memory_space<hbm>>
        tpu.enqueue_indirect_dma source(%dma_start3A_380 : memref<589824x96xf32, #tpu.memory_space<hbm>>) target(%dma_start3A_377 : memref<96x96xf32, #tpu.memory_space<vmem>>) offsets(%arg6 : memref<96xi32, #tpu.memory_space<vmem>>) semaphore(%arg28 : memref<!tpu.dma_semaphore, #tpu.memory_space<semaphore_mem>>)
        %dma_start3A_381 = arith.constant 1 : i32
        %dma_start3A_382 = arith.constant 0 : i32
        %dma_start3A_383 = arith.constant 0 : i32
        %dma_start3A_384 = tpu.memref_slice %arg22[%dma_start3A_381, %dma_start3A_382, %dma_start3A_383] : memref<4x96x96xf32, #tpu.memory_space<vmem>> -> memref<1x96x96xf32, #tpu.memory_space<vmem>>
        %dma_start3A_385 = tpu.memref_squeeze %dma_start3A_384 : memref<1x96x96xf32, #tpu.memory_space<vmem>> -> memref<96x96xf32, #tpu.memory_space<vmem>>
        %dma_start3A_386 = arith.constant 0 : i32
        %dma_start3A_387 = arith.constant 0 : i32
        %dma_start3A_388 = tpu.memref_slice %arg2[%dma_start3A_386, %dma_start3A_387] : memref<589824x96xf32, #tpu.memory_space<hbm>> -> memref<589824x96xf32, #tpu.memory_space<hbm>>
        tpu.enqueue_indirect_dma source(%dma_start3A_388 : memref<589824x96xf32, #tpu.memory_space<hbm>>) target(%dma_start3A_385 : memref<96x96xf32, #tpu.memory_space<vmem>>) offsets(%arg7 : memref<96xi32, #tpu.memory_space<vmem>>) semaphore(%arg28 : memref<!tpu.dma_semaphore, #tpu.memory_space<semaphore_mem>>)
        %dma_start3A_389 = arith.constant 2 : i32
        %dma_start3A_390 = arith.constant 0 : i32
        %dma_start3A_391 = arith.constant 0 : i32
        %dma_start3A_392 = tpu.memref_slice %arg22[%dma_start3A_389, %dma_start3A_390, %dma_start3A_391] : memref<4x96x96xf32, #tpu.memory_space<vmem>> -> memref<1x96x96xf32, #tpu.memory_space<vmem>>
        %dma_start3A_393 = tpu.memref_squeeze %dma_start3A_392 : memref<1x96x96xf32, #tpu.memory_space<vmem>> -> memref<96x96xf32, #tpu.memory_space<vmem>>
        %dma_start3A_394 = arith.constant 0 : i32
        %dma_start3A_395 = arith.constant 0 : i32
        %dma_start3A_396 = tpu.memref_slice %arg2[%dma_start3A_394, %dma_start3A_395] : memref<589824x96xf32, #tpu.memory_space<hbm>> -> memref<589824x96xf32, #tpu.memory_space<hbm>>
        tpu.enqueue_indirect_dma source(%dma_start3A_396 : memref<589824x96xf32, #tpu.memory_space<hbm>>) target(%dma_start3A_393 : memref<96x96xf32, #tpu.memory_space<vmem>>) offsets(%arg8 : memref<96xi32, #tpu.memory_space<vmem>>) semaphore(%arg28 : memref<!tpu.dma_semaphore, #tpu.memory_space<semaphore_mem>>)
        %dma_start3A_397 = arith.constant 3 : i32
        %dma_start3A_398 = arith.constant 0 : i32
        %dma_start3A_399 = arith.constant 0 : i32
        %dma_start3A_400 = tpu.memref_slice %arg22[%dma_start3A_397, %dma_start3A_398, %dma_start3A_399] : memref<4x96x96xf32, #tpu.memory_space<vmem>> -> memref<1x96x96xf32, #tpu.memory_space<vmem>>
        %dma_start3A_401 = tpu.memref_squeeze %dma_start3A_400 : memref<1x96x96xf32, #tpu.memory_space<vmem>> -> memref<96x96xf32, #tpu.memory_space<vmem>>
        %dma_start3A_402 = arith.constant 0 : i32
        %dma_start3A_403 = arith.constant 0 : i32
        %dma_start3A_404 = tpu.memref_slice %arg2[%dma_start3A_402, %dma_start3A_403] : memref<589824x96xf32, #tpu.memory_space<hbm>> -> memref<589824x96xf32, #tpu.memory_space<hbm>>
        tpu.enqueue_indirect_dma source(%dma_start3A_404 : memref<589824x96xf32, #tpu.memory_space<hbm>>) target(%dma_start3A_401 : memref<96x96xf32, #tpu.memory_space<vmem>>) offsets(%arg9 : memref<96xi32, #tpu.memory_space<vmem>>) semaphore(%arg28 : memref<!tpu.dma_semaphore, #tpu.memory_space<semaphore_mem>>)
      } else {
      }
      %dma_wait3A_220 = arith.constant 0 : i32
      %dma_wait3A_221 = arith.constant 0 : i32
      %dma_wait3A_222 = arith.constant 0 : i32
      %dma_wait3A_223 = tpu.memref_slice %arg23[%dma_wait3A_220, %dma_wait3A_221, %dma_wait3A_222] : memref<4x96x96xf32, #tpu.memory_space<vmem>> -> memref<1x96x96xf32, #tpu.memory_space<vmem>>
      %dma_wait3A_224 = tpu.memref_squeeze %dma_wait3A_223 : memref<1x96x96xf32, #tpu.memory_space<vmem>> -> memref<96x96xf32, #tpu.memory_space<vmem>>
      %dma_wait3A_225 = arith.constant 0 : i32
      %dma_wait3A_226 = arith.constant 0 : i32
      %dma_wait3A_227 = tpu.memref_slice %arg2[%dma_wait3A_225, %dma_wait3A_226] : memref<589824x96xf32, #tpu.memory_space<hbm>> -> memref<589824x96xf32, #tpu.memory_space<hbm>>
      tpu.wait_indirect_dma semaphore(%arg29 : memref<!tpu.dma_semaphore, #tpu.memory_space<semaphore_mem>>) src(%dma_wait3A_227 : memref<589824x96xf32, #tpu.memory_space<hbm>>) dst(%dma_wait3A_224 : memref<96x96xf32, #tpu.memory_space<vmem>>)
      %dma_wait3A_228 = arith.constant 1 : i32
      %dma_wait3A_229 = arith.constant 0 : i32
      %dma_wait3A_230 = arith.constant 0 : i32
      %dma_wait3A_231 = tpu.memref_slice %arg23[%dma_wait3A_228, %dma_wait3A_229, %dma_wait3A_230] : memref<4x96x96xf32, #tpu.memory_space<vmem>> -> memref<1x96x96xf32, #tpu.memory_space<vmem>>
      %dma_wait3A_232 = tpu.memref_squeeze %dma_wait3A_231 : memref<1x96x96xf32, #tpu.memory_space<vmem>> -> memref<96x96xf32, #tpu.memory_space<vmem>>
      %dma_wait3A_233 = arith.constant 0 : i32
      %dma_wait3A_234 = arith.constant 0 : i32
      %dma_wait3A_235 = tpu.memref_slice %arg2[%dma_wait3A_233, %dma_wait3A_234] : memref<589824x96xf32, #tpu.memory_space<hbm>> -> memref<589824x96xf32, #tpu.memory_space<hbm>>
      tpu.wait_indirect_dma semaphore(%arg29 : memref<!tpu.dma_semaphore, #tpu.memory_space<semaphore_mem>>) src(%dma_wait3A_235 : memref<589824x96xf32, #tpu.memory_space<hbm>>) dst(%dma_wait3A_232 : memref<96x96xf32, #tpu.memory_space<vmem>>)
      %dma_wait3A_236 = arith.constant 2 : i32
      %dma_wait3A_237 = arith.constant 0 : i32
      %dma_wait3A_238 = arith.constant 0 : i32
      %dma_wait3A_239 = tpu.memref_slice %arg23[%dma_wait3A_236, %dma_wait3A_237, %dma_wait3A_238] : memref<4x96x96xf32, #tpu.memory_space<vmem>> -> memref<1x96x96xf32, #tpu.memory_space<vmem>>
      %dma_wait3A_240 = tpu.memref_squeeze %dma_wait3A_239 : memref<1x96x96xf32, #tpu.memory_space<vmem>> -> memref<96x96xf32, #tpu.memory_space<vmem>>
      %dma_wait3A_241 = arith.constant 0 : i32
      %dma_wait3A_242 = arith.constant 0 : i32
      %dma_wait3A_243 = tpu.memref_slice %arg2[%dma_wait3A_241, %dma_wait3A_242] : memref<589824x96xf32, #tpu.memory_space<hbm>> -> memref<589824x96xf32, #tpu.memory_space<hbm>>
      tpu.wait_indirect_dma semaphore(%arg29 : memref<!tpu.dma_semaphore, #tpu.memory_space<semaphore_mem>>) src(%dma_wait3A_243 : memref<589824x96xf32, #tpu.memory_space<hbm>>) dst(%dma_wait3A_240 : memref<96x96xf32, #tpu.memory_space<vmem>>)
      %dma_wait3A_244 = arith.constant 3 : i32
      %dma_wait3A_245 = arith.constant 0 : i32
      %dma_wait3A_246 = arith.constant 0 : i32
      %dma_wait3A_247 = tpu.memref_slice %arg23[%dma_wait3A_244, %dma_wait3A_245, %dma_wait3A_246] : memref<4x96x96xf32, #tpu.memory_space<vmem>> -> memref<1x96x96xf32, #tpu.memory_space<vmem>>
      %dma_wait3A_248 = tpu.memref_squeeze %dma_wait3A_247 : memref<1x96x96xf32, #tpu.memory_space<vmem>> -> memref<96x96xf32, #tpu.memory_space<vmem>>
      %dma_wait3A_249 = arith.constant 0 : i32
      %dma_wait3A_250 = arith.constant 0 : i32
      %dma_wait3A_251 = tpu.memref_slice %arg2[%dma_wait3A_249, %dma_wait3A_250] : memref<589824x96xf32, #tpu.memory_space<hbm>> -> memref<589824x96xf32, #tpu.memory_space<hbm>>
      tpu.wait_indirect_dma semaphore(%arg29 : memref<!tpu.dma_semaphore, #tpu.memory_space<semaphore_mem>>) src(%dma_wait3A_251 : memref<589824x96xf32, #tpu.memory_space<hbm>>) dst(%dma_wait3A_248 : memref<96x96xf32, #tpu.memory_space<vmem>>)
      %ge3A_252 = arith.constant 2 : i32
      %ge3A_253 = arith.cmpi sge, %add3A_212, %ge3A_252 : i32
      %convert_element_type3A_254 = arith.extui %ge3A_253 : i1 to i32
      %cond3A_255 = arith.constant 0 : i32
      %cond3A_256 = arith.cmpi ne, %convert_element_type3A_254, %cond3A_255 : i32
      scf.if %cond3A_256 {
        %dma_wait3A_272 = arith.constant 0 : i32
        %dma_wait3A_273 = arith.constant 0 : i32
        %dma_wait3A_274 = tpu.memref_slice %arg5[%dma_wait3A_272, %dma_wait3A_273] : memref<147456x96xf32, #tpu.memory_space<hbm>> -> memref<96x96xf32, #tpu.memory_space<hbm>>
        %dma_wait3A_275 = arith.constant 0 : i32
        %dma_wait3A_276 = arith.constant 0 : i32
        %dma_wait3A_277 = tpu.memref_slice %arg5[%dma_wait3A_275, %dma_wait3A_276] : memref<147456x96xf32, #tpu.memory_space<hbm>> -> memref<96x96xf32, #tpu.memory_space<hbm>>
        tpu.wait_dma2 semaphore(%arg31 : memref<!tpu.dma_semaphore, #tpu.memory_space<semaphore_mem>>) src(%arg25 : memref<96x96xf32, #tpu.memory_space<vmem>>) dst(%dma_wait3A_277 : memref<96x96xf32, #tpu.memory_space<hbm>>)
      } else {
      }
      %scan3A_257 = arith.constant 0 : i32
      %scan3A_258 = arith.constant 0 : i32
      %scan3A_259 = arith.constant 48 : i32
      %scan3A_260 = arith.addi %scan3A_258, %scan3A_259 : i32
      %scan3A_261 = arith.constant 1 : i32
      %scan3A_262 = scf.for %scan3A_272 = %scan3A_258 to %scan3A_260 step %scan3A_261 iter_args(%scan3A_273 = %scan3A_257) -> (i32)  : i32 {
        %mul3A_274 = arith.constant 2 : i32
        %mul3A_275 = arith.muli %scan3A_272, %mul3A_274 : i32
        %add3A_276 = arith.constant 0 : i32
        %add3A_277 = arith.addi %mul3A_275, %add3A_276 : i32
        %broadcast_in_dim3A = arith.constant 0 : i32
        %broadcast_in_dim3A_278 = vector.broadcast %broadcast_in_dim3A : i32 to vector<16xi32>
        %add3A_279 = vector.broadcast %add3A_277 : i32 to vector<16xi32>
        %add3A_280 = arith.addi %broadcast_in_dim3A_278, %add3A_279 : vector<16xi32>
        %gather3A = tpu.vector_load_idx %arg18[%add3A_280] : memref<96xf32, #tpu.memory_space<vmem>>[vector<16xi32>], vector<16xf32>,
        %gather3A_281 = tpu.vector_load_idx %arg19[%add3A_280] : memref<96xf32, #tpu.memory_space<vmem>>[vector<16xi32>], vector<16xf32>,
        %gather3A_282 = tpu.vector_load_idx %arg20[%add3A_280] : memref<96xf32, #tpu.memory_space<vmem>>[vector<16xi32>], vector<16xf32>,
        %gather3A_283 = tpu.vector_load_idx %arg21[%add3A_280] : memref<96xf32, #tpu.memory_space<vmem>>[vector<16xi32>], vector<16xf32>,
        %get3A = arith.constant 0 : i32
        %get3A_284 = arith.index_cast %get3A : i32 to index
        %get3A_285 = arith.index_cast %add3A_277 : i32 to index
        %get3A_286 = arith.constant 0 : index
        %get3A_287 = tpu.vector_load %arg23[%get3A_284, %get3A_285, %get3A_286] {strides = array<i32>} : memref<4x96x96xf32, #tpu.memory_space<vmem>>, vector<16xf32>,
        %mul3A_288 = arith.mulf %get3A_287, %gather3A : vector<16xf32>
        %get3A_289 = arith.constant 1 : i32
        %get3A_290 = arith.index_cast %get3A_289 : i32 to index
        %get3A_291 = arith.index_cast %add3A_277 : i32 to index
        %get3A_292 = arith.constant 0 : index
        %get3A_293 = tpu.vector_load %arg23[%get3A_290, %get3A_291, %get3A_292] {strides = array<i32>} : memref<4x96x96xf32, #tpu.memory_space<vmem>>, vector<16xf32>,
        %mul3A_294 = arith.mulf %get3A_293, %gather3A_281 : vector<16xf32>
        %add3A_295 = arith.addf %mul3A_288, %mul3A_294 : vector<16xf32>
        %get3A_296 = arith.constant 2 : i32
        %get3A_297 = arith.index_cast %get3A_296 : i32 to index
        %get3A_298 = arith.index_cast %add3A_277 : i32 to index
        %get3A_299 = arith.constant 0 : index
        %get3A_300 = tpu.vector_load %arg23[%get3A_297, %get3A_298, %get3A_299] {strides = array<i32>} : memref<4x96x96xf32, #tpu.memory_space<vmem>>, vector<16xf32>,
        %mul3A_301 = arith.mulf %get3A_300, %gather3A_282 : vector<16xf32>
        %add3A_302 = arith.addf %add3A_295, %mul3A_301 : vector<16xf32>
        %get3A_303 = arith.constant 3 : i32
        %get3A_304 = arith.index_cast %get3A_303 : i32 to index
        %get3A_305 = arith.index_cast %add3A_277 : i32 to index
        %get3A_306 = arith.constant 0 : index
        %get3A_307 = tpu.vector_load %arg23[%get3A_304, %get3A_305, %get3A_306] {strides = array<i32>} : memref<4x96x96xf32, #tpu.memory_space<vmem>>, vector<16xf32>,
        %mul3A_308 = arith.mulf %get3A_307, %gather3A_283 : vector<16xf32>
        %add3A_309 = arith.addf %add3A_302, %mul3A_308 : vector<16xf32>
        %swap3A = arith.index_cast %add3A_277 : i32 to index
        %swap3A_310 = arith.constant 0 : index
        %swap3A_311 = tpu.vector_load %arg25[%swap3A, %swap3A_310] {strides = array<i32>} : memref<96x96xf32, #tpu.memory_space<vmem>>, vector<16xf32>,
        tpu.vector_store %arg25[%swap3A, %swap3A_310], %add3A_309 {strides = array<i32>} : memref<96x96xf32, #tpu.memory_space<vmem>>, vector<16xf32>,
        %get3A_312 = arith.constant 0 : i32
        %get3A_313 = arith.index_cast %get3A_312 : i32 to index
        %get3A_314 = arith.index_cast %add3A_277 : i32 to index
        %get3A_315 = arith.constant 16 : index
        %get3A_316 = tpu.vector_load %arg23[%get3A_313, %get3A_314, %get3A_315] {strides = array<i32>} : memref<4x96x96xf32, #tpu.memory_space<vmem>>, vector<16xf32>,
        %mul3A_317 = arith.mulf %get3A_316, %gather3A : vector<16xf32>
        %get3A_318 = arith.constant 1 : i32
        %get3A_319 = arith.index_cast %get3A_318 : i32 to index
        %get3A_320 = arith.index_cast %add3A_277 : i32 to index
        %get3A_321 = arith.constant 16 : index
        %get3A_322 = tpu.vector_load %arg23[%get3A_319, %get3A_320, %get3A_321] {strides = array<i32>} : memref<4x96x96xf32, #tpu.memory_space<vmem>>, vector<16xf32>,
        %mul3A_323 = arith.mulf %get3A_322, %gather3A_281 : vector<16xf32>
        %add3A_324 = arith.addf %mul3A_317, %mul3A_323 : vector<16xf32>
        %get3A_325 = arith.constant 2 : i32
        %get3A_326 = arith.index_cast %get3A_325 : i32 to index
        %get3A_327 = arith.index_cast %add3A_277 : i32 to index
        %get3A_328 = arith.constant 16 : index
        %get3A_329 = tpu.vector_load %arg23[%get3A_326, %get3A_327, %get3A_328] {strides = array<i32>} : memref<4x96x96xf32, #tpu.memory_space<vmem>>, vector<16xf32>,
        %mul3A_330 = arith.mulf %get3A_329, %gather3A_282 : vector<16xf32>
        %add3A_331 = arith.addf %add3A_324, %mul3A_330 : vector<16xf32>
        %get3A_332 = arith.constant 3 : i32
        %get3A_333 = arith.index_cast %get3A_332 : i32 to index
        %get3A_334 = arith.index_cast %add3A_277 : i32 to index
        %get3A_335 = arith.constant 16 : index
        %get3A_336 = tpu.vector_load %arg23[%get3A_333, %get3A_334, %get3A_335] {strides = array<i32>} : memref<4x96x96xf32, #tpu.memory_space<vmem>>, vector<16xf32>,
        %mul3A_337 = arith.mulf %get3A_336, %gather3A_283 : vector<16xf32>
        %add3A_338 = arith.addf %add3A_331, %mul3A_337 : vector<16xf32>
        %swap3A_339 = arith.index_cast %add3A_277 : i32 to index
        %swap3A_340 = arith.constant 16 : index
        %swap3A_341 = tpu.vector_load %arg25[%swap3A_339, %swap3A_340] {strides = array<i32>} : memref<96x96xf32, #tpu.memory_space<vmem>>, vector<16xf32>,
        tpu.vector_store %arg25[%swap3A_339, %swap3A_340], %add3A_338 {strides = array<i32>} : memref<96x96xf32, #tpu.memory_space<vmem>>, vector<16xf32>,
        %get3A_342 = arith.constant 0 : i32
        %get3A_343 = arith.index_cast %get3A_342 : i32 to index
        %get3A_344 = arith.index_cast %add3A_277 : i32 to index
        %get3A_345 = arith.constant 32 : index
        %get3A_346 = tpu.vector_load %arg23[%get3A_343, %get3A_344, %get3A_345] {strides = array<i32>} : memref<4x96x96xf32, #tpu.memory_space<vmem>>, vector<16xf32>,
        %mul3A_347 = arith.mulf %get3A_346, %gather3A : vector<16xf32>
        %get3A_348 = arith.constant 1 : i32
        %get3A_349 = arith.index_cast %get3A_348 : i32 to index
        %get3A_350 = arith.index_cast %add3A_277 : i32 to index
        %get3A_351 = arith.constant 32 : index
        %get3A_352 = tpu.vector_load %arg23[%get3A_349, %get3A_350, %get3A_351] {strides = array<i32>} : memref<4x96x96xf32, #tpu.memory_space<vmem>>, vector<16xf32>,
        %mul3A_353 = arith.mulf %get3A_352, %gather3A_281 : vector<16xf32>
        %add3A_354 = arith.addf %mul3A_347, %mul3A_353 : vector<16xf32>
        %get3A_355 = arith.constant 2 : i32
        %get3A_356 = arith.index_cast %get3A_355 : i32 to index
        %get3A_357 = arith.index_cast %add3A_277 : i32 to index
        %get3A_358 = arith.constant 32 : index
        %get3A_359 = tpu.vector_load %arg23[%get3A_356, %get3A_357, %get3A_358] {strides = array<i32>} : memref<4x96x96xf32, #tpu.memory_space<vmem>>, vector<16xf32>,
        %mul3A_360 = arith.mulf %get3A_359, %gather3A_282 : vector<16xf32>
        %add3A_361 = arith.addf %add3A_354, %mul3A_360 : vector<16xf32>
        %get3A_362 = arith.constant 3 : i32
        %get3A_363 = arith.index_cast %get3A_362 : i32 to index
        %get3A_364 = arith.index_cast %add3A_277 : i32 to index
        %get3A_365 = arith.constant 32 : index
        %get3A_366 = tpu.vector_load %arg23[%get3A_363, %get3A_364, %get3A_365] {strides = array<i32>} : memref<4x96x96xf32, #tpu.memory_space<vmem>>, vector<16xf32>,
        %mul3A_367 = arith.mulf %get3A_366, %gather3A_283 : vector<16xf32>
        %add3A_368 = arith.addf %add3A_361, %mul3A_367 : vector<16xf32>
        %swap3A_369 = arith.index_cast %add3A_277 : i32 to index
        %swap3A_370 = arith.constant 32 : index
        %swap3A_371 = tpu.vector_load %arg25[%swap3A_369, %swap3A_370] {strides = array<i32>} : memref<96x96xf32, #tpu.memory_space<vmem>>, vector<16xf32>,
        tpu.vector_store %arg25[%swap3A_369, %swap3A_370], %add3A_368 {strides = array<i32>} : memref<96x96xf32, #tpu.memory_space<vmem>>, vector<16xf32>,
        %get3A_372 = arith.constant 0 : i32
        %get3A_373 = arith.index_cast %get3A_372 : i32 to index
        %get3A_374 = arith.index_cast %add3A_277 : i32 to index
        %get3A_375 = arith.constant 48 : index
        %get3A_376 = tpu.vector_load %arg23[%get3A_373, %get3A_374, %get3A_375] {strides = array<i32>} : memref<4x96x96xf32, #tpu.memory_space<vmem>>, vector<16xf32>,
        %mul3A_377 = arith.mulf %get3A_376, %gather3A : vector<16xf32>
        %get3A_378 = arith.constant 1 : i32
        %get3A_379 = arith.index_cast %get3A_378 : i32 to index
        %get3A_380 = arith.index_cast %add3A_277 : i32 to index
        %get3A_381 = arith.constant 48 : index
        %get3A_382 = tpu.vector_load %arg23[%get3A_379, %get3A_380, %get3A_381] {strides = array<i32>} : memref<4x96x96xf32, #tpu.memory_space<vmem>>, vector<16xf32>,
        %mul3A_383 = arith.mulf %get3A_382, %gather3A_281 : vector<16xf32>
        %add3A_384 = arith.addf %mul3A_377, %mul3A_383 : vector<16xf32>
        %get3A_385 = arith.constant 2 : i32
        %get3A_386 = arith.index_cast %get3A_385 : i32 to index
        %get3A_387 = arith.index_cast %add3A_277 : i32 to index
        %get3A_388 = arith.constant 48 : index
        %get3A_389 = tpu.vector_load %arg23[%get3A_386, %get3A_387, %get3A_388] {strides = array<i32>} : memref<4x96x96xf32, #tpu.memory_space<vmem>>, vector<16xf32>,
        %mul3A_390 = arith.mulf %get3A_389, %gather3A_282 : vector<16xf32>
        %add3A_391 = arith.addf %add3A_384, %mul3A_390 : vector<16xf32>
        %get3A_392 = arith.constant 3 : i32
        %get3A_393 = arith.index_cast %get3A_392 : i32 to index
        %get3A_394 = arith.index_cast %add3A_277 : i32 to index
        %get3A_395 = arith.constant 48 : index
        %get3A_396 = tpu.vector_load %arg23[%get3A_393, %get3A_394, %get3A_395] {strides = array<i32>} : memref<4x96x96xf32, #tpu.memory_space<vmem>>, vector<16xf32>,
        %mul3A_397 = arith.mulf %get3A_396, %gather3A_283 : vector<16xf32>
        %add3A_398 = arith.addf %add3A_391, %mul3A_397 : vector<16xf32>
        %swap3A_399 = arith.index_cast %add3A_277 : i32 to index
        %swap3A_400 = arith.constant 48 : index
        %swap3A_401 = tpu.vector_load %arg25[%swap3A_399, %swap3A_400] {strides = array<i32>} : memref<96x96xf32, #tpu.memory_space<vmem>>, vector<16xf32>,
        tpu.vector_store %arg25[%swap3A_399, %swap3A_400], %add3A_398 {strides = array<i32>} : memref<96x96xf32, #tpu.memory_space<vmem>>, vector<16xf32>,
        %get3A_402 = arith.constant 0 : i32
        %get3A_403 = arith.index_cast %get3A_402 : i32 to index
        %get3A_404 = arith.index_cast %add3A_277 : i32 to index
        %get3A_405 = arith.constant 64 : index
        %get3A_406 = tpu.vector_load %arg23[%get3A_403, %get3A_404, %get3A_405] {strides = array<i32>} : memref<4x96x96xf32, #tpu.memory_space<vmem>>, vector<16xf32>,
        %mul3A_407 = arith.mulf %get3A_406, %gather3A : vector<16xf32>
        %get3A_408 = arith.constant 1 : i32
        %get3A_409 = arith.index_cast %get3A_408 : i32 to index
        %get3A_410 = arith.index_cast %add3A_277 : i32 to index
        %get3A_411 = arith.constant 64 : index
        %get3A_412 = tpu.vector_load %arg23[%get3A_409, %get3A_410, %get3A_411] {strides = array<i32>} : memref<4x96x96xf32, #tpu.memory_space<vmem>>, vector<16xf32>,
        %mul3A_413 = arith.mulf %get3A_412, %gather3A_281 : vector<16xf32>
        %add3A_414 = arith.addf %mul3A_407, %mul3A_413 : vector<16xf32>
        %get3A_415 = arith.constant 2 : i32
        %get3A_416 = arith.index_cast %get3A_415 : i32 to index
        %get3A_417 = arith.index_cast %add3A_277 : i32 to index
        %get3A_418 = arith.constant 64 : index
        %get3A_419 = tpu.vector_load %arg23[%get3A_416, %get3A_417, %get3A_418] {strides = array<i32>} : memref<4x96x96xf32, #tpu.memory_space<vmem>>, vector<16xf32>,
        %mul3A_420 = arith.mulf %get3A_419, %gather3A_282 : vector<16xf32>
        %add3A_421 = arith.addf %add3A_414, %mul3A_420 : vector<16xf32>
        %get3A_422 = arith.constant 3 : i32
        %get3A_423 = arith.index_cast %get3A_422 : i32 to index
        %get3A_424 = arith.index_cast %add3A_277 : i32 to index
        %get3A_425 = arith.constant 64 : index
        %get3A_426 = tpu.vector_load %arg23[%get3A_423, %get3A_424, %get3A_425] {strides = array<i32>} : memref<4x96x96xf32, #tpu.memory_space<vmem>>, vector<16xf32>,
        %mul3A_427 = arith.mulf %get3A_426, %gather3A_283 : vector<16xf32>
        %add3A_428 = arith.addf %add3A_421, %mul3A_427 : vector<16xf32>
        %swap3A_429 = arith.index_cast %add3A_277 : i32 to index
        %swap3A_430 = arith.constant 64 : index
        %swap3A_431 = tpu.vector_load %arg25[%swap3A_429, %swap3A_430] {strides = array<i32>} : memref<96x96xf32, #tpu.memory_space<vmem>>, vector<16xf32>,
        tpu.vector_store %arg25[%swap3A_429, %swap3A_430], %add3A_428 {strides = array<i32>} : memref<96x96xf32, #tpu.memory_space<vmem>>, vector<16xf32>,
        %get3A_432 = arith.constant 0 : i32
        %get3A_433 = arith.index_cast %get3A_432 : i32 to index
        %get3A_434 = arith.index_cast %add3A_277 : i32 to index
        %get3A_435 = arith.constant 80 : index
        %get3A_436 = tpu.vector_load %arg23[%get3A_433, %get3A_434, %get3A_435] {strides = array<i32>} : memref<4x96x96xf32, #tpu.memory_space<vmem>>, vector<16xf32>,
        %mul3A_437 = arith.mulf %get3A_436, %gather3A : vector<16xf32>
        %get3A_438 = arith.constant 1 : i32
        %get3A_439 = arith.index_cast %get3A_438 : i32 to index
        %get3A_440 = arith.index_cast %add3A_277 : i32 to index
        %get3A_441 = arith.constant 80 : index
        %get3A_442 = tpu.vector_load %arg23[%get3A_439, %get3A_440, %get3A_441] {strides = array<i32>} : memref<4x96x96xf32, #tpu.memory_space<vmem>>, vector<16xf32>,
        %mul3A_443 = arith.mulf %get3A_442, %gather3A_281 : vector<16xf32>
        %add3A_444 = arith.addf %mul3A_437, %mul3A_443 : vector<16xf32>
        %get3A_445 = arith.constant 2 : i32
        %get3A_446 = arith.index_cast %get3A_445 : i32 to index
        %get3A_447 = arith.index_cast %add3A_277 : i32 to index
        %get3A_448 = arith.constant 80 : index
        %get3A_449 = tpu.vector_load %arg23[%get3A_446, %get3A_447, %get3A_448] {strides = array<i32>} : memref<4x96x96xf32, #tpu.memory_space<vmem>>, vector<16xf32>,
        %mul3A_450 = arith.mulf %get3A_449, %gather3A_282 : vector<16xf32>
        %add3A_451 = arith.addf %add3A_444, %mul3A_450 : vector<16xf32>
        %get3A_452 = arith.constant 3 : i32
        %get3A_453 = arith.index_cast %get3A_452 : i32 to index
        %get3A_454 = arith.index_cast %add3A_277 : i32 to index
        %get3A_455 = arith.constant 80 : index
        %get3A_456 = tpu.vector_load %arg23[%get3A_453, %get3A_454, %get3A_455] {strides = array<i32>} : memref<4x96x96xf32, #tpu.memory_space<vmem>>, vector<16xf32>,
        %mul3A_457 = arith.mulf %get3A_456, %gather3A_283 : vector<16xf32>
        %add3A_458 = arith.addf %add3A_451, %mul3A_457 : vector<16xf32>
        %swap3A_459 = arith.index_cast %add3A_277 : i32 to index
        %swap3A_460 = arith.constant 80 : index
        %swap3A_461 = tpu.vector_load %arg25[%swap3A_459, %swap3A_460] {strides = array<i32>} : memref<96x96xf32, #tpu.memory_space<vmem>>, vector<16xf32>,
        tpu.vector_store %arg25[%swap3A_459, %swap3A_460], %add3A_458 {strides = array<i32>} : memref<96x96xf32, #tpu.memory_space<vmem>>, vector<16xf32>,
        %mul3A_462 = arith.constant 2 : i32
        %mul3A_463 = arith.muli %scan3A_272, %mul3A_462 : i32
        %add3A_464 = arith.constant 1 : i32
        %add3A_465 = arith.addi %mul3A_463, %add3A_464 : i32
        %broadcast_in_dim3A_466 = arith.constant 0 : i32
        %broadcast_in_dim3A_467 = vector.broadcast %broadcast_in_dim3A_466 : i32 to vector<16xi32>
        %add3A_468 = vector.broadcast %add3A_465 : i32 to vector<16xi32>
        %add3A_469 = arith.addi %broadcast_in_dim3A_467, %add3A_468 : vector<16xi32>
        %gather3A_470 = tpu.vector_load_idx %arg18[%add3A_469] : memref<96xf32, #tpu.memory_space<vmem>>[vector<16xi32>], vector<16xf32>,
        %gather3A_471 = tpu.vector_load_idx %arg19[%add3A_469] : memref<96xf32, #tpu.memory_space<vmem>>[vector<16xi32>], vector<16xf32>,
        %gather3A_472 = tpu.vector_load_idx %arg20[%add3A_469] : memref<96xf32, #tpu.memory_space<vmem>>[vector<16xi32>], vector<16xf32>,
        %gather3A_473 = tpu.vector_load_idx %arg21[%add3A_469] : memref<96xf32, #tpu.memory_space<vmem>>[vector<16xi32>], vector<16xf32>,
        %get3A_474 = arith.constant 0 : i32
        %get3A_475 = arith.index_cast %get3A_474 : i32 to index
        %get3A_476 = arith.index_cast %add3A_465 : i32 to index
        %get3A_477 = arith.constant 0 : index
        %get3A_478 = tpu.vector_load %arg23[%get3A_475, %get3A_476, %get3A_477] {strides = array<i32>} : memref<4x96x96xf32, #tpu.memory_space<vmem>>, vector<16xf32>,
        %mul3A_479 = arith.mulf %get3A_478, %gather3A_470 : vector<16xf32>
        %get3A_480 = arith.constant 1 : i32
        %get3A_481 = arith.index_cast %get3A_480 : i32 to index
        %get3A_482 = arith.index_cast %add3A_465 : i32 to index
        %get3A_483 = arith.constant 0 : index
        %get3A_484 = tpu.vector_load %arg23[%get3A_481, %get3A_482, %get3A_483] {strides = array<i32>} : memref<4x96x96xf32, #tpu.memory_space<vmem>>, vector<16xf32>,
        %mul3A_485 = arith.mulf %get3A_484, %gather3A_471 : vector<16xf32>
        %add3A_486 = arith.addf %mul3A_479, %mul3A_485 : vector<16xf32>
        %get3A_487 = arith.constant 2 : i32
        %get3A_488 = arith.index_cast %get3A_487 : i32 to index
        %get3A_489 = arith.index_cast %add3A_465 : i32 to index
        %get3A_490 = arith.constant 0 : index
        %get3A_491 = tpu.vector_load %arg23[%get3A_488, %get3A_489, %get3A_490] {strides = array<i32>} : memref<4x96x96xf32, #tpu.memory_space<vmem>>, vector<16xf32>,
        %mul3A_492 = arith.mulf %get3A_491, %gather3A_472 : vector<16xf32>
        %add3A_493 = arith.addf %add3A_486, %mul3A_492 : vector<16xf32>
        %get3A_494 = arith.constant 3 : i32
        %get3A_495 = arith.index_cast %get3A_494 : i32 to index
        %get3A_496 = arith.index_cast %add3A_465 : i32 to index
        %get3A_497 = arith.constant 0 : index
        %get3A_498 = tpu.vector_load %arg23[%get3A_495, %get3A_496, %get3A_497] {strides = array<i32>} : memref<4x96x96xf32, #tpu.memory_space<vmem>>, vector<16xf32>,
        %mul3A_499 = arith.mulf %get3A_498, %gather3A_473 : vector<16xf32>
        %add3A_500 = arith.addf %add3A_493, %mul3A_499 : vector<16xf32>
        %swap3A_501 = arith.index_cast %add3A_465 : i32 to index
        %swap3A_502 = arith.constant 0 : index
        %swap3A_503 = tpu.vector_load %arg25[%swap3A_501, %swap3A_502] {strides = array<i32>} : memref<96x96xf32, #tpu.memory_space<vmem>>, vector<16xf32>,
        tpu.vector_store %arg25[%swap3A_501, %swap3A_502], %add3A_500 {strides = array<i32>} : memref<96x96xf32, #tpu.memory_space<vmem>>, vector<16xf32>,
        %get3A_504 = arith.constant 0 : i32
        %get3A_505 = arith.index_cast %get3A_504 : i32 to index
        %get3A_506 = arith.index_cast %add3A_465 : i32 to index
        %get3A_507 = arith.constant 16 : index
        %get3A_508 = tpu.vector_load %arg23[%get3A_505, %get3A_506, %get3A_507] {strides = array<i32>} : memref<4x96x96xf32, #tpu.memory_space<vmem>>, vector<16xf32>,
        %mul3A_509 = arith.mulf %get3A_508, %gather3A_470 : vector<16xf32>
        %get3A_510 = arith.constant 1 : i32
        %get3A_511 = arith.index_cast %get3A_510 : i32 to index
        %get3A_512 = arith.index_cast %add3A_465 : i32 to index
        %get3A_513 = arith.constant 16 : index
        %get3A_514 = tpu.vector_load %arg23[%get3A_511, %get3A_512, %get3A_513] {strides = array<i32>} : memref<4x96x96xf32, #tpu.memory_space<vmem>>, vector<16xf32>,
        %mul3A_515 = arith.mulf %get3A_514, %gather3A_471 : vector<16xf32>
        %add3A_516 = arith.addf %mul3A_509, %mul3A_515 : vector<16xf32>
        %get3A_517 = arith.constant 2 : i32
        %get3A_518 = arith.index_cast %get3A_517 : i32 to index
        %get3A_519 = arith.index_cast %add3A_465 : i32 to index
        %get3A_520 = arith.constant 16 : index
        %get3A_521 = tpu.vector_load %arg23[%get3A_518, %get3A_519, %get3A_520] {strides = array<i32>} : memref<4x96x96xf32, #tpu.memory_space<vmem>>, vector<16xf32>,
        %mul3A_522 = arith.mulf %get3A_521, %gather3A_472 : vector<16xf32>
        %add3A_523 = arith.addf %add3A_516, %mul3A_522 : vector<16xf32>
        %get3A_524 = arith.constant 3 : i32
        %get3A_525 = arith.index_cast %get3A_524 : i32 to index
        %get3A_526 = arith.index_cast %add3A_465 : i32 to index
        %get3A_527 = arith.constant 16 : index
        %get3A_528 = tpu.vector_load %arg23[%get3A_525, %get3A_526, %get3A_527] {strides = array<i32>} : memref<4x96x96xf32, #tpu.memory_space<vmem>>, vector<16xf32>,
        %mul3A_529 = arith.mulf %get3A_528, %gather3A_473 : vector<16xf32>
        %add3A_530 = arith.addf %add3A_523, %mul3A_529 : vector<16xf32>
        %swap3A_531 = arith.index_cast %add3A_465 : i32 to index
        %swap3A_532 = arith.constant 16 : index
        %swap3A_533 = tpu.vector_load %arg25[%swap3A_531, %swap3A_532] {strides = array<i32>} : memref<96x96xf32, #tpu.memory_space<vmem>>, vector<16xf32>,
        tpu.vector_store %arg25[%swap3A_531, %swap3A_532], %add3A_530 {strides = array<i32>} : memref<96x96xf32, #tpu.memory_space<vmem>>, vector<16xf32>,
        %get3A_534 = arith.constant 0 : i32
        %get3A_535 = arith.index_cast %get3A_534 : i32 to index
        %get3A_536 = arith.index_cast %add3A_465 : i32 to index
        %get3A_537 = arith.constant 32 : index
        %get3A_538 = tpu.vector_load %arg23[%get3A_535, %get3A_536, %get3A_537] {strides = array<i32>} : memref<4x96x96xf32, #tpu.memory_space<vmem>>, vector<16xf32>,
        %mul3A_539 = arith.mulf %get3A_538, %gather3A_470 : vector<16xf32>
        %get3A_540 = arith.constant 1 : i32
        %get3A_541 = arith.index_cast %get3A_540 : i32 to index
        %get3A_542 = arith.index_cast %add3A_465 : i32 to index
        %get3A_543 = arith.constant 32 : index
        %get3A_544 = tpu.vector_load %arg23[%get3A_541, %get3A_542, %get3A_543] {strides = array<i32>} : memref<4x96x96xf32, #tpu.memory_space<vmem>>, vector<16xf32>,
        %mul3A_545 = arith.mulf %get3A_544, %gather3A_471 : vector<16xf32>
        %add3A_546 = arith.addf %mul3A_539, %mul3A_545 : vector<16xf32>
        %get3A_547 = arith.constant 2 : i32
        %get3A_548 = arith.index_cast %get3A_547 : i32 to index
        %get3A_549 = arith.index_cast %add3A_465 : i32 to index
        %get3A_550 = arith.constant 32 : index
        %get3A_551 = tpu.vector_load %arg23[%get3A_548, %get3A_549, %get3A_550] {strides = array<i32>} : memref<4x96x96xf32, #tpu.memory_space<vmem>>, vector<16xf32>,
        %mul3A_552 = arith.mulf %get3A_551, %gather3A_472 : vector<16xf32>
        %add3A_553 = arith.addf %add3A_546, %mul3A_552 : vector<16xf32>
        %get3A_554 = arith.constant 3 : i32
        %get3A_555 = arith.index_cast %get3A_554 : i32 to index
        %get3A_556 = arith.index_cast %add3A_465 : i32 to index
        %get3A_557 = arith.constant 32 : index
        %get3A_558 = tpu.vector_load %arg23[%get3A_555, %get3A_556, %get3A_557] {strides = array<i32>} : memref<4x96x96xf32, #tpu.memory_space<vmem>>, vector<16xf32>,
        %mul3A_559 = arith.mulf %get3A_558, %gather3A_473 : vector<16xf32>
        %add3A_560 = arith.addf %add3A_553, %mul3A_559 : vector<16xf32>
        %swap3A_561 = arith.index_cast %add3A_465 : i32 to index
        %swap3A_562 = arith.constant 32 : index
        %swap3A_563 = tpu.vector_load %arg25[%swap3A_561, %swap3A_562] {strides = array<i32>} : memref<96x96xf32, #tpu.memory_space<vmem>>, vector<16xf32>,
        tpu.vector_store %arg25[%swap3A_561, %swap3A_562], %add3A_560 {strides = array<i32>} : memref<96x96xf32, #tpu.memory_space<vmem>>, vector<16xf32>,
        %get3A_564 = arith.constant 0 : i32
        %get3A_565 = arith.index_cast %get3A_564 : i32 to index
        %get3A_566 = arith.index_cast %add3A_465 : i32 to index
        %get3A_567 = arith.constant 48 : index
        %get3A_568 = tpu.vector_load %arg23[%get3A_565, %get3A_566, %get3A_567] {strides = array<i32>} : memref<4x96x96xf32, #tpu.memory_space<vmem>>, vector<16xf32>,
        %mul3A_569 = arith.mulf %get3A_568, %gather3A_470 : vector<16xf32>
        %get3A_570 = arith.constant 1 : i32
        %get3A_571 = arith.index_cast %get3A_570 : i32 to index
        %get3A_572 = arith.index_cast %add3A_465 : i32 to index
        %get3A_573 = arith.constant 48 : index
        %get3A_574 = tpu.vector_load %arg23[%get3A_571, %get3A_572, %get3A_573] {strides = array<i32>} : memref<4x96x96xf32, #tpu.memory_space<vmem>>, vector<16xf32>,
        %mul3A_575 = arith.mulf %get3A_574, %gather3A_471 : vector<16xf32>
        %add3A_576 = arith.addf %mul3A_569, %mul3A_575 : vector<16xf32>
        %get3A_577 = arith.constant 2 : i32
        %get3A_578 = arith.index_cast %get3A_577 : i32 to index
        %get3A_579 = arith.index_cast %add3A_465 : i32 to index
        %get3A_580 = arith.constant 48 : index
        %get3A_581 = tpu.vector_load %arg23[%get3A_578, %get3A_579, %get3A_580] {strides = array<i32>} : memref<4x96x96xf32, #tpu.memory_space<vmem>>, vector<16xf32>,
        %mul3A_582 = arith.mulf %get3A_581, %gather3A_472 : vector<16xf32>
        %add3A_583 = arith.addf %add3A_576, %mul3A_582 : vector<16xf32>
        %get3A_584 = arith.constant 3 : i32
        %get3A_585 = arith.index_cast %get3A_584 : i32 to index
        %get3A_586 = arith.index_cast %add3A_465 : i32 to index
        %get3A_587 = arith.constant 48 : index
        %get3A_588 = tpu.vector_load %arg23[%get3A_585, %get3A_586, %get3A_587] {strides = array<i32>} : memref<4x96x96xf32, #tpu.memory_space<vmem>>, vector<16xf32>,
        %mul3A_589 = arith.mulf %get3A_588, %gather3A_473 : vector<16xf32>
        %add3A_590 = arith.addf %add3A_583, %mul3A_589 : vector<16xf32>
        %swap3A_591 = arith.index_cast %add3A_465 : i32 to index
        %swap3A_592 = arith.constant 48 : index
        %swap3A_593 = tpu.vector_load %arg25[%swap3A_591, %swap3A_592] {strides = array<i32>} : memref<96x96xf32, #tpu.memory_space<vmem>>, vector<16xf32>,
        tpu.vector_store %arg25[%swap3A_591, %swap3A_592], %add3A_590 {strides = array<i32>} : memref<96x96xf32, #tpu.memory_space<vmem>>, vector<16xf32>,
        %get3A_594 = arith.constant 0 : i32
        %get3A_595 = arith.index_cast %get3A_594 : i32 to index
        %get3A_596 = arith.index_cast %add3A_465 : i32 to index
        %get3A_597 = arith.constant 64 : index
        %get3A_598 = tpu.vector_load %arg23[%get3A_595, %get3A_596, %get3A_597] {strides = array<i32>} : memref<4x96x96xf32, #tpu.memory_space<vmem>>, vector<16xf32>,
        %mul3A_599 = arith.mulf %get3A_598, %gather3A_470 : vector<16xf32>
        %get3A_600 = arith.constant 1 : i32
        %get3A_601 = arith.index_cast %get3A_600 : i32 to index
        %get3A_602 = arith.index_cast %add3A_465 : i32 to index
        %get3A_603 = arith.constant 64 : index
        %get3A_604 = tpu.vector_load %arg23[%get3A_601, %get3A_602, %get3A_603] {strides = array<i32>} : memref<4x96x96xf32, #tpu.memory_space<vmem>>, vector<16xf32>,
        %mul3A_605 = arith.mulf %get3A_604, %gather3A_471 : vector<16xf32>
        %add3A_606 = arith.addf %mul3A_599, %mul3A_605 : vector<16xf32>
        %get3A_607 = arith.constant 2 : i32
        %get3A_608 = arith.index_cast %get3A_607 : i32 to index
        %get3A_609 = arith.index_cast %add3A_465 : i32 to index
        %get3A_610 = arith.constant 64 : index
        %get3A_611 = tpu.vector_load %arg23[%get3A_608, %get3A_609, %get3A_610] {strides = array<i32>} : memref<4x96x96xf32, #tpu.memory_space<vmem>>, vector<16xf32>,
        %mul3A_612 = arith.mulf %get3A_611, %gather3A_472 : vector<16xf32>
        %add3A_613 = arith.addf %add3A_606, %mul3A_612 : vector<16xf32>
        %get3A_614 = arith.constant 3 : i32
        %get3A_615 = arith.index_cast %get3A_614 : i32 to index
        %get3A_616 = arith.index_cast %add3A_465 : i32 to index
        %get3A_617 = arith.constant 64 : index
        %get3A_618 = tpu.vector_load %arg23[%get3A_615, %get3A_616, %get3A_617] {strides = array<i32>} : memref<4x96x96xf32, #tpu.memory_space<vmem>>, vector<16xf32>,
        %mul3A_619 = arith.mulf %get3A_618, %gather3A_473 : vector<16xf32>
        %add3A_620 = arith.addf %add3A_613, %mul3A_619 : vector<16xf32>
        %swap3A_621 = arith.index_cast %add3A_465 : i32 to index
        %swap3A_622 = arith.constant 64 : index
        %swap3A_623 = tpu.vector_load %arg25[%swap3A_621, %swap3A_622] {strides = array<i32>} : memref<96x96xf32, #tpu.memory_space<vmem>>, vector<16xf32>,
        tpu.vector_store %arg25[%swap3A_621, %swap3A_622], %add3A_620 {strides = array<i32>} : memref<96x96xf32, #tpu.memory_space<vmem>>, vector<16xf32>,
        %get3A_624 = arith.constant 0 : i32
        %get3A_625 = arith.index_cast %get3A_624 : i32 to index
        %get3A_626 = arith.index_cast %add3A_465 : i32 to index
        %get3A_627 = arith.constant 80 : index
        %get3A_628 = tpu.vector_load %arg23[%get3A_625, %get3A_626, %get3A_627] {strides = array<i32>} : memref<4x96x96xf32, #tpu.memory_space<vmem>>, vector<16xf32>,
        %mul3A_629 = arith.mulf %get3A_628, %gather3A_470 : vector<16xf32>
        %get3A_630 = arith.constant 1 : i32
        %get3A_631 = arith.index_cast %get3A_630 : i32 to index
        %get3A_632 = arith.index_cast %add3A_465 : i32 to index
        %get3A_633 = arith.constant 80 : index
        %get3A_634 = tpu.vector_load %arg23[%get3A_631, %get3A_632, %get3A_633] {strides = array<i32>} : memref<4x96x96xf32, #tpu.memory_space<vmem>>, vector<16xf32>,
        %mul3A_635 = arith.mulf %get3A_634, %gather3A_471 : vector<16xf32>
        %add3A_636 = arith.addf %mul3A_629, %mul3A_635 : vector<16xf32>
        %get3A_637 = arith.constant 2 : i32
        %get3A_638 = arith.index_cast %get3A_637 : i32 to index
        %get3A_639 = arith.index_cast %add3A_465 : i32 to index
        %get3A_640 = arith.constant 80 : index
        %get3A_641 = tpu.vector_load %arg23[%get3A_638, %get3A_639, %get3A_640] {strides = array<i32>} : memref<4x96x96xf32, #tpu.memory_space<vmem>>, vector<16xf32>,
        %mul3A_642 = arith.mulf %get3A_641, %gather3A_472 : vector<16xf32>
        %add3A_643 = arith.addf %add3A_636, %mul3A_642 : vector<16xf32>
        %get3A_644 = arith.constant 3 : i32
        %get3A_645 = arith.index_cast %get3A_644 : i32 to index
        %get3A_646 = arith.index_cast %add3A_465 : i32 to index
        %get3A_647 = arith.constant 80 : index
        %get3A_648 = tpu.vector_load %arg23[%get3A_645, %get3A_646, %get3A_647] {strides = array<i32>} : memref<4x96x96xf32, #tpu.memory_space<vmem>>, vector<16xf32>,
        %mul3A_649 = arith.mulf %get3A_648, %gather3A_473 : vector<16xf32>
        %add3A_650 = arith.addf %add3A_643, %mul3A_649 : vector<16xf32>
        %swap3A_651 = arith.index_cast %add3A_465 : i32 to index
        %swap3A_652 = arith.constant 80 : index
        %swap3A_653 = tpu.vector_load %arg25[%swap3A_651, %swap3A_652] {strides = array<i32>} : memref<96x96xf32, #tpu.memory_space<vmem>>, vector<16xf32>,
        tpu.vector_store %arg25[%swap3A_651, %swap3A_652], %add3A_650 {strides = array<i32>} : memref<96x96xf32, #tpu.memory_space<vmem>>, vector<16xf32>,
        %scan3A_654 = arith.constant 0 : i32
        scf.yield %scan3A_654 : i32
      }
      %scan3A_263 = arith.constant 48 : i32
      %mul3A_264 = arith.constant 96 : i32
      %mul3A_265 = arith.muli %add3A_212, %mul3A_264 : i32
      %add3A_266 = arith.addi %mul3A_2, %mul3A_265 : i32
      %dma_start3A_267 = arith.constant 0 : i32
      %dma_start3A_268 = tpu.memref_slice %arg5[%add3A_266, %dma_start3A_267] : memref<147456x96xf32, #tpu.memory_space<hbm>> -> memref<96x96xf32, #tpu.memory_space<hbm>>
      %dma_start3A_269 = arith.constant 0 : i32
      %dma_start3A_270 = tpu.memref_slice %arg5[%add3A_266, %dma_start3A_269] : memref<147456x96xf32, #tpu.memory_space<hbm>> -> memref<96x96xf32, #tpu.memory_space<hbm>>
      tpu.enqueue_dma source(%arg25 : memref<96x96xf32, #tpu.memory_space<vmem>>) target(%dma_start3A_270 : memref<96x96xf32, #tpu.memory_space<hbm>>) target_semaphore(%arg31 : memref<!tpu.dma_semaphore, #tpu.memory_space<semaphore_mem>>)
      %scan3A_271 = arith.constant 0 : i32
      scf.yield %scan3A_271 : i32
    }
    %scan3A_136 = arith.constant 24 : i32
    %dma_wait3A_137 = arith.constant 0 : i32
    %dma_wait3A_138 = arith.constant 0 : i32
    %dma_wait3A_139 = tpu.memref_slice %arg5[%dma_wait3A_137, %dma_wait3A_138] : memref<147456x96xf32, #tpu.memory_space<hbm>> -> memref<96x96xf32, #tpu.memory_space<hbm>>
    %dma_wait3A_140 = arith.constant 0 : i32
    %dma_wait3A_141 = arith.constant 0 : i32
    %dma_wait3A_142 = tpu.memref_slice %arg5[%dma_wait3A_140, %dma_wait3A_141] : memref<147456x96xf32, #tpu.memory_space<hbm>> -> memref<96x96xf32, #tpu.memory_space<hbm>>
    tpu.wait_dma2 semaphore(%arg30 : memref<!tpu.dma_semaphore, #tpu.memory_space<semaphore_mem>>) src(%arg24 : memref<96x96xf32, #tpu.memory_space<vmem>>) dst(%dma_wait3A_142 : memref<96x96xf32, #tpu.memory_space<hbm>>)
    %dma_wait3A_143 = arith.constant 0 : i32
    %dma_wait3A_144 = arith.constant 0 : i32
    %dma_wait3A_145 = tpu.memref_slice %arg5[%dma_wait3A_143, %dma_wait3A_144] : memref<147456x96xf32, #tpu.memory_space<hbm>> -> memref<96x96xf32, #tpu.memory_space<hbm>>
    %dma_wait3A_146 = arith.constant 0 : i32
    %dma_wait3A_147 = arith.constant 0 : i32
    %dma_wait3A_148 = tpu.memref_slice %arg5[%dma_wait3A_146, %dma_wait3A_147] : memref<147456x96xf32, #tpu.memory_space<hbm>> -> memref<96x96xf32, #tpu.memory_space<hbm>>
    tpu.wait_dma2 semaphore(%arg31 : memref<!tpu.dma_semaphore, #tpu.memory_space<semaphore_mem>>) src(%arg25 : memref<96x96xf32, #tpu.memory_space<vmem>>) dst(%dma_wait3A_148 : memref<96x96xf32, #tpu.memory_space<hbm>>)
    return
  }
}

module attributes {stable_mosaic.version = 14 : i64} {
  func.func @_transpose_in_body(%arg0: i32, %arg1: i32, %arg2: memref<1x96x6144xf32, #tpu.memory_space<vmem>>, %arg3: memref<1x6144x96xf32, #tpu.memory_space<vmem>>) attributes {dimension_semantics = [#tpu.dimension_semantics<arbitrary>, #tpu.dimension_semantics<arbitrary>], iteration_bounds = array<i64: 4, 24>, scalar_prefetch = 0 : i64, scratch_operands = 0 : i64, tpu.core_type = #tpu.core_type<tc>, window_params = [{transform_indices = @transform_0, window_bounds = array<i64: 1, 96, 6144>}, {transform_indices = @transform_1, window_bounds = array<i64: 1, 6144, 96>}]} {
    %get3A = arith.constant 0 : index
    %get3A_0 = arith.constant 0 : index
    %get3A_1 = arith.constant 0 : index
    %get3A_2 = vector.load %arg2[%get3A, %get3A_0, %get3A_1] : memref<1x96x6144xf32, #tpu.memory_space<vmem>>, vector<1x96x6144xf32>
    %get3A_3 = vector.shape_cast %get3A_2 : vector<1x96x6144xf32> to vector<96x6144xf32>
    %transpose3A = tpu.transpose %get3A_3, [1, 0] : vector<96x6144xf32> -> vector<6144x96xf32>
    %swap3A = arith.constant 0 : index
    %swap3A_4 = arith.constant 0 : index
    %swap3A_5 = arith.constant 0 : index
    %swap3A_6 = vector.load %arg3[%swap3A, %swap3A_4, %swap3A_5] : memref<1x6144x96xf32, #tpu.memory_space<vmem>>, vector<1x6144x96xf32>
    %swap3A_7 = vector.shape_cast %swap3A_6 : vector<1x6144x96xf32> to vector<6144x96xf32>
    %swap3A_8 = vector.shape_cast %transpose3A : vector<6144x96xf32> to vector<1x6144x96xf32>
    tpu.vector_store %arg3[%swap3A, %swap3A_4, %swap3A_5], %swap3A_8 {strides = array<i32>} : memref<1x6144x96xf32, #tpu.memory_space<vmem>>, vector<1x6144x96xf32>,
    return
  }
  func.func @transform_0(%arg0: i32, %arg1: i32) -> (i32, i32, i32) {
    %c0_i32 = arith.constant 0 : i32
    %c0_i32_0 = arith.constant 0 : i32
    return %arg0, %c0_i32, %arg1 : i32, i32, i32
  }
  func.func @transform_1(%arg0: i32, %arg1: i32) -> (i32, i32, i32) {
    %c0_i32 = arith.constant 0 : i32
    %c0_i32_0 = arith.constant 0 : i32
    return %arg0, %arg1, %c0_i32 : i32, i32, i32
  }
}

module attributes {stable_mosaic.version = 14 : i64} {
  func.func @_prep_body(%arg0: i32, %arg1: memref<1x288x128xf32, #tpu.memory_space<vmem>>, %arg2: memref<1x288x128xf32, #tpu.memory_space<vmem>>, %arg3: memref<4x1x288x128xf32, #tpu.memory_space<vmem>>, %arg4: memref<4x1x288x128xi32, #tpu.memory_space<vmem>>) attributes {dimension_semantics = [#tpu.dimension_semantics<arbitrary>], iteration_bounds = array<i64: 4>, scalar_prefetch = 0 : i64, scratch_operands = 0 : i64, tpu.core_type = #tpu.core_type<tc>, window_params = [{transform_indices = @transform_0, window_bounds = array<i64: 1, 288, 128>}, {transform_indices = @transform_1, window_bounds = array<i64: 1, 288, 128>}, {transform_indices = @transform_2, window_bounds = array<i64: 4, 1, 288, 128>}, {transform_indices = @transform_3, window_bounds = array<i64: 4, 1, 288, 128>}]} {
    %get3A = arith.constant 0 : index
    %get3A_0 = arith.constant 0 : index
    %get3A_1 = arith.constant 0 : index
    %get3A_2 = vector.load %arg1[%get3A, %get3A_0, %get3A_1] : memref<1x288x128xf32, #tpu.memory_space<vmem>>, vector<1x288x128xf32>
    %get3A_3 = vector.shape_cast %get3A_2 : vector<1x288x128xf32> to vector<288x128xf32>
    %get3A_4 = arith.constant 0 : index
    %get3A_5 = arith.constant 0 : index
    %get3A_6 = arith.constant 0 : index
    %get3A_7 = vector.load %arg2[%get3A_4, %get3A_5, %get3A_6] : memref<1x288x128xf32, #tpu.memory_space<vmem>>, vector<1x288x128xf32>
    %get3A_8 = vector.shape_cast %get3A_7 : vector<1x288x128xf32> to vector<288x128xf32>
    %add3A = arith.constant 1.000000e+00 : f32
    %add3A_9 = vector.broadcast %add3A : f32 to vector<288x128xf32>
    %add3A_10 = arith.addf %get3A_3, %add3A_9 : vector<288x128xf32>
    %mul3A = arith.constant 1.915000e+02 : f32
    %mul3A_11 = vector.broadcast %mul3A : f32 to vector<288x128xf32>
    %mul3A_12 = arith.mulf %add3A_10, %mul3A_11 : vector<288x128xf32>
    %add3A_13 = arith.constant 1.000000e+00 : f32
    %add3A_14 = vector.broadcast %add3A_13 : f32 to vector<288x128xf32>
    %add3A_15 = arith.addf %get3A_8, %add3A_14 : vector<288x128xf32>
    %mul3A_16 = arith.constant 1.915000e+02 : f32
    %mul3A_17 = vector.broadcast %mul3A_16 : f32 to vector<288x128xf32>
    %mul3A_18 = arith.mulf %add3A_15, %mul3A_17 : vector<288x128xf32>
    %floor3A = math.floor %mul3A_12 : vector<288x128xf32>
    %floor3A_19 = math.floor %mul3A_18 : vector<288x128xf32>
    %sub3A = arith.subf %mul3A_12, %floor3A : vector<288x128xf32>
    %sub3A_20 = arith.constant 1.000000e+00 : f32
    %sub3A_21 = vector.broadcast %sub3A_20 : f32 to vector<288x128xf32>
    %sub3A_22 = arith.subf %sub3A_21, %sub3A : vector<288x128xf32>
    %sub3A_23 = arith.subf %mul3A_18, %floor3A_19 : vector<288x128xf32>
    %sub3A_24 = arith.constant 1.000000e+00 : f32
    %sub3A_25 = vector.broadcast %sub3A_24 : f32 to vector<288x128xf32>
    %sub3A_26 = arith.subf %sub3A_25, %sub3A_23 : vector<288x128xf32>
    %add3A_27 = arith.constant 1.000000e+00 : f32
    %add3A_28 = vector.broadcast %add3A_27 : f32 to vector<288x128xf32>
    %add3A_29 = arith.addf %floor3A, %add3A_28 : vector<288x128xf32>
    %add3A_30 = arith.constant 1.000000e+00 : f32
    %add3A_31 = vector.broadcast %add3A_30 : f32 to vector<288x128xf32>
    %add3A_32 = arith.addf %floor3A_19, %add3A_31 : vector<288x128xf32>
    %mul3A_33 = arith.mulf %sub3A_22, %sub3A_26 : vector<288x128xf32>
    %ge3A = arith.constant 0.000000e+00 : f32
    %ge3A_34 = vector.broadcast %ge3A : f32 to vector<288x128xf32>
    %ge3A_35 = arith.cmpf oge, %floor3A, %ge3A_34 : vector<288x128xf32>
    %le3A = arith.constant 3.830000e+02 : f32
    %le3A_36 = vector.broadcast %le3A : f32 to vector<288x128xf32>
    %le3A_37 = arith.cmpf ole, %floor3A, %le3A_36 : vector<288x128xf32>
    %and3A = arith.andi %ge3A_35, %le3A_37 : vector<288x128xi1>
    %ge3A_38 = arith.constant 0.000000e+00 : f32
    %ge3A_39 = vector.broadcast %ge3A_38 : f32 to vector<288x128xf32>
    %ge3A_40 = arith.cmpf oge, %floor3A_19, %ge3A_39 : vector<288x128xf32>
    %and3A_41 = arith.andi %and3A, %ge3A_40 : vector<288x128xi1>
    %le3A_42 = arith.constant 3.830000e+02 : f32
    %le3A_43 = vector.broadcast %le3A_42 : f32 to vector<288x128xf32>
    %le3A_44 = arith.cmpf ole, %floor3A_19, %le3A_43 : vector<288x128xf32>
    %and3A_45 = arith.andi %and3A_41, %le3A_44 : vector<288x128xi1>
    %convert_element_type3A = arith.extui %and3A_45 : vector<288x128xi1> to vector<288x128xi32>
    %convert_element_type3A_46 = arith.sitofp %convert_element_type3A : vector<288x128xi32> to vector<288x128xf32>
    %mul3A_47 = arith.mulf %mul3A_33, %convert_element_type3A_46 : vector<288x128xf32>
    %mul3A_48 = arith.mulf %sub3A, %sub3A_26 : vector<288x128xf32>
    %ge3A_49 = arith.constant 0.000000e+00 : f32
    %ge3A_50 = vector.broadcast %ge3A_49 : f32 to vector<288x128xf32>
    %ge3A_51 = arith.cmpf oge, %add3A_29, %ge3A_50 : vector<288x128xf32>
    %le3A_52 = arith.constant 3.830000e+02 : f32
    %le3A_53 = vector.broadcast %le3A_52 : f32 to vector<288x128xf32>
    %le3A_54 = arith.cmpf ole, %add3A_29, %le3A_53 : vector<288x128xf32>
    %and3A_55 = arith.andi %ge3A_51, %le3A_54 : vector<288x128xi1>
    %ge3A_56 = arith.constant 0.000000e+00 : f32
    %ge3A_57 = vector.broadcast %ge3A_56 : f32 to vector<288x128xf32>
    %ge3A_58 = arith.cmpf oge, %floor3A_19, %ge3A_57 : vector<288x128xf32>
    %and3A_59 = arith.andi %and3A_55, %ge3A_58 : vector<288x128xi1>
    %le3A_60 = arith.constant 3.830000e+02 : f32
    %le3A_61 = vector.broadcast %le3A_60 : f32 to vector<288x128xf32>
    %le3A_62 = arith.cmpf ole, %floor3A_19, %le3A_61 : vector<288x128xf32>
    %and3A_63 = arith.andi %and3A_59, %le3A_62 : vector<288x128xi1>
    %convert_element_type3A_64 = arith.extui %and3A_63 : vector<288x128xi1> to vector<288x128xi32>
    %convert_element_type3A_65 = arith.sitofp %convert_element_type3A_64 : vector<288x128xi32> to vector<288x128xf32>
    %mul3A_66 = arith.mulf %mul3A_48, %convert_element_type3A_65 : vector<288x128xf32>
    %mul3A_67 = arith.mulf %sub3A_22, %sub3A_23 : vector<288x128xf32>
    %ge3A_68 = arith.constant 0.000000e+00 : f32
    %ge3A_69 = vector.broadcast %ge3A_68 : f32 to vector<288x128xf32>
    %ge3A_70 = arith.cmpf oge, %floor3A, %ge3A_69 : vector<288x128xf32>
    %le3A_71 = arith.constant 3.830000e+02 : f32
    %le3A_72 = vector.broadcast %le3A_71 : f32 to vector<288x128xf32>
    %le3A_73 = arith.cmpf ole, %floor3A, %le3A_72 : vector<288x128xf32>
    %and3A_74 = arith.andi %ge3A_70, %le3A_73 : vector<288x128xi1>
    %ge3A_75 = arith.constant 0.000000e+00 : f32
    %ge3A_76 = vector.broadcast %ge3A_75 : f32 to vector<288x128xf32>
    %ge3A_77 = arith.cmpf oge, %add3A_32, %ge3A_76 : vector<288x128xf32>
    %and3A_78 = arith.andi %and3A_74, %ge3A_77 : vector<288x128xi1>
    %le3A_79 = arith.constant 3.830000e+02 : f32
    %le3A_80 = vector.broadcast %le3A_79 : f32 to vector<288x128xf32>
    %le3A_81 = arith.cmpf ole, %add3A_32, %le3A_80 : vector<288x128xf32>
    %and3A_82 = arith.andi %and3A_78, %le3A_81 : vector<288x128xi1>
    %convert_element_type3A_83 = arith.extui %and3A_82 : vector<288x128xi1> to vector<288x128xi32>
    %convert_element_type3A_84 = arith.sitofp %convert_element_type3A_83 : vector<288x128xi32> to vector<288x128xf32>
    %mul3A_85 = arith.mulf %mul3A_67, %convert_element_type3A_84 : vector<288x128xf32>
    %mul3A_86 = arith.mulf %sub3A, %sub3A_23 : vector<288x128xf32>
    %ge3A_87 = arith.constant 0.000000e+00 : f32
    %ge3A_88 = vector.broadcast %ge3A_87 : f32 to vector<288x128xf32>
    %ge3A_89 = arith.cmpf oge, %add3A_29, %ge3A_88 : vector<288x128xf32>
    %le3A_90 = arith.constant 3.830000e+02 : f32
    %le3A_91 = vector.broadcast %le3A_90 : f32 to vector<288x128xf32>
    %le3A_92 = arith.cmpf ole, %add3A_29, %le3A_91 : vector<288x128xf32>
    %and3A_93 = arith.andi %ge3A_89, %le3A_92 : vector<288x128xi1>
    %ge3A_94 = arith.constant 0.000000e+00 : f32
    %ge3A_95 = vector.broadcast %ge3A_94 : f32 to vector<288x128xf32>
    %ge3A_96 = arith.cmpf oge, %add3A_32, %ge3A_95 : vector<288x128xf32>
    %and3A_97 = arith.andi %and3A_93, %ge3A_96 : vector<288x128xi1>
    %le3A_98 = arith.constant 3.830000e+02 : f32
    %le3A_99 = vector.broadcast %le3A_98 : f32 to vector<288x128xf32>
    %le3A_100 = arith.cmpf ole, %add3A_32, %le3A_99 : vector<288x128xf32>
    %and3A_101 = arith.andi %and3A_97, %le3A_100 : vector<288x128xi1>
    %convert_element_type3A_102 = arith.extui %and3A_101 : vector<288x128xi1> to vector<288x128xi32>
    %convert_element_type3A_103 = arith.sitofp %convert_element_type3A_102 : vector<288x128xi32> to vector<288x128xf32>
    %mul3A_104 = arith.mulf %mul3A_86, %convert_element_type3A_103 : vector<288x128xf32>
    %stack3A = vector.shape_cast %mul3A_47 : vector<288x128xf32> to vector<1x288x128xf32>
    %stack3A_105 = vector.shape_cast %mul3A_66 : vector<288x128xf32> to vector<1x288x128xf32>
    %stack3A_106 = vector.shape_cast %mul3A_85 : vector<288x128xf32> to vector<1x288x128xf32>
    %stack3A_107 = vector.shape_cast %mul3A_104 : vector<288x128xf32> to vector<1x288x128xf32>
    %stack3A_108 = tpu.concatenate %stack3A, %stack3A_105, %stack3A_106, %stack3A_107 in 0 : vector<1x288x128xf32>, vector<1x288x128xf32>, vector<1x288x128xf32>, vector<1x288x128xf32> -> vector<4x288x128xf32>
    %broadcast_in_dim3A = vector.shape_cast %stack3A_108 : vector<4x288x128xf32> to vector<4x1x288x128xf32>
    %swap3A = arith.constant 0 : index
    %swap3A_109 = arith.constant 0 : index
    %swap3A_110 = arith.constant 0 : index
    %swap3A_111 = arith.constant 0 : index
    %swap3A_112 = vector.load %arg3[%swap3A, %swap3A_109, %swap3A_110, %swap3A_111] : memref<4x1x288x128xf32, #tpu.memory_space<vmem>>, vector<4x1x288x128xf32>
    tpu.vector_store %arg3[%swap3A, %swap3A_109, %swap3A_110, %swap3A_111], %broadcast_in_dim3A {strides = array<i32>} : memref<4x1x288x128xf32, #tpu.memory_space<vmem>>, vector<4x1x288x128xf32>,
    %jit3A = arith.constant 0.000000e+00 : f32
    %jit3A_113 = arith.constant 3.830000e+02 : f32
    %max3A = vector.broadcast %jit3A : f32 to vector<288x128xf32>
    %max3A_114 = arith.maximumf %max3A, %floor3A : vector<288x128xf32>
    %min3A = vector.broadcast %jit3A_113 : f32 to vector<288x128xf32>
    %min3A_115 = arith.minimumf %min3A, %max3A_114 : vector<288x128xf32>
    %convert_element_type3A_116 = arith.fptosi %min3A_115 : vector<288x128xf32> to vector<288x128xi32>
    %jit3A_117 = arith.constant 0.000000e+00 : f32
    %jit3A_118 = arith.constant 3.830000e+02 : f32
    %max3A_119 = vector.broadcast %jit3A_117 : f32 to vector<288x128xf32>
    %max3A_120 = arith.maximumf %max3A_119, %floor3A_19 : vector<288x128xf32>
    %min3A_121 = vector.broadcast %jit3A_118 : f32 to vector<288x128xf32>
    %min3A_122 = arith.minimumf %min3A_121, %max3A_120 : vector<288x128xf32>
    %convert_element_type3A_123 = arith.fptosi %min3A_122 : vector<288x128xf32> to vector<288x128xi32>
    %mul3A_124 = arith.constant 147456 : i32
    %mul3A_125 = arith.muli %arg0, %mul3A_124 : i32
    %mul3A_126 = arith.constant 384 : i32
    %mul3A_127 = vector.broadcast %mul3A_126 : i32 to vector<288x128xi32>
    %mul3A_128 = arith.muli %convert_element_type3A_123, %mul3A_127 : vector<288x128xi32>
    %add3A_129 = vector.broadcast %mul3A_125 : i32 to vector<288x128xi32>
    %add3A_130 = arith.addi %add3A_129, %mul3A_128 : vector<288x128xi32>
    %add3A_131 = arith.addi %add3A_130, %convert_element_type3A_116 : vector<288x128xi32>
    %jit3A_132 = arith.constant 0.000000e+00 : f32
    %jit3A_133 = arith.constant 3.830000e+02 : f32
    %max3A_134 = vector.broadcast %jit3A_132 : f32 to vector<288x128xf32>
    %max3A_135 = arith.maximumf %max3A_134, %add3A_29 : vector<288x128xf32>
    %min3A_136 = vector.broadcast %jit3A_133 : f32 to vector<288x128xf32>
    %min3A_137 = arith.minimumf %min3A_136, %max3A_135 : vector<288x128xf32>
    %convert_element_type3A_138 = arith.fptosi %min3A_137 : vector<288x128xf32> to vector<288x128xi32>
    %jit3A_139 = arith.constant 0.000000e+00 : f32
    %jit3A_140 = arith.constant 3.830000e+02 : f32
    %max3A_141 = vector.broadcast %jit3A_139 : f32 to vector<288x128xf32>
    %max3A_142 = arith.maximumf %max3A_141, %floor3A_19 : vector<288x128xf32>
    %min3A_143 = vector.broadcast %jit3A_140 : f32 to vector<288x128xf32>
    %min3A_144 = arith.minimumf %min3A_143, %max3A_142 : vector<288x128xf32>
    %convert_element_type3A_145 = arith.fptosi %min3A_144 : vector<288x128xf32> to vector<288x128xi32>
    %mul3A_146 = arith.constant 147456 : i32
    %mul3A_147 = arith.muli %arg0, %mul3A_146 : i32
    %mul3A_148 = arith.constant 384 : i32
    %mul3A_149 = vector.broadcast %mul3A_148 : i32 to vector<288x128xi32>
    %mul3A_150 = arith.muli %convert_element_type3A_145, %mul3A_149 : vector<288x128xi32>
    %add3A_151 = vector.broadcast %mul3A_147 : i32 to vector<288x128xi32>
    %add3A_152 = arith.addi %add3A_151, %mul3A_150 : vector<288x128xi32>
    %add3A_153 = arith.addi %add3A_152, %convert_element_type3A_138 : vector<288x128xi32>
    %jit3A_154 = arith.constant 0.000000e+00 : f32
    %jit3A_155 = arith.constant 3.830000e+02 : f32
    %max3A_156 = vector.broadcast %jit3A_154 : f32 to vector<288x128xf32>
    %max3A_157 = arith.maximumf %max3A_156, %floor3A : vector<288x128xf32>
    %min3A_158 = vector.broadcast %jit3A_155 : f32 to vector<288x128xf32>
    %min3A_159 = arith.minimumf %min3A_158, %max3A_157 : vector<288x128xf32>
    %convert_element_type3A_160 = arith.fptosi %min3A_159 : vector<288x128xf32> to vector<288x128xi32>
    %jit3A_161 = arith.constant 0.000000e+00 : f32
    %jit3A_162 = arith.constant 3.830000e+02 : f32
    %max3A_163 = vector.broadcast %jit3A_161 : f32 to vector<288x128xf32>
    %max3A_164 = arith.maximumf %max3A_163, %add3A_32 : vector<288x128xf32>
    %min3A_165 = vector.broadcast %jit3A_162 : f32 to vector<288x128xf32>
    %min3A_166 = arith.minimumf %min3A_165, %max3A_164 : vector<288x128xf32>
    %convert_element_type3A_167 = arith.fptosi %min3A_166 : vector<288x128xf32> to vector<288x128xi32>
    %mul3A_168 = arith.constant 147456 : i32
    %mul3A_169 = arith.muli %arg0, %mul3A_168 : i32
    %mul3A_170 = arith.constant 384 : i32
    %mul3A_171 = vector.broadcast %mul3A_170 : i32 to vector<288x128xi32>
    %mul3A_172 = arith.muli %convert_element_type3A_167, %mul3A_171 : vector<288x128xi32>
    %add3A_173 = vector.broadcast %mul3A_169 : i32 to vector<288x128xi32>
    %add3A_174 = arith.addi %add3A_173, %mul3A_172 : vector<288x128xi32>
    %add3A_175 = arith.addi %add3A_174, %convert_element_type3A_160 : vector<288x128xi32>
    %jit3A_176 = arith.constant 0.000000e+00 : f32
    %jit3A_177 = arith.constant 3.830000e+02 : f32
    %max3A_178 = vector.broadcast %jit3A_176 : f32 to vector<288x128xf32>
    %max3A_179 = arith.maximumf %max3A_178, %add3A_29 : vector<288x128xf32>
    %min3A_180 = vector.broadcast %jit3A_177 : f32 to vector<288x128xf32>
    %min3A_181 = arith.minimumf %min3A_180, %max3A_179 : vector<288x128xf32>
    %convert_element_type3A_182 = arith.fptosi %min3A_181 : vector<288x128xf32> to vector<288x128xi32>
    %jit3A_183 = arith.constant 0.000000e+00 : f32
    %jit3A_184 = arith.constant 3.830000e+02 : f32
    %max3A_185 = vector.broadcast %jit3A_183 : f32 to vector<288x128xf32>
    %max3A_186 = arith.maximumf %max3A_185, %add3A_32 : vector<288x128xf32>
    %min3A_187 = vector.broadcast %jit3A_184 : f32 to vector<288x128xf32>
    %min3A_188 = arith.minimumf %min3A_187, %max3A_186 : vector<288x128xf32>
    %convert_element_type3A_189 = arith.fptosi %min3A_188 : vector<288x128xf32> to vector<288x128xi32>
    %mul3A_190 = arith.constant 147456 : i32
    %mul3A_191 = arith.muli %arg0, %mul3A_190 : i32
    %mul3A_192 = arith.constant 384 : i32
    %mul3A_193 = vector.broadcast %mul3A_192 : i32 to vector<288x128xi32>
    %mul3A_194 = arith.muli %convert_element_type3A_189, %mul3A_193 : vector<288x128xi32>
    %add3A_195 = vector.broadcast %mul3A_191 : i32 to vector<288x128xi32>
    %add3A_196 = arith.addi %add3A_195, %mul3A_194 : vector<288x128xi32>
    %add3A_197 = arith.addi %add3A_196, %convert_element_type3A_182 : vector<288x128xi32>
    %stack3A_198 = vector.shape_cast %add3A_131 : vector<288x128xi32> to vector<1x288x128xi32>
    %stack3A_199 = vector.shape_cast %add3A_153 : vector<288x128xi32> to vector<1x288x128xi32>
    %stack3A_200 = vector.shape_cast %add3A_175 : vector<288x128xi32> to vector<1x288x128xi32>
    %stack3A_201 = vector.shape_cast %add3A_197 : vector<288x128xi32> to vector<1x288x128xi32>
    %stack3A_202 = tpu.concatenate %stack3A_198, %stack3A_199, %stack3A_200, %stack3A_201 in 0 : vector<1x288x128xi32>, vector<1x288x128xi32>, vector<1x288x128xi32>, vector<1x288x128xi32> -> vector<4x288x128xi32>
    %broadcast_in_dim3A_203 = vector.shape_cast %stack3A_202 : vector<4x288x128xi32> to vector<4x1x288x128xi32>
    %swap3A_204 = arith.constant 0 : index
    %swap3A_205 = arith.constant 0 : index
    %swap3A_206 = arith.constant 0 : index
    %swap3A_207 = arith.constant 0 : index
    %swap3A_208 = vector.load %arg4[%swap3A_204, %swap3A_205, %swap3A_206, %swap3A_207] : memref<4x1x288x128xi32, #tpu.memory_space<vmem>>, vector<4x1x288x128xi32>
    tpu.vector_store %arg4[%swap3A_204, %swap3A_205, %swap3A_206, %swap3A_207], %broadcast_in_dim3A_203 {strides = array<i32>} : memref<4x1x288x128xi32, #tpu.memory_space<vmem>>, vector<4x1x288x128xi32>,
    return
  }
  func.func @transform_0(%arg0: i32) -> (i32, i32, i32) {
    %c0_i32 = arith.constant 0 : i32
    %c0_i32_0 = arith.constant 0 : i32
    %c0_i32_1 = arith.constant 0 : i32
    return %arg0, %c0_i32, %c0_i32_0 : i32, i32, i32
  }
  func.func @transform_1(%arg0: i32) -> (i32, i32, i32) {
    %c0_i32 = arith.constant 0 : i32
    %c0_i32_0 = arith.constant 0 : i32
    %c0_i32_1 = arith.constant 0 : i32
    return %arg0, %c0_i32, %c0_i32_0 : i32, i32, i32
  }
  func.func @transform_2(%arg0: i32) -> (i32, i32, i32, i32) {
    %c0_i32 = arith.constant 0 : i32
    %c0_i32_0 = arith.constant 0 : i32
    %c0_i32_1 = arith.constant 0 : i32
    %c0_i32_2 = arith.constant 0 : i32
    return %c0_i32, %arg0, %c0_i32_0, %c0_i32_1 : i32, i32, i32, i32
  }
  func.func @transform_3(%arg0: i32) -> (i32, i32, i32, i32) {
    %c0_i32 = arith.constant 0 : i32
    %c0_i32_0 = arith.constant 0 : i32
    %c0_i32_1 = arith.constant 0 : i32
    %c0_i32_2 = arith.constant 0 : i32
    return %c0_i32, %arg0, %c0_i32_0, %c0_i32_1 : i32, i32, i32, i32
  }
}

module attributes {stable_mosaic.version = 14 : i64} {
  func.func @_transpose_out_body(%arg0: i32, %arg1: i32, %arg2: memref<1x24x384x96xf32, #tpu.memory_space<vmem>>, %arg3: memref<1x96x24x384xf32, #tpu.memory_space<vmem>>) attributes {dimension_semantics = [#tpu.dimension_semantics<arbitrary>, #tpu.dimension_semantics<arbitrary>], iteration_bounds = array<i64: 4, 4>, scalar_prefetch = 0 : i64, scratch_operands = 0 : i64, tpu.core_type = #tpu.core_type<tc>, window_params = [{transform_indices = @transform_0, window_bounds = array<i64: 1, 24, 384, 96>}, {transform_indices = @transform_1, window_bounds = array<i64: 1, 96, 24, 384>}]} {
    %get3A = arith.constant 0 : index
    %get3A_0 = arith.constant 0 : index
    %get3A_1 = arith.constant 0 : index
    %get3A_2 = arith.constant 0 : index
    %get3A_3 = vector.load %arg2[%get3A, %get3A_0, %get3A_1, %get3A_2] : memref<1x24x384x96xf32, #tpu.memory_space<vmem>>, vector<1x1x384x96xf32>
    %get3A_4 = vector.shape_cast %get3A_3 : vector<1x1x384x96xf32> to vector<384x96xf32>
    %transpose3A = tpu.transpose %get3A_4, [1, 0] : vector<384x96xf32> -> vector<96x384xf32>
    %swap3A = arith.constant 0 : index
    %swap3A_5 = arith.constant 0 : index
    %swap3A_6 = arith.constant 0 : index
    %swap3A_7 = arith.constant 0 : index
    %swap3A_8 = vector.load %arg3[%swap3A, %swap3A_5, %swap3A_6, %swap3A_7] : memref<1x96x24x384xf32, #tpu.memory_space<vmem>>, vector<1x96x1x384xf32>
    %swap3A_9 = vector.shape_cast %swap3A_8 : vector<1x96x1x384xf32> to vector<96x384xf32>
    %swap3A_10 = vector.shape_cast %transpose3A : vector<96x384xf32> to vector<1x96x1x384xf32>
    tpu.vector_store %arg3[%swap3A, %swap3A_5, %swap3A_6, %swap3A_7], %swap3A_10 {strides = array<i32>} : memref<1x96x24x384xf32, #tpu.memory_space<vmem>>, vector<1x96x1x384xf32>,
    %get3A_11 = arith.constant 0 : index
    %get3A_12 = arith.constant 1 : index
    %get3A_13 = arith.constant 0 : index
    %get3A_14 = arith.constant 0 : index
    %get3A_15 = vector.load %arg2[%get3A_11, %get3A_12, %get3A_13, %get3A_14] : memref<1x24x384x96xf32, #tpu.memory_space<vmem>>, vector<1x1x384x96xf32>
    %get3A_16 = vector.shape_cast %get3A_15 : vector<1x1x384x96xf32> to vector<384x96xf32>
    %transpose3A_17 = tpu.transpose %get3A_16, [1, 0] : vector<384x96xf32> -> vector<96x384xf32>
    %swap3A_18 = arith.constant 0 : index
    %swap3A_19 = arith.constant 0 : index
    %swap3A_20 = arith.constant 1 : index
    %swap3A_21 = arith.constant 0 : index
    %swap3A_22 = vector.load %arg3[%swap3A_18, %swap3A_19, %swap3A_20, %swap3A_21] : memref<1x96x24x384xf32, #tpu.memory_space<vmem>>, vector<1x96x1x384xf32>
    %swap3A_23 = vector.shape_cast %swap3A_22 : vector<1x96x1x384xf32> to vector<96x384xf32>
    %swap3A_24 = vector.shape_cast %transpose3A_17 : vector<96x384xf32> to vector<1x96x1x384xf32>
    tpu.vector_store %arg3[%swap3A_18, %swap3A_19, %swap3A_20, %swap3A_21], %swap3A_24 {strides = array<i32>} : memref<1x96x24x384xf32, #tpu.memory_space<vmem>>, vector<1x96x1x384xf32>,
    %get3A_25 = arith.constant 0 : index
    %get3A_26 = arith.constant 2 : index
    %get3A_27 = arith.constant 0 : index
    %get3A_28 = arith.constant 0 : index
    %get3A_29 = vector.load %arg2[%get3A_25, %get3A_26, %get3A_27, %get3A_28] : memref<1x24x384x96xf32, #tpu.memory_space<vmem>>, vector<1x1x384x96xf32>
    %get3A_30 = vector.shape_cast %get3A_29 : vector<1x1x384x96xf32> to vector<384x96xf32>
    %transpose3A_31 = tpu.transpose %get3A_30, [1, 0] : vector<384x96xf32> -> vector<96x384xf32>
    %swap3A_32 = arith.constant 0 : index
    %swap3A_33 = arith.constant 0 : index
    %swap3A_34 = arith.constant 2 : index
    %swap3A_35 = arith.constant 0 : index
    %swap3A_36 = vector.load %arg3[%swap3A_32, %swap3A_33, %swap3A_34, %swap3A_35] : memref<1x96x24x384xf32, #tpu.memory_space<vmem>>, vector<1x96x1x384xf32>
    %swap3A_37 = vector.shape_cast %swap3A_36 : vector<1x96x1x384xf32> to vector<96x384xf32>
    %swap3A_38 = vector.shape_cast %transpose3A_31 : vector<96x384xf32> to vector<1x96x1x384xf32>
    tpu.vector_store %arg3[%swap3A_32, %swap3A_33, %swap3A_34, %swap3A_35], %swap3A_38 {strides = array<i32>} : memref<1x96x24x384xf32, #tpu.memory_space<vmem>>, vector<1x96x1x384xf32>,
    %get3A_39 = arith.constant 0 : index
    %get3A_40 = arith.constant 3 : index
    %get3A_41 = arith.constant 0 : index
    %get3A_42 = arith.constant 0 : index
    %get3A_43 = vector.load %arg2[%get3A_39, %get3A_40, %get3A_41, %get3A_42] : memref<1x24x384x96xf32, #tpu.memory_space<vmem>>, vector<1x1x384x96xf32>
    %get3A_44 = vector.shape_cast %get3A_43 : vector<1x1x384x96xf32> to vector<384x96xf32>
    %transpose3A_45 = tpu.transpose %get3A_44, [1, 0] : vector<384x96xf32> -> vector<96x384xf32>
    %swap3A_46 = arith.constant 0 : index
    %swap3A_47 = arith.constant 0 : index
    %swap3A_48 = arith.constant 3 : index
    %swap3A_49 = arith.constant 0 : index
    %swap3A_50 = vector.load %arg3[%swap3A_46, %swap3A_47, %swap3A_48, %swap3A_49] : memref<1x96x24x384xf32, #tpu.memory_space<vmem>>, vector<1x96x1x384xf32>
    %swap3A_51 = vector.shape_cast %swap3A_50 : vector<1x96x1x384xf32> to vector<96x384xf32>
    %swap3A_52 = vector.shape_cast %transpose3A_45 : vector<96x384xf32> to vector<1x96x1x384xf32>
    tpu.vector_store %arg3[%swap3A_46, %swap3A_47, %swap3A_48, %swap3A_49], %swap3A_52 {strides = array<i32>} : memref<1x96x24x384xf32, #tpu.memory_space<vmem>>, vector<1x96x1x384xf32>,
    %get3A_53 = arith.constant 0 : index
    %get3A_54 = arith.constant 4 : index
    %get3A_55 = arith.constant 0 : index
    %get3A_56 = arith.constant 0 : index
    %get3A_57 = vector.load %arg2[%get3A_53, %get3A_54, %get3A_55, %get3A_56] : memref<1x24x384x96xf32, #tpu.memory_space<vmem>>, vector<1x1x384x96xf32>
    %get3A_58 = vector.shape_cast %get3A_57 : vector<1x1x384x96xf32> to vector<384x96xf32>
    %transpose3A_59 = tpu.transpose %get3A_58, [1, 0] : vector<384x96xf32> -> vector<96x384xf32>
    %swap3A_60 = arith.constant 0 : index
    %swap3A_61 = arith.constant 0 : index
    %swap3A_62 = arith.constant 4 : index
    %swap3A_63 = arith.constant 0 : index
    %swap3A_64 = vector.load %arg3[%swap3A_60, %swap3A_61, %swap3A_62, %swap3A_63] : memref<1x96x24x384xf32, #tpu.memory_space<vmem>>, vector<1x96x1x384xf32>
    %swap3A_65 = vector.shape_cast %swap3A_64 : vector<1x96x1x384xf32> to vector<96x384xf32>
    %swap3A_66 = vector.shape_cast %transpose3A_59 : vector<96x384xf32> to vector<1x96x1x384xf32>
    tpu.vector_store %arg3[%swap3A_60, %swap3A_61, %swap3A_62, %swap3A_63], %swap3A_66 {strides = array<i32>} : memref<1x96x24x384xf32, #tpu.memory_space<vmem>>, vector<1x96x1x384xf32>,
    %get3A_67 = arith.constant 0 : index
    %get3A_68 = arith.constant 5 : index
    %get3A_69 = arith.constant 0 : index
    %get3A_70 = arith.constant 0 : index
    %get3A_71 = vector.load %arg2[%get3A_67, %get3A_68, %get3A_69, %get3A_70] : memref<1x24x384x96xf32, #tpu.memory_space<vmem>>, vector<1x1x384x96xf32>
    %get3A_72 = vector.shape_cast %get3A_71 : vector<1x1x384x96xf32> to vector<384x96xf32>
    %transpose3A_73 = tpu.transpose %get3A_72, [1, 0] : vector<384x96xf32> -> vector<96x384xf32>
    %swap3A_74 = arith.constant 0 : index
    %swap3A_75 = arith.constant 0 : index
    %swap3A_76 = arith.constant 5 : index
    %swap3A_77 = arith.constant 0 : index
    %swap3A_78 = vector.load %arg3[%swap3A_74, %swap3A_75, %swap3A_76, %swap3A_77] : memref<1x96x24x384xf32, #tpu.memory_space<vmem>>, vector<1x96x1x384xf32>
    %swap3A_79 = vector.shape_cast %swap3A_78 : vector<1x96x1x384xf32> to vector<96x384xf32>
    %swap3A_80 = vector.shape_cast %transpose3A_73 : vector<96x384xf32> to vector<1x96x1x384xf32>
    tpu.vector_store %arg3[%swap3A_74, %swap3A_75, %swap3A_76, %swap3A_77], %swap3A_80 {strides = array<i32>} : memref<1x96x24x384xf32, #tpu.memory_space<vmem>>, vector<1x96x1x384xf32>,
    %get3A_81 = arith.constant 0 : index
    %get3A_82 = arith.constant 6 : index
    %get3A_83 = arith.constant 0 : index
    %get3A_84 = arith.constant 0 : index
    %get3A_85 = vector.load %arg2[%get3A_81, %get3A_82, %get3A_83, %get3A_84] : memref<1x24x384x96xf32, #tpu.memory_space<vmem>>, vector<1x1x384x96xf32>
    %get3A_86 = vector.shape_cast %get3A_85 : vector<1x1x384x96xf32> to vector<384x96xf32>
    %transpose3A_87 = tpu.transpose %get3A_86, [1, 0] : vector<384x96xf32> -> vector<96x384xf32>
    %swap3A_88 = arith.constant 0 : index
    %swap3A_89 = arith.constant 0 : index
    %swap3A_90 = arith.constant 6 : index
    %swap3A_91 = arith.constant 0 : index
    %swap3A_92 = vector.load %arg3[%swap3A_88, %swap3A_89, %swap3A_90, %swap3A_91] : memref<1x96x24x384xf32, #tpu.memory_space<vmem>>, vector<1x96x1x384xf32>
    %swap3A_93 = vector.shape_cast %swap3A_92 : vector<1x96x1x384xf32> to vector<96x384xf32>
    %swap3A_94 = vector.shape_cast %transpose3A_87 : vector<96x384xf32> to vector<1x96x1x384xf32>
    tpu.vector_store %arg3[%swap3A_88, %swap3A_89, %swap3A_90, %swap3A_91], %swap3A_94 {strides = array<i32>} : memref<1x96x24x384xf32, #tpu.memory_space<vmem>>, vector<1x96x1x384xf32>,
    %get3A_95 = arith.constant 0 : index
    %get3A_96 = arith.constant 7 : index
    %get3A_97 = arith.constant 0 : index
    %get3A_98 = arith.constant 0 : index
    %get3A_99 = vector.load %arg2[%get3A_95, %get3A_96, %get3A_97, %get3A_98] : memref<1x24x384x96xf32, #tpu.memory_space<vmem>>, vector<1x1x384x96xf32>
    %get3A_100 = vector.shape_cast %get3A_99 : vector<1x1x384x96xf32> to vector<384x96xf32>
    %transpose3A_101 = tpu.transpose %get3A_100, [1, 0] : vector<384x96xf32> -> vector<96x384xf32>
    %swap3A_102 = arith.constant 0 : index
    %swap3A_103 = arith.constant 0 : index
    %swap3A_104 = arith.constant 7 : index
    %swap3A_105 = arith.constant 0 : index
    %swap3A_106 = vector.load %arg3[%swap3A_102, %swap3A_103, %swap3A_104, %swap3A_105] : memref<1x96x24x384xf32, #tpu.memory_space<vmem>>, vector<1x96x1x384xf32>
    %swap3A_107 = vector.shape_cast %swap3A_106 : vector<1x96x1x384xf32> to vector<96x384xf32>
    %swap3A_108 = vector.shape_cast %transpose3A_101 : vector<96x384xf32> to vector<1x96x1x384xf32>
    tpu.vector_store %arg3[%swap3A_102, %swap3A_103, %swap3A_104, %swap3A_105], %swap3A_108 {strides = array<i32>} : memref<1x96x24x384xf32, #tpu.memory_space<vmem>>, vector<1x96x1x384xf32>,
    %get3A_109 = arith.constant 0 : index
    %get3A_110 = arith.constant 8 : index
    %get3A_111 = arith.constant 0 : index
    %get3A_112 = arith.constant 0 : index
    %get3A_113 = vector.load %arg2[%get3A_109, %get3A_110, %get3A_111, %get3A_112] : memref<1x24x384x96xf32, #tpu.memory_space<vmem>>, vector<1x1x384x96xf32>
    %get3A_114 = vector.shape_cast %get3A_113 : vector<1x1x384x96xf32> to vector<384x96xf32>
    %transpose3A_115 = tpu.transpose %get3A_114, [1, 0] : vector<384x96xf32> -> vector<96x384xf32>
    %swap3A_116 = arith.constant 0 : index
    %swap3A_117 = arith.constant 0 : index
    %swap3A_118 = arith.constant 8 : index
    %swap3A_119 = arith.constant 0 : index
    %swap3A_120 = vector.load %arg3[%swap3A_116, %swap3A_117, %swap3A_118, %swap3A_119] : memref<1x96x24x384xf32, #tpu.memory_space<vmem>>, vector<1x96x1x384xf32>
    %swap3A_121 = vector.shape_cast %swap3A_120 : vector<1x96x1x384xf32> to vector<96x384xf32>
    %swap3A_122 = vector.shape_cast %transpose3A_115 : vector<96x384xf32> to vector<1x96x1x384xf32>
    tpu.vector_store %arg3[%swap3A_116, %swap3A_117, %swap3A_118, %swap3A_119], %swap3A_122 {strides = array<i32>} : memref<1x96x24x384xf32, #tpu.memory_space<vmem>>, vector<1x96x1x384xf32>,
    %get3A_123 = arith.constant 0 : index
    %get3A_124 = arith.constant 9 : index
    %get3A_125 = arith.constant 0 : index
    %get3A_126 = arith.constant 0 : index
    %get3A_127 = vector.load %arg2[%get3A_123, %get3A_124, %get3A_125, %get3A_126] : memref<1x24x384x96xf32, #tpu.memory_space<vmem>>, vector<1x1x384x96xf32>
    %get3A_128 = vector.shape_cast %get3A_127 : vector<1x1x384x96xf32> to vector<384x96xf32>
    %transpose3A_129 = tpu.transpose %get3A_128, [1, 0] : vector<384x96xf32> -> vector<96x384xf32>
    %swap3A_130 = arith.constant 0 : index
    %swap3A_131 = arith.constant 0 : index
    %swap3A_132 = arith.constant 9 : index
    %swap3A_133 = arith.constant 0 : index
    %swap3A_134 = vector.load %arg3[%swap3A_130, %swap3A_131, %swap3A_132, %swap3A_133] : memref<1x96x24x384xf32, #tpu.memory_space<vmem>>, vector<1x96x1x384xf32>
    %swap3A_135 = vector.shape_cast %swap3A_134 : vector<1x96x1x384xf32> to vector<96x384xf32>
    %swap3A_136 = vector.shape_cast %transpose3A_129 : vector<96x384xf32> to vector<1x96x1x384xf32>
    tpu.vector_store %arg3[%swap3A_130, %swap3A_131, %swap3A_132, %swap3A_133], %swap3A_136 {strides = array<i32>} : memref<1x96x24x384xf32, #tpu.memory_space<vmem>>, vector<1x96x1x384xf32>,
    %get3A_137 = arith.constant 0 : index
    %get3A_138 = arith.constant 10 : index
    %get3A_139 = arith.constant 0 : index
    %get3A_140 = arith.constant 0 : index
    %get3A_141 = vector.load %arg2[%get3A_137, %get3A_138, %get3A_139, %get3A_140] : memref<1x24x384x96xf32, #tpu.memory_space<vmem>>, vector<1x1x384x96xf32>
    %get3A_142 = vector.shape_cast %get3A_141 : vector<1x1x384x96xf32> to vector<384x96xf32>
    %transpose3A_143 = tpu.transpose %get3A_142, [1, 0] : vector<384x96xf32> -> vector<96x384xf32>
    %swap3A_144 = arith.constant 0 : index
    %swap3A_145 = arith.constant 0 : index
    %swap3A_146 = arith.constant 10 : index
    %swap3A_147 = arith.constant 0 : index
    %swap3A_148 = vector.load %arg3[%swap3A_144, %swap3A_145, %swap3A_146, %swap3A_147] : memref<1x96x24x384xf32, #tpu.memory_space<vmem>>, vector<1x96x1x384xf32>
    %swap3A_149 = vector.shape_cast %swap3A_148 : vector<1x96x1x384xf32> to vector<96x384xf32>
    %swap3A_150 = vector.shape_cast %transpose3A_143 : vector<96x384xf32> to vector<1x96x1x384xf32>
    tpu.vector_store %arg3[%swap3A_144, %swap3A_145, %swap3A_146, %swap3A_147], %swap3A_150 {strides = array<i32>} : memref<1x96x24x384xf32, #tpu.memory_space<vmem>>, vector<1x96x1x384xf32>,
    %get3A_151 = arith.constant 0 : index
    %get3A_152 = arith.constant 11 : index
    %get3A_153 = arith.constant 0 : index
    %get3A_154 = arith.constant 0 : index
    %get3A_155 = vector.load %arg2[%get3A_151, %get3A_152, %get3A_153, %get3A_154] : memref<1x24x384x96xf32, #tpu.memory_space<vmem>>, vector<1x1x384x96xf32>
    %get3A_156 = vector.shape_cast %get3A_155 : vector<1x1x384x96xf32> to vector<384x96xf32>
    %transpose3A_157 = tpu.transpose %get3A_156, [1, 0] : vector<384x96xf32> -> vector<96x384xf32>
    %swap3A_158 = arith.constant 0 : index
    %swap3A_159 = arith.constant 0 : index
    %swap3A_160 = arith.constant 11 : index
    %swap3A_161 = arith.constant 0 : index
    %swap3A_162 = vector.load %arg3[%swap3A_158, %swap3A_159, %swap3A_160, %swap3A_161] : memref<1x96x24x384xf32, #tpu.memory_space<vmem>>, vector<1x96x1x384xf32>
    %swap3A_163 = vector.shape_cast %swap3A_162 : vector<1x96x1x384xf32> to vector<96x384xf32>
    %swap3A_164 = vector.shape_cast %transpose3A_157 : vector<96x384xf32> to vector<1x96x1x384xf32>
    tpu.vector_store %arg3[%swap3A_158, %swap3A_159, %swap3A_160, %swap3A_161], %swap3A_164 {strides = array<i32>} : memref<1x96x24x384xf32, #tpu.memory_space<vmem>>, vector<1x96x1x384xf32>,
    %get3A_165 = arith.constant 0 : index
    %get3A_166 = arith.constant 12 : index
    %get3A_167 = arith.constant 0 : index
    %get3A_168 = arith.constant 0 : index
    %get3A_169 = vector.load %arg2[%get3A_165, %get3A_166, %get3A_167, %get3A_168] : memref<1x24x384x96xf32, #tpu.memory_space<vmem>>, vector<1x1x384x96xf32>
    %get3A_170 = vector.shape_cast %get3A_169 : vector<1x1x384x96xf32> to vector<384x96xf32>
    %transpose3A_171 = tpu.transpose %get3A_170, [1, 0] : vector<384x96xf32> -> vector<96x384xf32>
    %swap3A_172 = arith.constant 0 : index
    %swap3A_173 = arith.constant 0 : index
    %swap3A_174 = arith.constant 12 : index
    %swap3A_175 = arith.constant 0 : index
    %swap3A_176 = vector.load %arg3[%swap3A_172, %swap3A_173, %swap3A_174, %swap3A_175] : memref<1x96x24x384xf32, #tpu.memory_space<vmem>>, vector<1x96x1x384xf32>
    %swap3A_177 = vector.shape_cast %swap3A_176 : vector<1x96x1x384xf32> to vector<96x384xf32>
    %swap3A_178 = vector.shape_cast %transpose3A_171 : vector<96x384xf32> to vector<1x96x1x384xf32>
    tpu.vector_store %arg3[%swap3A_172, %swap3A_173, %swap3A_174, %swap3A_175], %swap3A_178 {strides = array<i32>} : memref<1x96x24x384xf32, #tpu.memory_space<vmem>>, vector<1x96x1x384xf32>,
    %get3A_179 = arith.constant 0 : index
    %get3A_180 = arith.constant 13 : index
    %get3A_181 = arith.constant 0 : index
    %get3A_182 = arith.constant 0 : index
    %get3A_183 = vector.load %arg2[%get3A_179, %get3A_180, %get3A_181, %get3A_182] : memref<1x24x384x96xf32, #tpu.memory_space<vmem>>, vector<1x1x384x96xf32>
    %get3A_184 = vector.shape_cast %get3A_183 : vector<1x1x384x96xf32> to vector<384x96xf32>
    %transpose3A_185 = tpu.transpose %get3A_184, [1, 0] : vector<384x96xf32> -> vector<96x384xf32>
    %swap3A_186 = arith.constant 0 : index
    %swap3A_187 = arith.constant 0 : index
    %swap3A_188 = arith.constant 13 : index
    %swap3A_189 = arith.constant 0 : index
    %swap3A_190 = vector.load %arg3[%swap3A_186, %swap3A_187, %swap3A_188, %swap3A_189] : memref<1x96x24x384xf32, #tpu.memory_space<vmem>>, vector<1x96x1x384xf32>
    %swap3A_191 = vector.shape_cast %swap3A_190 : vector<1x96x1x384xf32> to vector<96x384xf32>
    %swap3A_192 = vector.shape_cast %transpose3A_185 : vector<96x384xf32> to vector<1x96x1x384xf32>
    tpu.vector_store %arg3[%swap3A_186, %swap3A_187, %swap3A_188, %swap3A_189], %swap3A_192 {strides = array<i32>} : memref<1x96x24x384xf32, #tpu.memory_space<vmem>>, vector<1x96x1x384xf32>,
    %get3A_193 = arith.constant 0 : index
    %get3A_194 = arith.constant 14 : index
    %get3A_195 = arith.constant 0 : index
    %get3A_196 = arith.constant 0 : index
    %get3A_197 = vector.load %arg2[%get3A_193, %get3A_194, %get3A_195, %get3A_196] : memref<1x24x384x96xf32, #tpu.memory_space<vmem>>, vector<1x1x384x96xf32>
    %get3A_198 = vector.shape_cast %get3A_197 : vector<1x1x384x96xf32> to vector<384x96xf32>
    %transpose3A_199 = tpu.transpose %get3A_198, [1, 0] : vector<384x96xf32> -> vector<96x384xf32>
    %swap3A_200 = arith.constant 0 : index
    %swap3A_201 = arith.constant 0 : index
    %swap3A_202 = arith.constant 14 : index
    %swap3A_203 = arith.constant 0 : index
    %swap3A_204 = vector.load %arg3[%swap3A_200, %swap3A_201, %swap3A_202, %swap3A_203] : memref<1x96x24x384xf32, #tpu.memory_space<vmem>>, vector<1x96x1x384xf32>
    %swap3A_205 = vector.shape_cast %swap3A_204 : vector<1x96x1x384xf32> to vector<96x384xf32>
    %swap3A_206 = vector.shape_cast %transpose3A_199 : vector<96x384xf32> to vector<1x96x1x384xf32>
    tpu.vector_store %arg3[%swap3A_200, %swap3A_201, %swap3A_202, %swap3A_203], %swap3A_206 {strides = array<i32>} : memref<1x96x24x384xf32, #tpu.memory_space<vmem>>, vector<1x96x1x384xf32>,
    %get3A_207 = arith.constant 0 : index
    %get3A_208 = arith.constant 15 : index
    %get3A_209 = arith.constant 0 : index
    %get3A_210 = arith.constant 0 : index
    %get3A_211 = vector.load %arg2[%get3A_207, %get3A_208, %get3A_209, %get3A_210] : memref<1x24x384x96xf32, #tpu.memory_space<vmem>>, vector<1x1x384x96xf32>
    %get3A_212 = vector.shape_cast %get3A_211 : vector<1x1x384x96xf32> to vector<384x96xf32>
    %transpose3A_213 = tpu.transpose %get3A_212, [1, 0] : vector<384x96xf32> -> vector<96x384xf32>
    %swap3A_214 = arith.constant 0 : index
    %swap3A_215 = arith.constant 0 : index
    %swap3A_216 = arith.constant 15 : index
    %swap3A_217 = arith.constant 0 : index
    %swap3A_218 = vector.load %arg3[%swap3A_214, %swap3A_215, %swap3A_216, %swap3A_217] : memref<1x96x24x384xf32, #tpu.memory_space<vmem>>, vector<1x96x1x384xf32>
    %swap3A_219 = vector.shape_cast %swap3A_218 : vector<1x96x1x384xf32> to vector<96x384xf32>
    %swap3A_220 = vector.shape_cast %transpose3A_213 : vector<96x384xf32> to vector<1x96x1x384xf32>
    tpu.vector_store %arg3[%swap3A_214, %swap3A_215, %swap3A_216, %swap3A_217], %swap3A_220 {strides = array<i32>} : memref<1x96x24x384xf32, #tpu.memory_space<vmem>>, vector<1x96x1x384xf32>,
    %get3A_221 = arith.constant 0 : index
    %get3A_222 = arith.constant 16 : index
    %get3A_223 = arith.constant 0 : index
    %get3A_224 = arith.constant 0 : index
    %get3A_225 = vector.load %arg2[%get3A_221, %get3A_222, %get3A_223, %get3A_224] : memref<1x24x384x96xf32, #tpu.memory_space<vmem>>, vector<1x1x384x96xf32>
    %get3A_226 = vector.shape_cast %get3A_225 : vector<1x1x384x96xf32> to vector<384x96xf32>
    %transpose3A_227 = tpu.transpose %get3A_226, [1, 0] : vector<384x96xf32> -> vector<96x384xf32>
    %swap3A_228 = arith.constant 0 : index
    %swap3A_229 = arith.constant 0 : index
    %swap3A_230 = arith.constant 16 : index
    %swap3A_231 = arith.constant 0 : index
    %swap3A_232 = vector.load %arg3[%swap3A_228, %swap3A_229, %swap3A_230, %swap3A_231] : memref<1x96x24x384xf32, #tpu.memory_space<vmem>>, vector<1x96x1x384xf32>
    %swap3A_233 = vector.shape_cast %swap3A_232 : vector<1x96x1x384xf32> to vector<96x384xf32>
    %swap3A_234 = vector.shape_cast %transpose3A_227 : vector<96x384xf32> to vector<1x96x1x384xf32>
    tpu.vector_store %arg3[%swap3A_228, %swap3A_229, %swap3A_230, %swap3A_231], %swap3A_234 {strides = array<i32>} : memref<1x96x24x384xf32, #tpu.memory_space<vmem>>, vector<1x96x1x384xf32>,
    %get3A_235 = arith.constant 0 : index
    %get3A_236 = arith.constant 17 : index
    %get3A_237 = arith.constant 0 : index
    %get3A_238 = arith.constant 0 : index
    %get3A_239 = vector.load %arg2[%get3A_235, %get3A_236, %get3A_237, %get3A_238] : memref<1x24x384x96xf32, #tpu.memory_space<vmem>>, vector<1x1x384x96xf32>
    %get3A_240 = vector.shape_cast %get3A_239 : vector<1x1x384x96xf32> to vector<384x96xf32>
    %transpose3A_241 = tpu.transpose %get3A_240, [1, 0] : vector<384x96xf32> -> vector<96x384xf32>
    %swap3A_242 = arith.constant 0 : index
    %swap3A_243 = arith.constant 0 : index
    %swap3A_244 = arith.constant 17 : index
    %swap3A_245 = arith.constant 0 : index
    %swap3A_246 = vector.load %arg3[%swap3A_242, %swap3A_243, %swap3A_244, %swap3A_245] : memref<1x96x24x384xf32, #tpu.memory_space<vmem>>, vector<1x96x1x384xf32>
    %swap3A_247 = vector.shape_cast %swap3A_246 : vector<1x96x1x384xf32> to vector<96x384xf32>
    %swap3A_248 = vector.shape_cast %transpose3A_241 : vector<96x384xf32> to vector<1x96x1x384xf32>
    tpu.vector_store %arg3[%swap3A_242, %swap3A_243, %swap3A_244, %swap3A_245], %swap3A_248 {strides = array<i32>} : memref<1x96x24x384xf32, #tpu.memory_space<vmem>>, vector<1x96x1x384xf32>,
    %get3A_249 = arith.constant 0 : index
    %get3A_250 = arith.constant 18 : index
    %get3A_251 = arith.constant 0 : index
    %get3A_252 = arith.constant 0 : index
    %get3A_253 = vector.load %arg2[%get3A_249, %get3A_250, %get3A_251, %get3A_252] : memref<1x24x384x96xf32, #tpu.memory_space<vmem>>, vector<1x1x384x96xf32>
    %get3A_254 = vector.shape_cast %get3A_253 : vector<1x1x384x96xf32> to vector<384x96xf32>
    %transpose3A_255 = tpu.transpose %get3A_254, [1, 0] : vector<384x96xf32> -> vector<96x384xf32>
    %swap3A_256 = arith.constant 0 : index
    %swap3A_257 = arith.constant 0 : index
    %swap3A_258 = arith.constant 18 : index
    %swap3A_259 = arith.constant 0 : index
    %swap3A_260 = vector.load %arg3[%swap3A_256, %swap3A_257, %swap3A_258, %swap3A_259] : memref<1x96x24x384xf32, #tpu.memory_space<vmem>>, vector<1x96x1x384xf32>
    %swap3A_261 = vector.shape_cast %swap3A_260 : vector<1x96x1x384xf32> to vector<96x384xf32>
    %swap3A_262 = vector.shape_cast %transpose3A_255 : vector<96x384xf32> to vector<1x96x1x384xf32>
    tpu.vector_store %arg3[%swap3A_256, %swap3A_257, %swap3A_258, %swap3A_259], %swap3A_262 {strides = array<i32>} : memref<1x96x24x384xf32, #tpu.memory_space<vmem>>, vector<1x96x1x384xf32>,
    %get3A_263 = arith.constant 0 : index
    %get3A_264 = arith.constant 19 : index
    %get3A_265 = arith.constant 0 : index
    %get3A_266 = arith.constant 0 : index
    %get3A_267 = vector.load %arg2[%get3A_263, %get3A_264, %get3A_265, %get3A_266] : memref<1x24x384x96xf32, #tpu.memory_space<vmem>>, vector<1x1x384x96xf32>
    %get3A_268 = vector.shape_cast %get3A_267 : vector<1x1x384x96xf32> to vector<384x96xf32>
    %transpose3A_269 = tpu.transpose %get3A_268, [1, 0] : vector<384x96xf32> -> vector<96x384xf32>
    %swap3A_270 = arith.constant 0 : index
    %swap3A_271 = arith.constant 0 : index
    %swap3A_272 = arith.constant 19 : index
    %swap3A_273 = arith.constant 0 : index
    %swap3A_274 = vector.load %arg3[%swap3A_270, %swap3A_271, %swap3A_272, %swap3A_273] : memref<1x96x24x384xf32, #tpu.memory_space<vmem>>, vector<1x96x1x384xf32>
    %swap3A_275 = vector.shape_cast %swap3A_274 : vector<1x96x1x384xf32> to vector<96x384xf32>
    %swap3A_276 = vector.shape_cast %transpose3A_269 : vector<96x384xf32> to vector<1x96x1x384xf32>
    tpu.vector_store %arg3[%swap3A_270, %swap3A_271, %swap3A_272, %swap3A_273], %swap3A_276 {strides = array<i32>} : memref<1x96x24x384xf32, #tpu.memory_space<vmem>>, vector<1x96x1x384xf32>,
    %get3A_277 = arith.constant 0 : index
    %get3A_278 = arith.constant 20 : index
    %get3A_279 = arith.constant 0 : index
    %get3A_280 = arith.constant 0 : index
    %get3A_281 = vector.load %arg2[%get3A_277, %get3A_278, %get3A_279, %get3A_280] : memref<1x24x384x96xf32, #tpu.memory_space<vmem>>, vector<1x1x384x96xf32>
    %get3A_282 = vector.shape_cast %get3A_281 : vector<1x1x384x96xf32> to vector<384x96xf32>
    %transpose3A_283 = tpu.transpose %get3A_282, [1, 0] : vector<384x96xf32> -> vector<96x384xf32>
    %swap3A_284 = arith.constant 0 : index
    %swap3A_285 = arith.constant 0 : index
    %swap3A_286 = arith.constant 20 : index
    %swap3A_287 = arith.constant 0 : index
    %swap3A_288 = vector.load %arg3[%swap3A_284, %swap3A_285, %swap3A_286, %swap3A_287] : memref<1x96x24x384xf32, #tpu.memory_space<vmem>>, vector<1x96x1x384xf32>
    %swap3A_289 = vector.shape_cast %swap3A_288 : vector<1x96x1x384xf32> to vector<96x384xf32>
    %swap3A_290 = vector.shape_cast %transpose3A_283 : vector<96x384xf32> to vector<1x96x1x384xf32>
    tpu.vector_store %arg3[%swap3A_284, %swap3A_285, %swap3A_286, %swap3A_287], %swap3A_290 {strides = array<i32>} : memref<1x96x24x384xf32, #tpu.memory_space<vmem>>, vector<1x96x1x384xf32>,
    %get3A_291 = arith.constant 0 : index
    %get3A_292 = arith.constant 21 : index
    %get3A_293 = arith.constant 0 : index
    %get3A_294 = arith.constant 0 : index
    %get3A_295 = vector.load %arg2[%get3A_291, %get3A_292, %get3A_293, %get3A_294] : memref<1x24x384x96xf32, #tpu.memory_space<vmem>>, vector<1x1x384x96xf32>
    %get3A_296 = vector.shape_cast %get3A_295 : vector<1x1x384x96xf32> to vector<384x96xf32>
    %transpose3A_297 = tpu.transpose %get3A_296, [1, 0] : vector<384x96xf32> -> vector<96x384xf32>
    %swap3A_298 = arith.constant 0 : index
    %swap3A_299 = arith.constant 0 : index
    %swap3A_300 = arith.constant 21 : index
    %swap3A_301 = arith.constant 0 : index
    %swap3A_302 = vector.load %arg3[%swap3A_298, %swap3A_299, %swap3A_300, %swap3A_301] : memref<1x96x24x384xf32, #tpu.memory_space<vmem>>, vector<1x96x1x384xf32>
    %swap3A_303 = vector.shape_cast %swap3A_302 : vector<1x96x1x384xf32> to vector<96x384xf32>
    %swap3A_304 = vector.shape_cast %transpose3A_297 : vector<96x384xf32> to vector<1x96x1x384xf32>
    tpu.vector_store %arg3[%swap3A_298, %swap3A_299, %swap3A_300, %swap3A_301], %swap3A_304 {strides = array<i32>} : memref<1x96x24x384xf32, #tpu.memory_space<vmem>>, vector<1x96x1x384xf32>,
    %get3A_305 = arith.constant 0 : index
    %get3A_306 = arith.constant 22 : index
    %get3A_307 = arith.constant 0 : index
    %get3A_308 = arith.constant 0 : index
    %get3A_309 = vector.load %arg2[%get3A_305, %get3A_306, %get3A_307, %get3A_308] : memref<1x24x384x96xf32, #tpu.memory_space<vmem>>, vector<1x1x384x96xf32>
    %get3A_310 = vector.shape_cast %get3A_309 : vector<1x1x384x96xf32> to vector<384x96xf32>
    %transpose3A_311 = tpu.transpose %get3A_310, [1, 0] : vector<384x96xf32> -> vector<96x384xf32>
    %swap3A_312 = arith.constant 0 : index
    %swap3A_313 = arith.constant 0 : index
    %swap3A_314 = arith.constant 22 : index
    %swap3A_315 = arith.constant 0 : index
    %swap3A_316 = vector.load %arg3[%swap3A_312, %swap3A_313, %swap3A_314, %swap3A_315] : memref<1x96x24x384xf32, #tpu.memory_space<vmem>>, vector<1x96x1x384xf32>
    %swap3A_317 = vector.shape_cast %swap3A_316 : vector<1x96x1x384xf32> to vector<96x384xf32>
    %swap3A_318 = vector.shape_cast %transpose3A_311 : vector<96x384xf32> to vector<1x96x1x384xf32>
    tpu.vector_store %arg3[%swap3A_312, %swap3A_313, %swap3A_314, %swap3A_315], %swap3A_318 {strides = array<i32>} : memref<1x96x24x384xf32, #tpu.memory_space<vmem>>, vector<1x96x1x384xf32>,
    %get3A_319 = arith.constant 0 : index
    %get3A_320 = arith.constant 23 : index
    %get3A_321 = arith.constant 0 : index
    %get3A_322 = arith.constant 0 : index
    %get3A_323 = vector.load %arg2[%get3A_319, %get3A_320, %get3A_321, %get3A_322] : memref<1x24x384x96xf32, #tpu.memory_space<vmem>>, vector<1x1x384x96xf32>
    %get3A_324 = vector.shape_cast %get3A_323 : vector<1x1x384x96xf32> to vector<384x96xf32>
    %transpose3A_325 = tpu.transpose %get3A_324, [1, 0] : vector<384x96xf32> -> vector<96x384xf32>
    %swap3A_326 = arith.constant 0 : index
    %swap3A_327 = arith.constant 0 : index
    %swap3A_328 = arith.constant 23 : index
    %swap3A_329 = arith.constant 0 : index
    %swap3A_330 = vector.load %arg3[%swap3A_326, %swap3A_327, %swap3A_328, %swap3A_329] : memref<1x96x24x384xf32, #tpu.memory_space<vmem>>, vector<1x96x1x384xf32>
    %swap3A_331 = vector.shape_cast %swap3A_330 : vector<1x96x1x384xf32> to vector<96x384xf32>
    %swap3A_332 = vector.shape_cast %transpose3A_325 : vector<96x384xf32> to vector<1x96x1x384xf32>
    tpu.vector_store %arg3[%swap3A_326, %swap3A_327, %swap3A_328, %swap3A_329], %swap3A_332 {strides = array<i32>} : memref<1x96x24x384xf32, #tpu.memory_space<vmem>>, vector<1x96x1x384xf32>,
    return
  }
  func.func @transform_0(%arg0: i32, %arg1: i32) -> (i32, i32, i32, i32) {
    %c0_i32 = arith.constant 0 : i32
    %c0_i32_0 = arith.constant 0 : i32
    %c0_i32_1 = arith.constant 0 : i32
    return %arg0, %arg1, %c0_i32, %c0_i32_0 : i32, i32, i32, i32
  }
  func.func @transform_1(%arg0: i32, %arg1: i32) -> (i32, i32, i32, i32) {
    %c0_i32 = arith.constant 0 : i32
    %c0_i32_0 = arith.constant 0 : i32
    %c0_i32_1 = arith.constant 0 : i32
    return %arg0, %c0_i32, %arg1, %c0_i32_0 : i32, i32, i32, i32
  }
}

</mosaic_0001>

<sc_bundles>
// kernel: kernel.6.cloned.1.call-start
scs
__scs_entry_jumppad:
0x0: {  	(pc) =	sbr.rel $0x88, $3  }
0x1: {  	(tag) =	ssettag $0x0;
	lr =	simm.s32 $0x1  }
0x2: {  	[smem:$0x3F9F] =	sst lr;
	_ =	strace $0xD0000000  }
0x3: {  	_ = 	snop  }
0x4: {  	_ = 	snop  }
0x5: {  	_ = 	snop  }
0x6: {  	_ = 	snop  }
0x7: {  	_ = 	snop  }
__scs_overlays_trampoline_lowered:
0x8: {  	[smem:$0x3FAE] =	sst s0  }
0x9: {  	[smem:$0x3FAF] =	sst s1  }
0xa: {  	[smem:$0x3FB0] =	sst s2  }
0xb: {  	[smem:$0x3FB1] =	sst s3  }
0xc: {  	[smem:$0x3FB2] =	sst s4  }
0xd: {  	[smem:$0x3FB3] =	sst s5  }
0xe: {  	[smem:$0x3FB4] =	sst s6  }
0xf: {  	[smem:$0x3FB5] =	sst s7  }
0x10: {  	[smem:$0x3FB6] =	sst s8  }
0x11: {  	[smem:$0x3FB7] =	sst s9;
	s0 =	simm.s32 @!p0 $0x0  }
0x12: {  	s1 =	sld [smem:$0x3F9D];
	s0 =	simm.s32 @p0 $0x1  }
0x13: {  	[smem:$0x3FB8] =	sst s0;
	s0 =	simm.s32 @!p1 $0x0  }
0x14: {  	s2 =	sld [smem:$0x3F9C];
	s0 =	simm.s32 @p1 $0x1  }
0x15: {  	[smem:$0x3FB9] =	sst s0;
	s0 =	simm.s32 @!p2 $0x0  }
0x16: {  	s3 =	sld [smem:$0x3FDB];
	s0 =	simm.s32 @p2 $0x1  }
0x17: {  	s4 =	simm.s32 $0x1BF5;
	[smem:$0x3FBB] =	sst s0  }
0x18: {  	s0 =	sld [smem:$0x3F9E];
	_ =	swait.ge [sflag:s4], $0x0  }
0x19: {  	s7 =	sld [smem:$0x3F9F]  }
0x1a: {  	s8 =	sadd.s32 $0xFFFFE003, lr  }
0x1b: {  	s9 =	sadd.s32 $0xFFFFFEF7, lr;
	s5 =	simm.s32 $0xFFFFFFFF;
	p2 =	slt.u32 s8, $0xFFFFF086  }
0x1c: {  	p1 =	slt.u32 s9, $0xF7A;
	s5 =	simm.s32 @!p2 $0x0  }
0x1d: {  	s5 =	simm.s32 @p1 $0x1;
	p0 =	seq.s32 s7, s2  }
0x1e: {  	s7 =	smul.u32 @!p0 $0xF7A, s2;
	p2 =	seq.s32 @!p0 s5, $0x0  }
0x1f: {  	s9 =	smul.u32 $0xF7A, s1;
	s8 =	simm.s32 @!p0 $0x1BF5;
	p2 =	por !p2, p0  }
0x20: {  	[sflag:s8] =	ssyncset.s32 @!p0 $0xFFFFF086;
	s6 =	sadd.s32 @!p0 s3, s7;
	s7 =	simm.s32 @!p0 $0x108  }
0x21: {  	s3 =	sadd.s32 s3, s9;
	s6 =	sadd.s32 @!p0 $0x88, s6;
	s7 =	simm.s32 @p2 $0x1082  }
0x22: {  	[simem:s7], [sflag:s8] =	dma.local @!p0 [hbm:s6], $0xF7A  }
0x23: {  	s9 =	sor.u32 $0xD0000000, s2;
	s6 =	simm.s32 $0x108;
	_ =	swait.ge @!p0 [sflag:s8], $0x0  }
0x24: {  	s3 =	sadd.s32 $0x88, s3;
	s6 =	simm.s32 @!p1 $0x1082;
	[sflag:s4] =	ssyncset.s32 $0xFFFFF086  }
0x25: {  	[simem:s6], [sflag:s4] =	dma.local [hbm:s3], $0xF7A  }
0x26: {  	[smem:$0x3F9F] =	sst s1;
	(tag) =	ssettag s2;
	_ =	strace s9  }
0x27: {  	s1 =	sld [smem:$0x3FAF]  }
0x28: {  	s2 =	sld [smem:$0x3FB0]  }
0x29: {  	s4 =	sld [smem:$0x3FB2]  }
0x2a: {  	p0 =	seq.s32 s5, $0x0;
	s5 =	sld [smem:$0x3FB3]  }
0x2b: {  	s6 =	sld [smem:$0x3FB4]  }
0x2c: {  	s7 =	sld [smem:$0x3FB5]  }
0x2d: {  	s3 =	simm.s32 $0x108;
	s8 =	sld [smem:$0x3FB6]  }
0x2e: {  	s3 =	simm.s32 @!p0 $0x1082;
	s9 =	sld [smem:$0x3FB7]  }
0x2f: {  	lr =	sadd.s32 s0, s3;
	s0 =	sld [smem:$0x3FAE]  }
0x30: {  	s3 =	sld [smem:$0x3FB1]  }
0x31: {  	[smem:$0x3FBA] =	sst s10  }
0x32: {  	s10 =	sld [smem:$0x3FB8];
	_ =	sdelay $0x3  }
0x33: {  	p0 =	seq.s32 s10, $0x1;
	s10 =	sld [smem:$0x3FBA];
	_ =	sdelay $0x3  }
0x34: {  	[smem:$0x3FBA] =	sst s10  }
0x35: {  	s10 =	sld [smem:$0x3FB9];
	_ =	sdelay $0x3  }
0x36: {  	p1 =	seq.s32 s10, $0x1;
	s10 =	sld [smem:$0x3FBA];
	_ =	sdelay $0x3  }
0x37: {  	[smem:$0x3FBA] =	sst s10  }
0x38: {  	s10 =	sld [smem:$0x3FBB]  }
0x39: {  	_ = 	snop;
	(pc) =	sbr.ind lr, $3  }
0x3a: {  	_ = 	snop  }
0x3b: {  	_ = 	snop  }
0x3c: {  	p2 =	seq.s32 s10, $0x1;
	s10 =	sld [smem:$0x3FBA]  }
0x3d: {  	_ =	shalt  }
0x3e: {  	_ =	shalt  }
0x3f: {  	_ =	shalt  }
0x40: {  	_ =	shalt  }
0x41: {  	_ =	shalt  }
0x42: {  	_ =	shalt  }
0x43: {  	_ =	shalt  }
0x44: {  	_ =	shalt  }
0x45: {  	_ =	shalt  }
0x46: {  	_ =	shalt  }
0x47: {  	_ =	shalt  }
0x48: {  	_ =	shalt  }
0x49: {  	_ =	shalt  }
0x4a: {  	_ =	shalt  }
0x4b: {  	_ =	shalt  }
0x4c: {  	_ =	shalt  }
0x4d: {  	_ =	shalt  }
0x4e: {  	_ =	shalt  }
0x4f: {  	_ =	shalt  }
0x50: {  	_ =	shalt  }
0x51: {  	_ =	shalt  }
0x52: {  	_ =	shalt  }
0x53: {  	_ =	shalt  }
0x54: {  	_ =	shalt  }
0x55: {  	_ =	shalt  }
0x56: {  	_ =	shalt  }
0x57: {  	_ =	shalt  }
0x58: {  	_ =	shalt  }
0x59: {  	_ =	shalt  }
0x5a: {  	_ =	shalt  }
0x5b: {  	_ =	shalt  }
0x5c: {  	_ =	shalt  }
0x5d: {  	_ =	shalt  }
0x5e: {  	_ =	shalt  }
0x5f: {  	_ =	shalt  }
0x60: {  	_ =	shalt  }
0x61: {  	_ =	shalt  }
0x62: {  	_ =	shalt  }
0x63: {  	_ =	shalt  }
0x64: {  	_ =	shalt  }
0x65: {  	_ =	shalt  }
0x66: {  	_ =	shalt  }
0x67: {  	_ =	shalt  }
0x68: {  	_ =	shalt  }
0x69: {  	_ =	shalt  }
0x6a: {  	_ =	shalt  }
0x6b: {  	_ =	shalt  }
0x6c: {  	_ =	shalt  }
0x6d: {  	_ =	shalt  }
0x6e: {  	_ =	shalt  }
0x6f: {  	_ =	shalt  }
0x70: {  	_ =	shalt  }
0x71: {  	_ =	shalt  }
0x72: {  	_ =	shalt  }
0x73: {  	_ =	shalt  }
0x74: {  	_ =	shalt  }
0x75: {  	_ =	shalt  }
0x76: {  	_ =	shalt  }
0x77: {  	_ =	shalt  }
0x78: {  	_ =	shalt  }
0x79: {  	_ =	shalt  }
0x7a: {  	_ =	shalt  }
0x7b: {  	_ =	shalt  }
0x7c: {  	_ =	shalt  }
0x7d: {  	_ =	shalt  }
0x7e: {  	_ =	shalt  }
0x7f: {  	_ =	shalt  }
0x80: {  	_ =	shalt  }
0x81: {  	_ =	shalt  }
0x82: {  	_ =	shalt  }
0x83: {  	_ =	shalt  }
0x84: {  	_ =	shalt  }
0x85: {  	_ =	shalt  }
0x86: {  	_ =	shalt  }
0x87: {  	_ =	shalt  }
.Lfunc_end0:
.L_simem_size_0:
called_computation_lowered:
.L_overlay_start_0:
0x88: {  	s2 =	sld [smem:$0x3FD9]  }
0x89: {  	s3 =	sld [smem:$0x3FFE];
	_ =	sdelay $0x1  }
0x8a: {  	s1 =	srdreg.scid  }
0x8b: {  	s0 =	sand.u32 $0x1, s1  }
0x8c: {  	s17 =	sshll.u32 s0, $0xA;
	s2 =	sadd.s32 s3, s2  }
0x8d: {  	s2 =	sadd.s32 s2, s17  }
0x8e: {  	[smem:$0x3FC6] =	sst s2  }
0x8f: {  	_ = 	snop  }
0x90: {  	s2 =	sld [smem:$0x3FD0];
	(tm) =	ssettm $0x1  }
0x91: {  	s18 =	sld [smem:$0x3FFB];
	_ =	sdelay $0x3  }
0x92: {  	_ =	strace s18  }
0x93: {  	s3 =	sld [smem:$0x3FFC];
	_ =	sdelay $0x3  }
0x94: {  	_ =	strace s3  }
0x95: {  	s3 =	sld [smem:$0x3FFD];
	_ =	sdelay $0x3  }
0x96: {  	_ =	strace s3  }
0x97: {  	_ =	strace $0x8FFFFFFF  }
0x98: {  	s19 =	sld [smem:$0x3FDB];
	_ =	sdelay $0x1  }
0x99: {  	s4 =	simm.s32 $_scs_section_size  }
0x9a: {  	s5 =	simm.s32 $_size__tile_overlayer_lowered;
	s6 =	simm.s32 $_tile_overlayer_lowered  }
0x9b: {  	s22 =	simm.s32 $0x1BFF;
	s21 =	sshll.u32 s6, $0x1;
	s3 =	sadd.s32 s4, s19  }
0x9c: {  	s7 =	simm.s32 $0x0;
	s20 =	sshll.u32 s5, $0x1;
	s5 =	sadd.s32 s21, s3  }
0x9d: {  	[timem:s7], [sflag:s22] =	dma.local [hbm:s5], s20  }
0x9e: {  	_ =	swait.ge [sflag:s22], s20  }
0x9f: {  	s4 =	ssub.s32 $0x0, s20;
	[sflag:s22] =	ssyncset.done $0x0  }
0xa0: {  	[sflag:s22] =	ssyncadd.s32 s4;
	_ =	sdelay $0x1  }
0xa1: {  	s23 =	simm.s32 $0x1B8B  }
0xa2: {  	_ =	swait.ge [sflag:s23], $0x1  }
0xa3: {  	[sflag:s23] =	ssyncset.done $0x0  }
0xa4: {  	s25 =	simm.s32 $0x1B8E;
	s24 =	sld [smem:$0x3FFE];
	[sflag:s23] =	ssyncadd.s32 $0xFFFFFFFF  }
0xa5: {  	s26 =	simm.s32 $execute0_lowered;
	[smem:$0x3FD2] =	sst s25  }
0xa6: {  	s5 =	sshll.u32 s26, $0x1;
	_ =	strace $0x80000046;
	[dreg:$0x1] =	wrdreg $0xFFFFFFFF  }
0xa7: {  	s28 =	simm.s32 $_size_execute0_lowered;
	s3 =	sadd.s32 s3, s5;
	[dreg:$0x0] =	wrdreg $0x0  }
0xa8: {  	s5 =	sshll.u32 s28, $0x1;
	[dreg:$0x2] =	wrdreg s3  }
0xa9: {  	[dreg:$0x3] =	wrdreg s5  }
0xaa: {  	[dreg:$0x4] =	wrdreg $0xC0  }
0xab: {  	_ =	task [dreg:s7], $0x5FFFF  }
0xac: {  	[dreg:$0x1] =	wrdreg $0xFFFFFFFF  }
0xad: {  	[dreg:$0x0] =	wrdreg $0x60  }
0xae: {  	[dreg:$0x2] =	wrdreg s24  }
0xaf: {  	[dreg:$0x3] =	wrdreg s2  }
0xb0: {  	[dreg:$0x4] =	wrdreg $0x9  }
0xb1: {  	_ =	task.clear_ibuf [dreg:s7], $0x5FFFF;
	_ =	strace $0x90000046  }
0xb2: {  	s29 =	simm.s32 $0x9;
	_ =	strace $0x80000048  }
0xb3: {  	_ =	swait.ge [sflag:s29], $0x1  }
0xb4: {  	[sflag:s29] =	ssyncadd.s32 $0xFFFFFFFF  }
0xb5: {  	_ =	strace $0x90000048  }
0xb6: {  	_ =	sfence  }
0xb7: {  	s30 =	sld [smem:$0x0];
	_ =	sdelay $0x2  }
0xb8: {  	s31 =	sshll.u32 s1, $0xD;
	s1 =	sshrl.u32 s1, $0x2  }
0xb9: {  	s3 =	sand.u32 $0x4000, s31;
	s1 =	sadd.s32 s1, s30  }
0xba: {  	s0 =	sor.u32 s3, s0;
	s1 =	sshll.u32 s1, $0x11  }
0xbb: {  	s0 =	sor.u32 s1, s0  }
0xbc: {  	s0 =	sadd.s32 $0x8F2B, s0  }
0xbd: {  	[sflag:s0] =	ssyncadd.remote.s32 $0x1  }
0xbe: {  	_ =	sfence.sel $0xFFFF  }
0xbf: {  	[dreg:$0x0] =	wrdreg $0xFFFFFFFF;
	(pc) =	sbr.abs _section_cstart, $3  }
0xc0: {  	[dreg:$0x1] =	wrdreg $0xFFFFFFFF  }
0xc1: {  	_ =	task.clear_ibuf [dreg:s7], $0x2FFFF;
	_ =	strace $0x9FFFFFFF  }
0xc2: {  	(tm) =	ssettm $0x7FFFFFFF  }
0xc3: {  	_ =	shalt  }
tec
execute0_lowered:
.L_overlay_start_1:
0x0: {  	(tag) =	ssettag $0x1  }
0x1: {  	s0 =	rddreg [dreg:$0x0]  }
0x2: {  	s1 =	srdreg.scid;
	s2 =	stileid.u32  }
0x3: {  	s3 =	simm.s32 $0x0;
	s28 =	simm.s32 $0x1E0;
	s29 =	simm.s32 $0x4E0  }
0x4: {  	s30 =	simm.s32 $0x240;
	s31 =	simm.s32 $0x540;
	s13 =	simm.s32 $0x3  }
0x5: {  	s11 =	simm.s32 $0x0;
	s1 =	sand.u32 $0x1, s1;
	s4 =	sshll.u32 s2, $0x1  }
0x6: {  	[smem:$0x7FF] =	sst s3;
	s5 =	sadd.s32 $0xE00, s0;
	s4 =	sor.u32 s1, s4  }
0x7: {  	s6 =	sadd.s32 $0x6D2E00, s0;
	s1 =	ssub.s32 $0x2, s1;
	s4 =	smul.u32 $0x1200, s4  }
0x8: {  	s7 =	sadd.s32 $0x6C0E00, s0;
	_ =	strace $0x80000047;
	s8 =	sshrl.u32 s1, $0x1  }
0x9: {  	s15 =	ssub.s32 s1, s8;
	s8 =	simm.s32 $0x2A0;
	s9 =	sshrl.u32 s4, $0x3  }
0xa: {  	s16 =	sor.u32 $0x60, s4;
	s17 =	sor.u32 $0xC0, s4;
	s0 =	smax.u32 s15, $0x1  }
0xb: {  	s15 =	simm.s32 $0x4;
	s18 =	sadd.s32 $0x4800, s9;
	s19 =	sadd.s32 s6, s9  }
0xc: {  	s20 =	sadd.s32 s7, s9;
	s22 =	sadd.s32 $0x9000, s9;
	[dreg:$0xb] =	wrdreg s0  }
0xd: {  	s23 =	sadd.s32 $0xD800, s9;
	s0 =	simm.s32 $0x480;
	[dreg:$0x3] =	wrdreg s19  }
0xe: {  	s9 =	simm.s32 $0x2;
	[dreg:$0x4] =	wrdreg s20;
	s21 =	sadd.s32 s6, s18  }
0xf: {  	s1 =	sadd.s32 s7, s18;
	s24 =	sadd.s32 s6, s22;
	[dreg:$0x5] =	wrdreg s21  }
0x10: {  	s25 =	sadd.s32 s6, s23;
	s26 =	sadd.s32 s7, s23;
	[dreg:$0x6] =	wrdreg s1  }
0x11: {  	s19 =	simm.s32 $0x300;
	s20 =	simm.s32 $0x60;
	[dreg:$0x7] =	wrdreg s24  }
0x12: {  	s23 =	simm.s32 $0x3C0;
	s1 =	sadd.s32 s7, s22;
	[dreg:$0x9] =	wrdreg s25  }
0x13: {  	[dreg:$0xa] =	wrdreg s26;
	s21 =	simm.s32 $0x360;
	s25 =	simm.s32 $0x420  }
0x14: {  	s22 =	simm.s32 $0x5A0;
	[dreg:$0x8] =	wrdreg s1;
	s1 =	simm.s32 $0x180  }
.LBB2_1:
0x15: {  	[dreg:$0xc] =	wrdreg s11  }
0x16: {  	s2 =	rddreg [dreg:$0x3]  }
0x17: {  	[tilespmem:s3], [sflag:$0x1] =	stream.linear.gather [hbm4b:s2+s3], $0x60, $0x38;
	[tilespmem:$0x16E00] =	vst v63  }
0x18: {  	s10 =	rddreg [dreg:$0x4]  }
0x19: {  	[tilespmem:s19], [sflag:$0x1] =	stream.linear.gather [hbm4b:s10+s3], $0x60, $0x38;
	[tilespmem:$0x16E00] =	vst v63  }
0x1a: {  	s11 =	rddreg [dreg:$0x5]  }
0x1b: {  	[tilespmem:s20], [sflag:$0x1] =	stream.linear.gather [hbm4b:s11+s3], $0x60, $0x38;
	[tilespmem:$0x16E00] =	vst v63  }
0x1c: {  	s12 =	rddreg [dreg:$0x6]  }
0x1d: {  	[tilespmem:s21], [sflag:$0x1] =	stream.linear.gather [hbm4b:s12+s3], $0x60, $0x38;
	[tilespmem:$0x16E00] =	vst v63  }
0x1e: {  	s14 =	rddreg [dreg:$0x7];
	s10 =	simm.s32 $0xC0  }
0x1f: {  	[tilespmem:s10], [sflag:$0x1] =	stream.linear.gather [hbm4b:s14+s3], $0x60, $0x38;
	[tilespmem:$0x16E00] =	vst v63  }
0x20: {  	s18 =	rddreg [dreg:$0x8]  }
0x21: {  	[tilespmem:s23], [sflag:$0x1] =	stream.linear.gather [hbm4b:s18+s3], $0x60, $0x38;
	[tilespmem:$0x16E00] =	vst v63  }
0x22: {  	s24 =	rddreg [dreg:$0x9];
	s11 =	simm.s32 $0x120  }
0x23: {  	[tilespmem:s11], [sflag:$0x1] =	stream.linear.gather [hbm4b:s24+s3], $0x60, $0x38;
	[tilespmem:$0x16E00] =	vst v63  }
0x24: {  	s26 =	rddreg [dreg:$0xa];
	s12 =	simm.s32 $0x1  }
0x25: {  	[tilespmem:s25], [sflag:$0x1] =	stream.linear.gather [hbm4b:s26+s3], $0x60, $0x38;
	[tilespmem:$0x16E00] =	vst v63  }
0x26: {  	_ =	swait.ge [sflag:s12], $0x60  }
0x27: {  	[sflag:s12] =	ssyncset.done $0x0  }
0x28: {  	[sflag:s12] =	ssyncadd.s32 $0xFFFFFFA0  }
0x29: {  	_ =	swait.ge [sflag:s12], $0x60  }
0x2a: {  	[sflag:s12] =	ssyncset.done $0x0  }
0x2b: {  	[sflag:s12] =	ssyncadd.s32 $0xFFFFFFA0  }
0x2c: {  	_ =	swait.ge [sflag:s12], $0x60  }
0x2d: {  	[sflag:s12] =	ssyncset.done $0x0  }
0x2e: {  	[sflag:s12] =	ssyncadd.s32 $0xFFFFFFA0  }
0x2f: {  	_ =	swait.ge [sflag:s12], $0x60  }
0x30: {  	[sflag:s12] =	ssyncset.done $0x0  }
0x31: {  	[sflag:s12] =	ssyncadd.s32 $0xFFFFFFA0  }
0x32: {  	_ =	swait.ge [sflag:s12], $0x60  }
0x33: {  	[sflag:s12] =	ssyncset.done $0x0  }
0x34: {  	[sflag:s12] =	ssyncadd.s32 $0xFFFFFFA0  }
0x35: {  	_ =	swait.ge [sflag:s12], $0x60  }
0x36: {  	[sflag:s12] =	ssyncset.done $0x0  }
0x37: {  	[sflag:s12] =	ssyncadd.s32 $0xFFFFFFA0  }
0x38: {  	_ =	swait.ge [sflag:s12], $0x60  }
0x39: {  	[sflag:s12] =	ssyncset.done $0x0  }
0x3a: {  	[sflag:s12] =	ssyncadd.s32 $0xFFFFFFA0  }
0x3b: {  	_ =	swait.ge [sflag:s12], $0x60  }
0x3c: {  	[sflag:s12] =	ssyncset.done $0x0  }
0x3d: {  	s14 =	simm.s32 $0x600;
	[sflag:s12] =	ssyncadd.s32 $0xFFFFFFA0  }
0x3e: {  	[tilespmem:s14], [sflag:$0x3] =	stream.indirect.gather [hbm4b:s5+s20], $0x60, s3, s20, $0xb8;
	[tilespmem:$0x16E00] =	vst v63  }
0x3f: {  	s18 =	simm.s32 $0x2A00  }
0x40: {  	[tilespmem:s18], [sflag:$0x3] =	stream.indirect.gather [hbm4b:s5+s20], $0x60, s20, s20, $0xb8;
	[tilespmem:$0x16E00] =	vst v63  }
0x41: {  	s24 =	simm.s32 $0x4E00  }
0x42: {  	[tilespmem:s24], [sflag:$0x3] =	stream.indirect.gather [hbm4b:s5+s20], $0x60, s10, s20, $0xb8;
	[tilespmem:$0x16E00] =	vst v63  }
0x43: {  	s26 =	simm.s32 $0x7200  }
0x44: {  	[tilespmem:s26], [sflag:$0x3] =	stream.indirect.gather [hbm4b:s5+s20], $0x60, s11, s20, $0xb8;
	[tilespmem:$0x16E00] =	vst v63  }
0x45: {  	s26 =	simm.s32 $0x0  }
.LBB2_2:
0x46: {  	s24 =	smul.u32 $0xC0, s26;
	_ =	sdelay $0x1  }
0x47: {  	s10 =	sadd.s32 s24, s16  }
0x48: {  	s11 =	sshrl.u32 s10, $0x3  }
0x49: {  	s12 =	sadd.s32 s6, s11  }
0x4a: {  	[tilespmem:s1], [sflag:$0x2] =	stream.linear.gather [hbm4b:s12+s3], $0x60, $0x38;
	[tilespmem:$0x16E00] =	vst v63  }
0x4b: {  	s18 =	sadd.s32 s7, s11;
	s2 =	sadd.s32 $0x4800, s11  }
0x4c: {  	[tilespmem:s0], [sflag:$0x2] =	stream.linear.gather [hbm4b:s18+s3], $0x60, $0x38;
	[tilespmem:$0x16E00] =	vst v63  }
0x4d: {  	s14 =	sadd.s32 s6, s2  }
0x4e: {  	[tilespmem:s28], [sflag:$0x2] =	stream.linear.gather [hbm4b:s14+s3], $0x60, $0x38;
	[tilespmem:$0x16E00] =	vst v63  }
0x4f: {  	s12 =	sadd.s32 s7, s2;
	s18 =	sadd.s32 $0x9000, s11  }
0x50: {  	[tilespmem:s29], [sflag:$0x2] =	stream.linear.gather [hbm4b:s12+s3], $0x60, $0x38;
	[tilespmem:$0x16E00] =	vst v63  }
0x51: {  	s2 =	sadd.s32 s6, s18  }
0x52: {  	[tilespmem:s30], [sflag:$0x2] =	stream.linear.gather [hbm4b:s2+s3], $0x60, $0x38;
	[tilespmem:$0x16E00] =	vst v63  }
0x53: {  	s11 =	sadd.s32 $0xD800, s11;
	s12 =	sadd.s32 s7, s18  }
0x54: {  	[tilespmem:s31], [sflag:$0x2] =	stream.linear.gather [hbm4b:s12+s3], $0x60, $0x38;
	[tilespmem:$0x16E00] =	vst v63  }
0x55: {  	s14 =	sadd.s32 s6, s11  }
0x56: {  	[tilespmem:s8], [sflag:$0x2] =	stream.linear.gather [hbm4b:s14+s3], $0x60, $0x38;
	[tilespmem:$0x16E00] =	vst v63  }
0x57: {  	s11 =	sadd.s32 s7, s11  }
0x58: {  	[tilespmem:s22], [sflag:$0x2] =	stream.linear.gather [hbm4b:s11+s3], $0x60, $0x38;
	[tilespmem:$0x16E00] =	vst v63  }
0x59: {  	_ =	swait.ge [sflag:s9], $0x60  }
0x5a: {  	[sflag:s9] =	ssyncset.done $0x0  }
0x5b: {  	[sflag:s9] =	ssyncadd.s32 $0xFFFFFFA0  }
0x5c: {  	_ =	swait.ge [sflag:s9], $0x60  }
0x5d: {  	[sflag:s9] =	ssyncset.done $0x0  }
0x5e: {  	[sflag:s9] =	ssyncadd.s32 $0xFFFFFFA0  }
0x5f: {  	_ =	swait.ge [sflag:s9], $0x60  }
0x60: {  	[sflag:s9] =	ssyncset.done $0x0  }
0x61: {  	[sflag:s9] =	ssyncadd.s32 $0xFFFFFFA0  }
0x62: {  	_ =	swait.ge [sflag:s9], $0x60  }
0x63: {  	[sflag:s9] =	ssyncset.done $0x0  }
0x64: {  	[sflag:s9] =	ssyncadd.s32 $0xFFFFFFA0  }
0x65: {  	_ =	swait.ge [sflag:s9], $0x60  }
0x66: {  	[sflag:s9] =	ssyncset.done $0x0  }
0x67: {  	[sflag:s9] =	ssyncadd.s32 $0xFFFFFFA0  }
0x68: {  	_ =	swait.ge [sflag:s9], $0x60  }
0x69: {  	[sflag:s9] =	ssyncset.done $0x0  }
0x6a: {  	[sflag:s9] =	ssyncadd.s32 $0xFFFFFFA0  }
0x6b: {  	_ =	swait.ge [sflag:s9], $0x60  }
0x6c: {  	[sflag:s9] =	ssyncset.done $0x0  }
0x6d: {  	[sflag:s9] =	ssyncadd.s32 $0xFFFFFFA0  }
0x6e: {  	_ =	swait.ge [sflag:s9], $0x60  }
0x6f: {  	[sflag:s9] =	ssyncset.done $0x0  }
0x70: {  	s2 =	simm.s32 $0x9600;
	[sflag:s9] =	ssyncadd.s32 $0xFFFFFFA0  }
0x71: {  	[tilespmem:s2], [sflag:$0x4] =	stream.indirect.gather [hbm4b:s5+s20], $0x60, s1, s20, $0xb8;
	[tilespmem:$0x16E00] =	vst v63  }
0x72: {  	s18 =	simm.s32 $0xBA00  }
0x73: {  	[tilespmem:s18], [sflag:$0x4] =	stream.indirect.gather [hbm4b:s5+s20], $0x60, s28, s20, $0xb8;
	[tilespmem:$0x16E00] =	vst v63  }
0x74: {  	s11 =	simm.s32 $0xDE00  }
0x75: {  	[tilespmem:s11], [sflag:$0x4] =	stream.indirect.gather [hbm4b:s5+s20], $0x60, s30, s20, $0xb8;
	[tilespmem:$0x16E00] =	vst v63  }
0x76: {  	s12 =	simm.s32 $0x10200  }
0x77: {  	[tilespmem:s12], [sflag:$0x4] =	stream.indirect.gather [hbm4b:s5+s20], $0x60, s8, s20, $0xb8;
	[tilespmem:$0x16E00] =	vst v63  }
0x78: {  	_ =	swait.ge [sflag:s13], $0x2400  }
0x79: {  	[sflag:s13] =	ssyncset.done $0x0  }
0x7a: {  	[sflag:s13] =	ssyncadd.s32 $0xFFFFDC00  }
0x7b: {  	_ =	swait.ge [sflag:s13], $0x2400  }
0x7c: {  	[sflag:s13] =	ssyncset.done $0x0  }
0x7d: {  	[sflag:s13] =	ssyncadd.s32 $0xFFFFDC00  }
0x7e: {  	_ =	swait.ge [sflag:s13], $0x2400  }
0x7f: {  	[sflag:s13] =	ssyncset.done $0x0  }
0x80: {  	[sflag:s13] =	ssyncadd.s32 $0xFFFFDC00  }
0x81: {  	_ =	swait.ge [sflag:s13], $0x2400  }
0x82: {  	p0 =	seq.s32 s26, $0x0;
	[sflag:s13] =	ssyncset.done $0x0  }
0x83: {  	s11 =	simm.s32 @!p0 $0x5;
	[sflag:s13] =	ssyncadd.s32 $0xFFFFDC00  }
0x84: {  	_ =	swait.ge @!p0 [sflag:s11], $0x2400  }
0x85: {  	[sflag:s11] =	ssyncset.done @!p0 $0x0  }
0x86: {  	[sflag:s11] =	ssyncadd.s32 @!p0 $0xFFFFDC00;
	s11 =	simm.s32 $0x0  }
0x87: {  	v0 =	vld [tilespmem:s11+$0x4E10]  }
0x88: {  	v3 =	vld [tilespmem:s11+$0x650]  }
0x89: {  	v4 =	vld [tilespmem:s11+$0x2A50]  }
0x8a: {  	s14 =	simm.s32 $0x0;
	v1 =	vld [tilespmem:s11+$0x4E30]  }
0x8b: {  	v2 =	vmov s14;
	v5 =	vld [tilespmem:s11+$0x610]  }
0x8c: {  	v2 =	vand.u32 $0xFFFFFFFE, v2;
	v6 =	vld [tilespmem:s11+$0x2A00]  }
0x8d: {  	v2 =	vbroadcast v2, $0x0;
	v7 =	vld [tilespmem:s11+$0x2A40]  }
0x8e: {  	v8 =	vld [tilespmem:s11+$0x2A20]  }
0x8f: {  	v9 =	vld [tilespmem:s11+$0x2A30]  }
0x90: {  	v10 =	vld [tilespmem:s11+$0x630]  }
0x91: {  	v11 =	vld [tilespmem:s11+$0x2A10]  }
0x92: {  	v12 =	vld [tilespmem:s11+$0x640]  }
0x93: {  	v13 =	vld.idx.msk [tilespmem:v2+s25+$0x0], $0xffff  }
0x94: {  	v14 =	vld.idx.msk [tilespmem:v2+s23+$0x0], $0xffff  }
0x95: {  	v15 =	vld.idx.msk [tilespmem:v2+s21+$0x0], $0xffff  }
0x96: {  	v16 =	vld.idx.msk [tilespmem:v2+s19+$0x0], $0xffff  }
0x97: {  	v2 =	vld [tilespmem:s11+$0x4E20]  }
0x98: {  	v17 =	vld [tilespmem:s11+$0x7200]  }
0x99: {  	v18 =	vld [tilespmem:s11+$0x7220]  }
0x9a: {  	v20 =	vld [tilespmem:s11+$0x620]  }
0x9b: {  	v19 =	vld [tilespmem:s11+$0x4E50]  }
0x9c: {  	v21 =	vld [tilespmem:s11+$0x7210]  }
0x9d: {  	v22 =	vld [tilespmem:s11+$0x600];
	v5 =	vmul.f32 v5, v16;
	v11 =	vmul.f32 v11, v15  }
0x9e: {  	v23 =	vld [tilespmem:s11+$0x7230];
	v0 =	vmul.f32 v0, v14;
	v25 =	vmul.f32 v1, v14  }
0x9f: {  	v24 =	vld [tilespmem:s11+$0x4E40];
	v8 =	vmul.f32 v8, v15;
	v20 =	vmul.f32 v20, v16  }
0xa0: {  	v26 =	vld [tilespmem:s11+$0x7240];
	v10 =	vmul.f32 v10, v16;
	v9 =	vmul.f32 v9, v15;
	v5 =	vadd.f32 v11, v5  }
0xa1: {  	v62 =	vld [tilespmem:s11+$0x2A70];
	v6 =	vmul.f32 v6, v15;
	v7 =	vmul.f32 v7, v15  }
0xa2: {  	v18 =	vmul.f32 v18, v13;
	v4 =	vmul.f32 v4, v15;
	v0 =	vadd.f32 v0, v5;
	v5 =	vld [tilespmem:s11+$0x4E00]  }
0xa3: {  	v1 =	vld [tilespmem:s11+$0x7270];
	v3 =	vmul.f32 v3, v16;
	v9 =	vadd.f32 v9, v10;
	v10 =	vmul.f32 v12, v16  }
0xa4: {  	v15 =	vld [tilespmem:s11+$0x6B0];
	v8 =	vadd.f32 v8, v20;
	v20 =	vmul.f32 v2, v14;
	v12 =	vmul.f32 v22, v16  }
0xa5: {  	v11 =	vld [tilespmem:s11+$0x7250];
	v3 =	vadd.f32 v4, v3;
	v7 =	vadd.f32 v7, v10;
	v10 =	vmul.f32 v24, v14  }
0xa6: {  	v2 =	vld [tilespmem:s11+$0x7290];
	v4 =	vmul.f32 v19, v14;
	v8 =	vadd.f32 v20, v8;
	v6 =	vadd.f32 v6, v12  }
0xa7: {  	v16 =	vld [tilespmem:s11+$0x4E60];
	v7 =	vadd.f32 v10, v7;
	v10 =	vmul.f32 v26, v13;
	v5 =	vmul.f32 v5, v14  }
0xa8: {  	v19 =	vld [tilespmem:s11+$0x690];
	v20 =	vmul.f32 v23, v13;
	v9 =	vadd.f32 v25, v9;
	v8 =	vadd.f32 v18, v8  }
0xa9: {  	v21 =	vmul.f32 v21, v13;
	v12 =	vld [tilespmem:s11+$0x2A90];
	v5 =	vadd.f32 v5, v6;
	v6 =	vadd.f32 v10, v7  }
0xaa: {  	s18 =	simm.s32 $0x1;
	v3 =	vadd.f32 v4, v3;
	v18 =	vld [tilespmem:s11+$0x2AA0];
	v9 =	vadd.f32 v20, v9;
	v4 =	vmul.f32 v11, v13;
	[tilespmem:s11+$0x12620] =	vst v8  }
0xab: {  	v21 =	vadd.f32 v21, v0;
	v11 =	vld [tilespmem:s11+$0x660];
	v8 =	vmul.f32 v17, v13;
	[tilespmem:s11+$0x12640] =	vst v6;
	v6 =	vmov s18  }
0xac: {  	[tilespmem:s11+$0x12630] =	vst v9;
	v9 =	vld [tilespmem:s11+$0x6A0];
	v3 =	vadd.f32 v4, v3  }
0xad: {  	[tilespmem:s11+$0x12610] =	vst v21;
	v13 =	vld [tilespmem:s11+$0x4E90];
	v5 =	vadd.f32 v8, v5  }
0xae: {  	v10 =	vld [tilespmem:s11+$0x670];
	[tilespmem:s11+$0x12650] =	vst v3  }
0xaf: {  	v8 =	vld [tilespmem:s11+$0x2A60];
	[tilespmem:s11+$0x12600] =	vst v5  }
0xb0: {  	v7 =	vld.idx.msk [tilespmem:v6+s19+$0x0], $0xffff  }
0xb1: {  	v5 =	vld.idx.msk [tilespmem:v6+s21+$0x0], $0xffff  }
0xb2: {  	v4 =	vld.idx.msk [tilespmem:v6+s23+$0x0], $0xffff  }
0xb3: {  	v3 =	vld.idx.msk [tilespmem:v6+s25+$0x0], $0xffff  }
0xb4: {  	v6 =	vld [tilespmem:s11+$0x2A80]  }
0xb5: {  	v17 =	vld [tilespmem:s11+$0x7260]  }
0xb6: {  	v21 =	vld [tilespmem:s11+$0x4EA0];
	v11 =	vmul.f32 v11, v7;
	v14 =	vmul.f32 v8, v5  }
0xb7: {  	v22 =	vld [tilespmem:s11+$0x72A0];
	v8 =	vmul.f32 v10, v7;
	v20 =	vmul.f32 v9, v7  }
0xb8: {  	v0 =	vld [tilespmem:s11+$0x72B0];
	v9 =	vmul.f32 v16, v4;
	v23 =	vmul.f32 v12, v5;
	v11 =	vadd.f32 v14, v11  }
0xb9: {  	v10 =	vmul.f32 v6, v5;
	v6 =	vmul.f32 v18, v5;
	v14 =	vld [tilespmem:s11+$0x680]  }
0xba: {  	v12 =	vmul.f32 v13, v4;
	v16 =	vmul.f32 v17, v3;
	v13 =	vld [tilespmem:s11+$0x4E80];
	v11 =	vadd.f32 v9, v11  }
0xbb: {  	v19 =	vmul.f32 v19, v7;
	v21 =	vmul.f32 v21, v4;
	v63 =	vadd.f32 v6, v20;
	v9 =	vld [tilespmem:s11+$0x2AB0]  }
0xbc: {  	v17 =	vmul.f32 v22, v3;
	v18 =	vmul.f32 v62, v5;
	v6 =	vadd.f32 v16, v11;
	v16 =	vld [tilespmem:s11+$0x4E70]  }
0xbd: {  	s14 =	simm.s32 $0x2;
	s12 =	simm.s32 $0x300;
	v20 =	vadd.f32 v23, v19;
	v19 =	vadd.f32 v21, v63;
	v11 =	vmul.f32 v15, v7;
	v15 =	vld [tilespmem:s11+$0x7280]  }
.LBB2_3:
0xbe: {  	v21 =	vmov s14;
	s18 =	sshra.s32 s12, $0x2;
	p1 =	sne.s32 s12, $0x8D00;
	s12 =	sadd.s32 $0x300, s12;
	v7 =	vmul.f32 v14, v7;
	v2 =	vmul.f32 v2, v3;
	v14 =	vld [tilespmem:s11+$0x4EB0]  }
0xbf: {  	v21 =	vand.u32 $0xFFFFFFFE, v21;
	v22 =	vld [tilespmem:s18+$0x4E10];
	v12 =	vadd.f32 v12, v20;
	v17 =	vadd.f32 v17, v19  }
0xc0: {  	v19 =	vbroadcast v21, $0x0;
	v20 =	vld [tilespmem:s18+$0x650];
	v7 =	vadd.f32 v10, v7;
	v10 =	vmul.f32 v13, v4  }
0xc1: {  	v8 =	vadd.f32 v18, v8;
	v13 =	vld [tilespmem:s18+$0x2A50];
	v16 =	vmul.f32 v16, v4;
	v2 =	vadd.f32 v2, v12;
	[tilespmem:s11+$0x126A0] =	vst v17  }
0xc2: {  	v5 =	vmul.f32 v9, v5;
	v12 =	vld [tilespmem:s18+$0x4E30];
	v7 =	vadd.f32 v10, v7;
	v10 =	vmul.f32 v15, v3  }
0xc3: {  	v1 =	vmul.f32 v1, v3;
	v9 =	vld [tilespmem:s18+$0x610];
	v8 =	vadd.f32 v16, v8;
	[tilespmem:s11+$0x12690] =	vst v2  }
0xc4: {  	v5 =	vadd.f32 v5, v11;
	v4 =	vmul.f32 v14, v4;
	v2 =	vld [tilespmem:s18+$0x2A00];
	v7 =	vadd.f32 v10, v7  }
0xc5: {  	v10 =	vld [tilespmem:s18+$0x2A40];
	v1 =	vadd.f32 v1, v8  }
0xc6: {  	v0 =	vmul.f32 v0, v3;
	v4 =	vadd.f32 v4, v5;
	v8 =	vld [tilespmem:s18+$0x2A20];
	[tilespmem:s11+$0x12680] =	vst v7  }
0xc7: {  	v3 =	vld [tilespmem:s18+$0x2A30];
	[tilespmem:s11+$0x12670] =	vst v1  }
0xc8: {  	v0 =	vadd.f32 v0, v4;
	v1 =	vld [tilespmem:s18+$0x630]  }
0xc9: {  	v4 =	vld [tilespmem:s18+$0x2A10];
	[tilespmem:s11+$0x12660] =	vst v6  }
0xca: {  	v5 =	vld [tilespmem:s18+$0x640];
	[tilespmem:s11+$0x126B0] =	vst v0;
	s11 =	smov.u32 s18  }
0xcb: {  	v6 =	vld.idx.msk [tilespmem:v19+s25+$0x0], $0xffff  }
0xcc: {  	v7 =	vld.idx.msk [tilespmem:v19+s23+$0x0], $0xffff  }
0xcd: {  	v0 =	vld.idx.msk [tilespmem:v19+s21+$0x0], $0xffff  }
0xce: {  	v11 =	vld.idx.msk [tilespmem:v19+s19+$0x0], $0xffff  }
0xcf: {  	v14 =	vld [tilespmem:s11+$0x4E20]  }
0xd0: {  	v15 =	vld [tilespmem:s11+$0x7200]  }
0xd1: {  	v16 =	vld [tilespmem:s11+$0x7220]  }
0xd2: {  	v17 =	vmul.f32 v22, v7;
	v12 =	vmul.f32 v12, v7;
	v18 =	vld [tilespmem:s11+$0x4E50]  }
0xd3: {  	v19 =	vmul.f32 v2, v0;
	v8 =	vmul.f32 v8, v0;
	v2 =	vld [tilespmem:s11+$0x620]  }
0xd4: {  	v4 =	vmul.f32 v4, v0;
	v9 =	vmul.f32 v9, v11;
	v21 =	vld [tilespmem:s11+$0x7210]  }
0xd5: {  	v10 =	vmul.f32 v10, v0;
	v22 =	vld [tilespmem:s11+$0x600];
	v15 =	vmul.f32 v15, v6  }
0xd6: {  	v1 =	vmul.f32 v1, v11;
	v4 =	vadd.f32 v4, v9;
	v9 =	vmul.f32 v16, v6;
	v16 =	vld [tilespmem:s11+$0x7230]  }
0xd7: {  	v13 =	vmul.f32 v13, v0;
	v18 =	vmul.f32 v18, v7;
	v23 =	vld [tilespmem:s11+$0x7250]  }
0xd8: {  	v20 =	vmul.f32 v20, v11;
	v4 =	vadd.f32 v17, v4;
	v2 =	vmul.f32 v2, v11;
	v17 =	vld [tilespmem:s11+$0x4E40]  }
0xd9: {  	v0 =	vmul.f32 v3, v0;
	v24 =	vld [tilespmem:s11+$0x4E00];
	v21 =	vmul.f32 v21, v6  }
0xda: {  	v3 =	vmul.f32 v22, v11;
	v2 =	vadd.f32 v8, v2;
	v8 =	vmul.f32 v14, v7;
	v14 =	vld [tilespmem:s11+$0x7240]  }
0xdb: {  	v5 =	vmul.f32 v5, v11;
	v4 =	vadd.f32 v21, v4;
	v21 =	vadd.f32 v0, v1;
	v1 =	vld [tilespmem:s11+$0x7270]  }
0xdc: {  	v13 =	vadd.f32 v13, v20;
	v11 =	vmul.f32 v16, v6;
	v8 =	vadd.f32 v8, v2;
	v0 =	vld [tilespmem:s11+$0x72B0]  }
0xdd: {  	v5 =	vadd.f32 v10, v5;
	[tilespmem:s11+$0x12610] =	vst v4;
	v4 =	vadd.f32 v12, v21;
	v10 =	vmul.f32 v17, v7;
	v2 =	vld [tilespmem:s11+$0x7290]  }
0xde: {  	v12 =	vmul.f32 v23, v6;
	v8 =	vadd.f32 v9, v8;
	v9 =	vadd.f32 v18, v13;
	v18 =	vld [tilespmem:s11+$0x6B0]  }
0xdf: {  	v3 =	vadd.f32 v19, v3;
	v7 =	vmul.f32 v24, v7;
	v5 =	vadd.f32 v10, v5;
	v16 =	vld [tilespmem:s11+$0x4EA0]  }
0xe0: {  	v4 =	vadd.f32 v11, v4;
	v6 =	vmul.f32 v14, v6;
	v9 =	vadd.f32 v12, v9;
	v11 =	vld [tilespmem:s11+$0x2AA0]  }
0xe1: {  	s18 =	sadd.s32 $0x1, s14;
	v3 =	vadd.f32 v7, v3;
	v10 =	vld [tilespmem:s11+$0x2A90]  }
0xe2: {  	v5 =	vadd.f32 v6, v5;
	v6 =	vmov s18;
	[tilespmem:s11+$0x12620] =	vst v8;
	v12 =	vld [tilespmem:s11+$0x4E60]  }
0xe3: {  	v3 =	vadd.f32 v15, v3;
	[tilespmem:s11+$0x12630] =	vst v4;
	v13 =	vld [tilespmem:s11+$0x6A0]  }
0xe4: {  	[tilespmem:s11+$0x12640] =	vst v5;
	v14 =	vld [tilespmem:s11+$0x2A60]  }
0xe5: {  	[tilespmem:s11+$0x12600] =	vst v3;
	v8 =	vld [tilespmem:s11+$0x670]  }
0xe6: {  	[tilespmem:s11+$0x12650] =	vst v9;
	v9 =	vld [tilespmem:s11+$0x660]  }
0xe7: {  	v7 =	vld.idx.msk [tilespmem:v6+s19+$0x0], $0xffff  }
0xe8: {  	v5 =	vld.idx.msk [tilespmem:v6+s21+$0x0], $0xffff  }
0xe9: {  	v4 =	vld.idx.msk [tilespmem:v6+s23+$0x0], $0xffff  }
0xea: {  	v3 =	vld.idx.msk [tilespmem:v6+s25+$0x0], $0xffff  }
0xeb: {  	v6 =	vld [tilespmem:s11+$0x2A80]  }
0xec: {  	v15 =	vld [tilespmem:s11+$0x4E90]  }
0xed: {  	v9 =	vmul.f32 v9, v7;
	v8 =	vmul.f32 v8, v7;
	v17 =	vld [tilespmem:s11+$0x7260]  }
0xee: {  	v20 =	vmul.f32 v13, v7;
	v14 =	vmul.f32 v14, v5;
	v19 =	vld [tilespmem:s11+$0x690]  }
0xef: {  	v21 =	vmul.f32 v10, v5;
	v13 =	vmul.f32 v12, v4;
	v22 =	vld [tilespmem:s11+$0x72A0]  }
0xf0: {  	v9 =	vadd.f32 v14, v9;
	v23 =	vld [tilespmem:s11+$0x2A70];
	v10 =	vmul.f32 v6, v5  }
.Ltmp0:
0xf1: {  	v6 =	vmul.f32 v11, v5;
	v14 =	vld [tilespmem:s11+$0x680];
	v12 =	vmul.f32 v15, v4;
	(pc) =	sbr.rel @p1 .LBB2_3-.Ltmp0, $4  }
0xf2: {  	v11 =	vadd.f32 v13, v9;
	v15 =	vmul.f32 v17, v3;
	v9 =	vld [tilespmem:s11+$0x2AB0]  }
0xf3: {  	v25 =	vmul.f32 v16, v4;
	v24 =	vadd.f32 v6, v20;
	v13 =	vld [tilespmem:s11+$0x4E80];
	v19 =	vmul.f32 v19, v7  }
0xf4: {  	v6 =	vadd.f32 v15, v11;
	v16 =	vld [tilespmem:s11+$0x4E70];
	v17 =	vmul.f32 v22, v3;
	v11 =	vmul.f32 v18, v7  }
0xf5: {  	s14 =	sadd.s32 $0x2, s14;
	v18 =	vmul.f32 v23, v5;
	v15 =	vld [tilespmem:s11+$0x7280];
	v20 =	vadd.f32 v21, v19;
	v19 =	vadd.f32 v25, v24  }
0xf6: {  	v7 =	vmul.f32 v14, v7;
	v14 =	vld [tilespmem:s11+$0x4EB0];
	_ =	sdelay $0x1  }
0xf7: {  	v2 =	vmul.f32 v2, v3;
	v12 =	vadd.f32 v12, v20;
	v5 =	vmul.f32 v9, v5  }
0xf8: {  	v8 =	vadd.f32 v18, v8;
	v7 =	vadd.f32 v10, v7;
	v10 =	vmul.f32 v13, v4  }
0xf9: {  	v13 =	vmul.f32 v16, v4;
	v2 =	vadd.f32 v2, v12;
	v5 =	vadd.f32 v5, v11  }
0xfa: {  	v7 =	vadd.f32 v10, v7;
	v9 =	vmul.f32 v15, v3;
	v4 =	vmul.f32 v14, v4  }
0xfb: {  	v1 =	vmul.f32 v1, v3;
	[tilespmem:s11+$0x12660] =	vst v6;
	v16 =	vadd.f32 v17, v19;
	v8 =	vadd.f32 v13, v8  }
0xfc: {  	v0 =	vmul.f32 v0, v3;
	[tilespmem:s11+$0x12690] =	vst v2;
	v7 =	vadd.f32 v9, v7;
	v2 =	vadd.f32 v4, v5  }
0xfd: {  	s12 =	sadd.s32 s4, s24;
	[tilespmem:s11+$0x126A0] =	vst v16;
	v1 =	vadd.f32 v1, v8  }
0xfe: {  	s12 =	smul.u32 $0xC, s12;
	[tilespmem:s11+$0x12680] =	vst v7;
	v0 =	vadd.f32 v0, v2  }
0xff: {  	s2 =	rddreg [dreg:$0x1];
	p1 =	seq.s32 s26, $0x17;
	[tilespmem:s11+$0x12670] =	vst v1  }
0x100: {  	s14 =	simm.s32 $0x12600;
	s12 =	sadd.s32 s2, s12;
	[tilespmem:s11+$0x126B0] =	vst v0;
	s11 =	sadd.s32 @!p1 s24, s17  }
0x101: {  	[hbm4b:s12+s3] =	stream.linear.scatter [tilespmem:s14], [sflag:$0x5], $0x2400, $0x38;
	[tilespmem:$0x16E00] =	vst v63  }
0x102: {  	s11 =	sshrl.u32 @!p1 s11, $0x3  }
0x103: {  	s14 =	simm.s32 @!p1 $0x0;
	s12 =	sadd.s32 @!p1 s6, s11  }
0x104: {  	[tilespmem:s14], [sflag:$0x1] =	stream.linear.gather @!p1 [hbm4b:s12+s14], $0x60, $0x38;
	[tilespmem:$0x16E00] =	vst v63  }
0x105: {  	s18 =	simm.s32 @!p1 $0x300;
	s12 =	sadd.s32 @!p1 s7, s11  }
0x106: {  	[tilespmem:s18], [sflag:$0x1] =	stream.linear.gather @!p1 [hbm4b:s12+s14], $0x60, $0x38;
	[tilespmem:$0x16E00] =	vst v63  }
0x107: {  	s12 =	sadd.s32 @!p1 $0x4800, s11  }
0x108: {  	s24 =	simm.s32 @!p1 $0x60;
	s18 =	sadd.s32 @!p1 s6, s12  }
0x109: {  	[tilespmem:s24], [sflag:$0x1] =	stream.linear.gather @!p1 [hbm4b:s18+s14], $0x60, $0x38;
	[tilespmem:$0x16E00] =	vst v63  }
0x10a: {  	s12 =	sadd.s32 @!p1 s7, s12;
	s18 =	simm.s32 @!p1 $0x360  }
0x10b: {  	[tilespmem:s18], [sflag:$0x1] =	stream.linear.gather @!p1 [hbm4b:s12+s14], $0x60, $0x38;
	[tilespmem:$0x16E00] =	vst v63  }
0x10c: {  	s12 =	sadd.s32 @!p1 $0x9000, s11  }
0x10d: {  	s2 =	simm.s32 @!p1 $0xC0;
	s18 =	sadd.s32 @!p1 s6, s12  }
0x10e: {  	[tilespmem:s2], [sflag:$0x1] =	stream.linear.gather @!p1 [hbm4b:s18+s14], $0x60, $0x38;
	[tilespmem:$0x16E00] =	vst v63  }
0x10f: {  	s11 =	sadd.s32 @!p1 $0xD800, s11;
	s12 =	sadd.s32 @!p1 s7, s12;
	s18 =	simm.s32 @!p1 $0x3C0  }
0x110: {  	[tilespmem:s18], [sflag:$0x1] =	stream.linear.gather @!p1 [hbm4b:s12+s14], $0x60, $0x38;
	[tilespmem:$0x16E00] =	vst v63  }
0x111: {  	s12 =	sadd.s32 @!p1 s6, s11;
	s18 =	simm.s32 @!p1 $0x120  }
0x112: {  	[tilespmem:s18], [sflag:$0x1] =	stream.linear.gather @!p1 [hbm4b:s12+s14], $0x60, $0x38;
	[tilespmem:$0x16E00] =	vst v63  }
0x113: {  	s11 =	sadd.s32 @!p1 s7, s11;
	s12 =	simm.s32 @!p1 $0x420  }
0x114: {  	[tilespmem:s12], [sflag:$0x1] =	stream.linear.gather @!p1 [hbm4b:s11+s14], $0x60, $0x38;
	[tilespmem:$0x16E00] =	vst v63  }
0x115: {  	s11 =	simm.s32 @!p1 $0x1  }
0x116: {  	_ =	swait.ge @!p1 [sflag:s11], $0x60  }
0x117: {  	[sflag:s11] =	ssyncset.done @!p1 $0x0  }
0x118: {  	[sflag:s11] =	ssyncadd.s32 @!p1 $0xFFFFFFA0  }
0x119: {  	_ =	swait.ge @!p1 [sflag:s11], $0x60  }
0x11a: {  	[sflag:s11] =	ssyncset.done @!p1 $0x0  }
0x11b: {  	[sflag:s11] =	ssyncadd.s32 @!p1 $0xFFFFFFA0  }
0x11c: {  	_ =	swait.ge @!p1 [sflag:s11], $0x60  }
0x11d: {  	[sflag:s11] =	ssyncset.done @!p1 $0x0  }
0x11e: {  	[sflag:s11] =	ssyncadd.s32 @!p1 $0xFFFFFFA0  }
0x11f: {  	_ =	swait.ge @!p1 [sflag:s11], $0x60  }
0x120: {  	[sflag:s11] =	ssyncset.done @!p1 $0x0  }
0x121: {  	[sflag:s11] =	ssyncadd.s32 @!p1 $0xFFFFFFA0  }
0x122: {  	_ =	swait.ge @!p1 [sflag:s11], $0x60  }
0x123: {  	[sflag:s11] =	ssyncset.done @!p1 $0x0  }
0x124: {  	[sflag:s11] =	ssyncadd.s32 @!p1 $0xFFFFFFA0  }
0x125: {  	_ =	swait.ge @!p1 [sflag:s11], $0x60  }
0x126: {  	[sflag:s11] =	ssyncset.done @!p1 $0x0  }
0x127: {  	[sflag:s11] =	ssyncadd.s32 @!p1 $0xFFFFFFA0  }
0x128: {  	_ =	swait.ge @!p1 [sflag:s11], $0x60  }
0x129: {  	[sflag:s11] =	ssyncset.done @!p1 $0x0  }
0x12a: {  	[sflag:s11] =	ssyncadd.s32 @!p1 $0xFFFFFFA0  }
0x12b: {  	_ =	swait.ge @!p1 [sflag:s11], $0x60  }
0x12c: {  	[sflag:s11] =	ssyncset.done @!p1 $0x0  }
0x12d: {  	[sflag:s11] =	ssyncadd.s32 @!p1 $0xFFFFFFA0;
	s11 =	simm.s32 @!p1 $0x600  }
0x12e: {  	[tilespmem:s11], [sflag:$0x3] =	stream.indirect.gather @!p1 [hbm4b:s5+s24], $0x60, s14, s24, $0xb8;
	[tilespmem:$0x16E00] =	vst v63  }
0x12f: {  	s11 =	simm.s32 @!p1 $0x2A00  }
0x130: {  	[tilespmem:s11], [sflag:$0x3] =	stream.indirect.gather @!p1 [hbm4b:s5+s24], $0x60, s24, s24, $0xb8;
	[tilespmem:$0x16E00] =	vst v63  }
0x131: {  	s11 =	simm.s32 @!p1 $0x4E00  }
0x132: {  	[tilespmem:s11], [sflag:$0x3] =	stream.indirect.gather @!p1 [hbm4b:s5+s24], $0x60, s2, s24, $0xb8;
	[tilespmem:$0x16E00] =	vst v63  }
0x133: {  	s2 =	simm.s32 @!p1 $0x7200  }
0x134: {  	[tilespmem:s2], [sflag:$0x3] =	stream.indirect.gather @!p1 [hbm4b:s5+s24], $0x60, s18, s24, $0xb8;
	[tilespmem:$0x16E00] =	vst v63  }
0x135: {  	_ =	swait.ge [sflag:s15], $0x2400  }
0x136: {  	[sflag:s15] =	ssyncset.done $0x0  }
0x137: {  	[sflag:s15] =	ssyncadd.s32 $0xFFFFDC00  }
0x138: {  	_ =	swait.ge [sflag:s15], $0x2400  }
0x139: {  	[sflag:s15] =	ssyncset.done $0x0  }
0x13a: {  	[sflag:s15] =	ssyncadd.s32 $0xFFFFDC00  }
0x13b: {  	_ =	swait.ge [sflag:s15], $0x2400  }
0x13c: {  	[sflag:s15] =	ssyncset.done $0x0  }
0x13d: {  	[sflag:s15] =	ssyncadd.s32 $0xFFFFDC00  }
0x13e: {  	_ =	swait.ge [sflag:s15], $0x2400  }
0x13f: {  	[sflag:s15] =	ssyncset.done $0x0  }
0x140: {  	s2 =	simm.s32 @!p0 $0x6;
	[sflag:s15] =	ssyncadd.s32 $0xFFFFDC00  }
0x141: {  	_ =	swait.ge @!p0 [sflag:s2], $0x2400  }
0x142: {  	[sflag:s2] =	ssyncset.done @!p0 $0x0  }
0x143: {  	s11 =	simm.s32 $0x0;
	[sflag:s2] =	ssyncadd.s32 @!p0 $0xFFFFDC00  }
0x144: {  	v0 =	vld [tilespmem:s11+$0xDE10]  }
0x145: {  	v3 =	vld [tilespmem:s11+$0x9650]  }
0x146: {  	v4 =	vld [tilespmem:s11+$0xBA50]  }
0x147: {  	s18 =	simm.s32 $0x0;
	v1 =	vld [tilespmem:s11+$0xDE30]  }
0x148: {  	v2 =	vmov s18;
	v5 =	vld [tilespmem:s11+$0x9610]  }
0x149: {  	v2 =	vand.u32 $0xFFFFFFFE, v2;
	v6 =	vld [tilespmem:s11+$0xBA00]  }
0x14a: {  	v2 =	vbroadcast v2, $0x0;
	v7 =	vld [tilespmem:s11+$0xBA40]  }
0x14b: {  	v8 =	vld [tilespmem:s11+$0xBA20]  }
0x14c: {  	v9 =	vld [tilespmem:s11+$0xBA30]  }
0x14d: {  	v10 =	vld [tilespmem:s11+$0x9630]  }
0x14e: {  	v11 =	vld [tilespmem:s11+$0xBA10]  }
0x14f: {  	v12 =	vld [tilespmem:s11+$0x9640]  }
0x150: {  	v13 =	vld.idx.msk [tilespmem:v2+s22+$0x0], $0xffff  }
0x151: {  	v14 =	vld.idx.msk [tilespmem:v2+s31+$0x0], $0xffff  }
0x152: {  	v15 =	vld.idx.msk [tilespmem:v2+s29+$0x0], $0xffff  }
0x153: {  	v16 =	vld.idx.msk [tilespmem:v2+s0+$0x0], $0xffff  }
0x154: {  	v2 =	vld [tilespmem:s11+$0xDE20]  }
0x155: {  	v17 =	vld [tilespmem:s11+$0x10200]  }
0x156: {  	v18 =	vld [tilespmem:s11+$0x10220]  }
0x157: {  	v20 =	vld [tilespmem:s11+$0x9620]  }
0x158: {  	v19 =	vld [tilespmem:s11+$0xDE50]  }
0x159: {  	v21 =	vld [tilespmem:s11+$0x10210]  }
0x15a: {  	v22 =	vld [tilespmem:s11+$0x9600];
	v5 =	vmul.f32 v5, v16;
	v11 =	vmul.f32 v11, v15  }
0x15b: {  	v23 =	vld [tilespmem:s11+$0x10230];
	v0 =	vmul.f32 v0, v14;
	v25 =	vmul.f32 v1, v14  }
0x15c: {  	v24 =	vld [tilespmem:s11+$0xDE40];
	v8 =	vmul.f32 v8, v15;
	v20 =	vmul.f32 v20, v16  }
0x15d: {  	v26 =	vld [tilespmem:s11+$0x10240];
	v10 =	vmul.f32 v10, v16;
	v9 =	vmul.f32 v9, v15;
	v5 =	vadd.f32 v11, v5  }
0x15e: {  	v62 =	vld [tilespmem:s11+$0xBA70];
	v6 =	vmul.f32 v6, v15;
	v7 =	vmul.f32 v7, v15  }
0x15f: {  	v18 =	vmul.f32 v18, v13;
	v4 =	vmul.f32 v4, v15;
	v0 =	vadd.f32 v0, v5;
	v5 =	vld [tilespmem:s11+$0xDE00]  }
0x160: {  	v1 =	vld [tilespmem:s11+$0x10270];
	v3 =	vmul.f32 v3, v16;
	v9 =	vadd.f32 v9, v10;
	v10 =	vmul.f32 v12, v16  }
0x161: {  	v15 =	vld [tilespmem:s11+$0x96B0];
	v8 =	vadd.f32 v8, v20;
	v20 =	vmul.f32 v2, v14;
	v12 =	vmul.f32 v22, v16  }
0x162: {  	v11 =	vld [tilespmem:s11+$0x10250];
	v3 =	vadd.f32 v4, v3;
	v7 =	vadd.f32 v7, v10;
	v10 =	vmul.f32 v24, v14  }
0x163: {  	v2 =	vld [tilespmem:s11+$0x10290];
	v4 =	vmul.f32 v19, v14;
	v8 =	vadd.f32 v20, v8;
	v6 =	vadd.f32 v6, v12  }
0x164: {  	v16 =	vld [tilespmem:s11+$0xDE60];
	v7 =	vadd.f32 v10, v7;
	v10 =	vmul.f32 v26, v13;
	v5 =	vmul.f32 v5, v14  }
0x165: {  	v19 =	vld [tilespmem:s11+$0x9690];
	v20 =	vmul.f32 v23, v13;
	v9 =	vadd.f32 v25, v9;
	v8 =	vadd.f32 v18, v8  }
0x166: {  	v21 =	vmul.f32 v21, v13;
	v12 =	vld [tilespmem:s11+$0xBA90];
	v5 =	vadd.f32 v5, v6;
	v6 =	vadd.f32 v10, v7  }
0x167: {  	s24 =	simm.s32 $0x1;
	v3 =	vadd.f32 v4, v3;
	v18 =	vld [tilespmem:s11+$0xBAA0];
	v9 =	vadd.f32 v20, v9;
	v4 =	vmul.f32 v11, v13;
	[tilespmem:s11+$0x14A20] =	vst v8  }
0x168: {  	v21 =	vadd.f32 v21, v0;
	v11 =	vld [tilespmem:s11+$0x9660];
	v8 =	vmul.f32 v17, v13;
	[tilespmem:s11+$0x14A40] =	vst v6;
	v6 =	vmov s24  }
0x169: {  	[tilespmem:s11+$0x14A30] =	vst v9;
	v9 =	vld [tilespmem:s11+$0x96A0];
	v3 =	vadd.f32 v4, v3  }
0x16a: {  	[tilespmem:s11+$0x14A10] =	vst v21;
	v13 =	vld [tilespmem:s11+$0xDE90];
	v5 =	vadd.f32 v8, v5  }
0x16b: {  	v10 =	vld [tilespmem:s11+$0x9670];
	[tilespmem:s11+$0x14A50] =	vst v3  }
0x16c: {  	v8 =	vld [tilespmem:s11+$0xBA60];
	[tilespmem:s11+$0x14A00] =	vst v5  }
0x16d: {  	v7 =	vld.idx.msk [tilespmem:v6+s0+$0x0], $0xffff  }
0x16e: {  	v5 =	vld.idx.msk [tilespmem:v6+s29+$0x0], $0xffff  }
0x16f: {  	v4 =	vld.idx.msk [tilespmem:v6+s31+$0x0], $0xffff  }
0x170: {  	v3 =	vld.idx.msk [tilespmem:v6+s22+$0x0], $0xffff  }
0x171: {  	v6 =	vld [tilespmem:s11+$0xBA80]  }
0x172: {  	v17 =	vld [tilespmem:s11+$0x10260]  }
0x173: {  	v21 =	vld [tilespmem:s11+$0xDEA0];
	v11 =	vmul.f32 v11, v7;
	v14 =	vmul.f32 v8, v5  }
0x174: {  	v22 =	vld [tilespmem:s11+$0x102A0];
	v8 =	vmul.f32 v10, v7;
	v20 =	vmul.f32 v9, v7  }
0x175: {  	v0 =	vld [tilespmem:s11+$0x102B0];
	v9 =	vmul.f32 v16, v4;
	v23 =	vmul.f32 v12, v5;
	v11 =	vadd.f32 v14, v11  }
0x176: {  	v10 =	vmul.f32 v6, v5;
	v6 =	vmul.f32 v18, v5;
	v14 =	vld [tilespmem:s11+$0x9680]  }
0x177: {  	v12 =	vmul.f32 v13, v4;
	v16 =	vmul.f32 v17, v3;
	v13 =	vld [tilespmem:s11+$0xDE80];
	v11 =	vadd.f32 v9, v11  }
0x178: {  	v19 =	vmul.f32 v19, v7;
	v21 =	vmul.f32 v21, v4;
	v63 =	vadd.f32 v6, v20;
	v9 =	vld [tilespmem:s11+$0xBAB0]  }
0x179: {  	v17 =	vmul.f32 v22, v3;
	v18 =	vmul.f32 v62, v5;
	v6 =	vadd.f32 v16, v11;
	v16 =	vld [tilespmem:s11+$0xDE70]  }
0x17a: {  	s12 =	simm.s32 $0x300;
	s14 =	simm.s32 $0x2;
	v20 =	vadd.f32 v23, v19;
	v19 =	vadd.f32 v21, v63;
	v11 =	vmul.f32 v15, v7;
	v15 =	vld [tilespmem:s11+$0x10280]  }
.LBB2_5:
0x17b: {  	v21 =	vmov s14;
	s2 =	sshra.s32 s12, $0x2;
	p0 =	sne.s32 s12, $0x8D00;
	s12 =	sadd.s32 $0x300, s12;
	v7 =	vmul.f32 v14, v7;
	v2 =	vmul.f32 v2, v3;
	v14 =	vld [tilespmem:s11+$0xDEB0]  }
0x17c: {  	v21 =	vand.u32 $0xFFFFFFFE, v21;
	v22 =	vld [tilespmem:s2+$0xDE10];
	v12 =	vadd.f32 v12, v20;
	v17 =	vadd.f32 v17, v19  }
0x17d: {  	v19 =	vbroadcast v21, $0x0;
	v20 =	vld [tilespmem:s2+$0x9650];
	v7 =	vadd.f32 v10, v7;
	v10 =	vmul.f32 v13, v4  }
0x17e: {  	v8 =	vadd.f32 v18, v8;
	v13 =	vld [tilespmem:s2+$0xBA50];
	v16 =	vmul.f32 v16, v4;
	v2 =	vadd.f32 v2, v12;
	[tilespmem:s11+$0x14AA0] =	vst v17  }
0x17f: {  	v5 =	vmul.f32 v9, v5;
	v12 =	vld [tilespmem:s2+$0xDE30];
	v7 =	vadd.f32 v10, v7;
	v10 =	vmul.f32 v15, v3  }
0x180: {  	v1 =	vmul.f32 v1, v3;
	v9 =	vld [tilespmem:s2+$0x9610];
	v8 =	vadd.f32 v16, v8;
	[tilespmem:s11+$0x14A90] =	vst v2  }
0x181: {  	v5 =	vadd.f32 v5, v11;
	v4 =	vmul.f32 v14, v4;
	v2 =	vld [tilespmem:s2+$0xBA00];
	v7 =	vadd.f32 v10, v7  }
0x182: {  	v10 =	vld [tilespmem:s2+$0xBA40];
	v1 =	vadd.f32 v1, v8  }
0x183: {  	v0 =	vmul.f32 v0, v3;
	v4 =	vadd.f32 v4, v5;
	v8 =	vld [tilespmem:s2+$0xBA20];
	[tilespmem:s11+$0x14A80] =	vst v7  }
0x184: {  	v3 =	vld [tilespmem:s2+$0xBA30];
	[tilespmem:s11+$0x14A70] =	vst v1  }
0x185: {  	v0 =	vadd.f32 v0, v4;
	v1 =	vld [tilespmem:s2+$0x9630]  }
0x186: {  	v4 =	vld [tilespmem:s2+$0xBA10];
	[tilespmem:s11+$0x14A60] =	vst v6  }
0x187: {  	v5 =	vld [tilespmem:s2+$0x9640];
	[tilespmem:s11+$0x14AB0] =	vst v0;
	s11 =	smov.u32 s2  }
0x188: {  	v6 =	vld.idx.msk [tilespmem:v19+s22+$0x0], $0xffff  }
0x189: {  	v7 =	vld.idx.msk [tilespmem:v19+s31+$0x0], $0xffff  }
0x18a: {  	v0 =	vld.idx.msk [tilespmem:v19+s29+$0x0], $0xffff  }
0x18b: {  	v11 =	vld.idx.msk [tilespmem:v19+s0+$0x0], $0xffff  }
0x18c: {  	v14 =	vld [tilespmem:s11+$0xDE20]  }
0x18d: {  	v15 =	vld [tilespmem:s11+$0x10200]  }
0x18e: {  	v16 =	vld [tilespmem:s11+$0x10220]  }
0x18f: {  	v17 =	vmul.f32 v22, v7;
	v12 =	vmul.f32 v12, v7;
	v18 =	vld [tilespmem:s11+$0xDE50]  }
0x190: {  	v19 =	vmul.f32 v2, v0;
	v8 =	vmul.f32 v8, v0;
	v2 =	vld [tilespmem:s11+$0x9620]  }
0x191: {  	v4 =	vmul.f32 v4, v0;
	v9 =	vmul.f32 v9, v11;
	v21 =	vld [tilespmem:s11+$0x10210]  }
0x192: {  	v10 =	vmul.f32 v10, v0;
	v22 =	vld [tilespmem:s11+$0x9600];
	v15 =	vmul.f32 v15, v6  }
0x193: {  	v1 =	vmul.f32 v1, v11;
	v4 =	vadd.f32 v4, v9;
	v9 =	vmul.f32 v16, v6;
	v16 =	vld [tilespmem:s11+$0x10230]  }
0x194: {  	v13 =	vmul.f32 v13, v0;
	v18 =	vmul.f32 v18, v7;
	v23 =	vld [tilespmem:s11+$0x10250]  }
0x195: {  	v20 =	vmul.f32 v20, v11;
	v4 =	vadd.f32 v17, v4;
	v2 =	vmul.f32 v2, v11;
	v17 =	vld [tilespmem:s11+$0xDE40]  }
0x196: {  	v0 =	vmul.f32 v3, v0;
	v24 =	vld [tilespmem:s11+$0xDE00];
	v21 =	vmul.f32 v21, v6  }
0x197: {  	v3 =	vmul.f32 v22, v11;
	v2 =	vadd.f32 v8, v2;
	v8 =	vmul.f32 v14, v7;
	v14 =	vld [tilespmem:s11+$0x10240]  }
0x198: {  	v5 =	vmul.f32 v5, v11;
	v4 =	vadd.f32 v21, v4;
	v21 =	vadd.f32 v0, v1;
	v1 =	vld [tilespmem:s11+$0x10270]  }
0x199: {  	v13 =	vadd.f32 v13, v20;
	v11 =	vmul.f32 v16, v6;
	v8 =	vadd.f32 v8, v2;
	v0 =	vld [tilespmem:s11+$0x102B0]  }
0x19a: {  	v5 =	vadd.f32 v10, v5;
	[tilespmem:s11+$0x14A10] =	vst v4;
	v4 =	vadd.f32 v12, v21;
	v10 =	vmul.f32 v17, v7;
	v2 =	vld [tilespmem:s11+$0x10290]  }
0x19b: {  	v12 =	vmul.f32 v23, v6;
	v8 =	vadd.f32 v9, v8;
	v9 =	vadd.f32 v18, v13;
	v18 =	vld [tilespmem:s11+$0x96B0]  }
0x19c: {  	v3 =	vadd.f32 v19, v3;
	v7 =	vmul.f32 v24, v7;
	v5 =	vadd.f32 v10, v5;
	v16 =	vld [tilespmem:s11+$0xDEA0]  }
0x19d: {  	v4 =	vadd.f32 v11, v4;
	v6 =	vmul.f32 v14, v6;
	v9 =	vadd.f32 v12, v9;
	v11 =	vld [tilespmem:s11+$0xBAA0]  }
0x19e: {  	s2 =	sadd.s32 $0x1, s14;
	v3 =	vadd.f32 v7, v3;
	v10 =	vld [tilespmem:s11+$0xBA90]  }
0x19f: {  	v5 =	vadd.f32 v6, v5;
	v6 =	vmov s2;
	[tilespmem:s11+$0x14A20] =	vst v8;
	v12 =	vld [tilespmem:s11+$0xDE60]  }
0x1a0: {  	v3 =	vadd.f32 v15, v3;
	[tilespmem:s11+$0x14A30] =	vst v4;
	v13 =	vld [tilespmem:s11+$0x96A0]  }
0x1a1: {  	[tilespmem:s11+$0x14A40] =	vst v5;
	v14 =	vld [tilespmem:s11+$0xBA60]  }
0x1a2: {  	[tilespmem:s11+$0x14A00] =	vst v3;
	v8 =	vld [tilespmem:s11+$0x9670]  }
0x1a3: {  	[tilespmem:s11+$0x14A50] =	vst v9;
	v9 =	vld [tilespmem:s11+$0x9660]  }
0x1a4: {  	v7 =	vld.idx.msk [tilespmem:v6+s0+$0x0], $0xffff  }
0x1a5: {  	v5 =	vld.idx.msk [tilespmem:v6+s29+$0x0], $0xffff  }
0x1a6: {  	v4 =	vld.idx.msk [tilespmem:v6+s31+$0x0], $0xffff  }
0x1a7: {  	v3 =	vld.idx.msk [tilespmem:v6+s22+$0x0], $0xffff  }
0x1a8: {  	v6 =	vld [tilespmem:s11+$0xBA80]  }
0x1a9: {  	v15 =	vld [tilespmem:s11+$0xDE90]  }
0x1aa: {  	v9 =	vmul.f32 v9, v7;
	v8 =	vmul.f32 v8, v7;
	v17 =	vld [tilespmem:s11+$0x10260]  }
0x1ab: {  	v20 =	vmul.f32 v13, v7;
	v14 =	vmul.f32 v14, v5;
	v19 =	vld [tilespmem:s11+$0x9690]  }
0x1ac: {  	v21 =	vmul.f32 v10, v5;
	v13 =	vmul.f32 v12, v4;
	v22 =	vld [tilespmem:s11+$0x102A0]  }
0x1ad: {  	v9 =	vadd.f32 v14, v9;
	v23 =	vld [tilespmem:s11+$0xBA70];
	v10 =	vmul.f32 v6, v5  }
.Ltmp1:
0x1ae: {  	v6 =	vmul.f32 v11, v5;
	v14 =	vld [tilespmem:s11+$0x9680];
	v12 =	vmul.f32 v15, v4;
	(pc) =	sbr.rel @p0 .LBB2_5-.Ltmp1, $4  }
0x1af: {  	v11 =	vadd.f32 v13, v9;
	v15 =	vmul.f32 v17, v3;
	v9 =	vld [tilespmem:s11+$0xBAB0]  }
0x1b0: {  	v25 =	vmul.f32 v16, v4;
	v24 =	vadd.f32 v6, v20;
	v13 =	vld [tilespmem:s11+$0xDE80];
	v19 =	vmul.f32 v19, v7  }
0x1b1: {  	v6 =	vadd.f32 v15, v11;
	v16 =	vld [tilespmem:s11+$0xDE70];
	v17 =	vmul.f32 v22, v3;
	v11 =	vmul.f32 v18, v7  }
0x1b2: {  	s14 =	sadd.s32 $0x2, s14;
	v18 =	vmul.f32 v23, v5;
	v15 =	vld [tilespmem:s11+$0x10280];
	v20 =	vadd.f32 v21, v19;
	v19 =	vadd.f32 v25, v24  }
0x1b3: {  	v57 =	vld [tilespmem:s11+$0xDEB0]  }
0x1b4: {  	v7 =	vmul.f32 v14, v7  }
0x1b5: {  	v2 =	vmul.f32 v2, v3;
	v12 =	vadd.f32 v12, v20;
	v5 =	vmul.f32 v9, v5  }
0x1b6: {  	v8 =	vadd.f32 v18, v8;
	v7 =	vadd.f32 v10, v7;
	v58 =	vmul.f32 v13, v4  }
0x1b7: {  	v60 =	vadd.f32 v17, v19;
	v59 =	vmul.f32 v16, v4;
	v5 =	vadd.f32 v5, v11  }
0x1b8: {  	v7 =	vadd.f32 v58, v7;
	v61 =	vmul.f32 v15, v3;
	v62 =	vmul.f32 v57, v4  }
0x1b9: {  	v1 =	vmul.f32 v1, v3;
	[tilespmem:s11+$0x14A60] =	vst v6;
	s26 =	sadd.s32 $0x1, s26;
	v2 =	vadd.f32 v2, v12;
	v8 =	vadd.f32 v59, v8  }
0x1ba: {  	v0 =	vmul.f32 v0, v3;
	p0 =	sne.s32 s26, $0x18;
	[tilespmem:s11+$0x14AA0] =	vst v60;
	v7 =	vadd.f32 v61, v7;
	v63 =	vadd.f32 v62, v5  }
.Ltmp2:
0x1bb: {  	[tilespmem:s11+$0x14A90] =	vst v2;
	v1 =	vadd.f32 v1, v8;
	(pc) =	sbr.rel @p0 .LBB2_2-.Ltmp2, $4  }
0x1bc: {  	s2 =	smul.u32 $0xC, s10;
	[tilespmem:s11+$0x14A80] =	vst v7;
	v0 =	vadd.f32 v0, v63  }
0x1bd: {  	s18 =	rddreg [dreg:$0x1];
	[tilespmem:s11+$0x14A70] =	vst v1  }
0x1be: {  	s24 =	simm.s32 $0x14A00;
	s2 =	sadd.s32 s18, s2;
	[tilespmem:s11+$0x14AB0] =	vst v0  }
0x1bf: {  	[hbm4b:s2+s3] =	stream.linear.scatter [tilespmem:s24], [sflag:$0x6], $0x2400, $0x38;
	[tilespmem:$0x16E00] =	vst v63  }
0x1c0: {  	s2 =	simm.s32 $0x5  }
0x1c1: {  	_ =	swait.ge [sflag:s2], $0x2400  }
0x1c2: {  	[sflag:s2] =	ssyncset.done $0x0  }
0x1c3: {  	s10 =	simm.s32 $0x6;
	[sflag:s2] =	ssyncadd.s32 $0xFFFFDC00  }
0x1c4: {  	_ =	swait.ge [sflag:s10], $0x2400  }
0x1c5: {  	s11 =	rddreg [dreg:$0xc]  }
0x1c6: {  	s26 =	rddreg [dreg:$0xb];
	s11 =	sadd.s32 $0x1, s11  }
0x1c7: {  	p0 =	sne.s32 s11, s26  }
.Ltmp3:
0x1c8: {  	_ = 	snop;
	(pc) =	sbr.rel @p0 .LBB2_1-.Ltmp3, $3  }
0x1c9: {  	_ =	sdelay $0x1  }
0x1ca: {  	[sflag:s10] =	ssyncset.done $0x0  }
0x1cb: {  	[sflag:s10] =	ssyncadd.s32 $0xFFFFDC00  }
0x1cc: {  	_ =	sfence.sel $0x180000  }
0x1cd: {  	[bflag:$0x0] =	sbarrier.arrive $0xFFFF  }
0x1ce: {  	_ =	strace $0x90000047  }
0x1cf: {  	s0 =	stileid.u32;
	[bflag:$0x2] =	sbarrier.arrive $0xFFFF  }
0x1d0: {  	p0 =	sne.s32 s0, $0x0;
	s0 =	rddreg [dreg:$0x2]  }
0x1d1: {  	s0 =	sadd.s32 @!p0 $0x100000, s0  }
0x1d2: {  	[sflag:s0] =	ssyncadd.tile.s32 @!p0 $0x1;
	_ =	shalt  }
.Lfunc_end2:
_tile_overlayer_lowered:
.L_overlay_start_2:
0x1d3: {  	(tag) =	ssettag $0x2  }
0x1d4: {  	s0 =	rddreg [dreg:$0x0];
	s2 =	stileid.u32  }
0x1d5: {  	s1 =	rddreg [dreg:$0x1];
	p0 =	sne.s32 s2, $0x0  }
0x1d6: {  	s3 =	rddreg [dreg:$0x2];
	[bflag:$0x3] =	sbarrier.arrive $0xFFFF;
	s2 =	simm.s32 @!p0 $0x1C07  }
0x1d7: {  	[timem:s3], [sflag:s2] =	dma.local @!p0 [hbm:s0], s1  }
0x1d8: {  	s0 =	simm.s32 @!p0 $0x7  }
0x1d9: {  	_ =	swait.ge @!p0 [sflag:s0], s1  }
0x1da: {  	s1 =	ssub.s32 @!p0 $0x0, s1;
	[sflag:s0] =	ssyncset.done @!p0 $0x0  }
0x1db: {  	[sflag:s0] =	ssyncadd.s32 @!p0 s1  }
0x1dc: {  	[bflag:$0x3] =	sbarrier.arrive $0xFFFF  }
0x1dd: {  	_ =	shalt  }

</sc_bundles>
